<compile_context>
chip_gen: v7x
topology: tpu7x:2x2x1
jax: 0.10.2.dev20260603
libtpu: 0.0.44.dev20260713+nightly
codegen_flags: <defaults>
</compile_context>

<pallas_src>
import functools

import jax
import jax.numpy as jnp
from jax import lax
from jax.experimental import pallas as pl
from jax.experimental.pallas import tpu as pltpu
from jax.experimental.pallas import tpu_sc as plsc

B = 2
N = 256
K = 30
H = 128
ODIM = 400
NL = 3
NK = N * K
BNK = B * NK

RB = 128
RK = RB * K
NBLK = N // RB

NWRK = 32
RPW = BNK // NWRK
CH = 4
CHK = RPW // CH

RD = 3840


def _feat_body(xt_ref, xca_ref,
               wnode_ref, bnode_ref, gnode_ref, bnnode_ref,
               wv_ref, bv_ref,
               hv_out, eidx_out, eidxf_out, dnb_out):
    xt = xt_ref[0]
    xca = xca_ref[0]

    def row(r):
        return xt[r:r + 1, :]

    d0 = [row(3 + c) - row(0 + c) for c in range(3)]
    d1 = [row(6 + c) - row(3 + c) for c in range(3)]
    d2 = [pltpu.roll(row(0 + c), N - 1, 1) - row(6 + c) for c in range(3)]

    def norm3(v):
        n = jnp.sqrt(v[0] * v[0] + v[1] * v[1] + v[2] * v[2])
        n = jnp.maximum(n, 1e-12)
        return [v[0] / n, v[1] / n, v[2] / n]

    u0 = norm3(d0)
    u1 = norm3(d1)
    u2 = norm3(d2)
    u2m = [pltpu.roll(u2[c], 1, 1) for c in range(3)]
    u0p = [pltpu.roll(u0[c], N - 1, 1) for c in range(3)]

    def cross(a, b):
        return [a[1] * b[2] - a[2] * b[1],
                a[2] * b[0] - a[0] * b[2],
                a[0] * b[1] - a[1] * b[0]]

    def dot3(a, b):
        return a[0] * b[0] + a[1] * b[1] + a[2] * b[2]

    def dihed(ua, ub, uc):
        n2 = norm3(cross(ua, ub))
        n1 = norm3(cross(ub, uc))
        cosd = jnp.clip(dot3(n2, n1), -1.0 + 1e-7, 1.0 - 1e-7)
        sgn = jnp.sign(dot3(ua, n1))
        return cosd, sgn * jnp.sqrt(1.0 - cosd * cosd)

    c0, s0 = dihed(u2m, u0, u1)
    c1, s1 = dihed(u0, u1, u2)
    c2, s2 = dihed(u1, u2, u0p)
    lanef = lax.broadcasted_iota(jnp.int32, (1, N), 1).astype(jnp.float32)
    first = lanef < 0.5
    last = lanef > (N - 1.5)
    one = jnp.float32(1.0)
    zero = jnp.float32(0.0)
    c0 = jnp.where(first, one, c0)
    s0 = jnp.where(first, zero, s0)
    c1 = jnp.where(last, one, c1)
    s1 = jnp.where(last, zero, s1)
    c2 = jnp.where(last, one, c2)
    s2 = jnp.where(last, zero, s2)
    v6 = jnp.concatenate([c0, c1, c2, s0, s1, s2], 0)

    mmT = lambda a, b: lax.dot_general(
        a, b, (((0,), (0,)), ((), ())), preferred_element_type=jnp.float32)
    mm = lambda a, b: lax.dot_general(
        a, b, (((1,), (0,)), ((), ())), preferred_element_type=jnp.float32)

    hv = mmT(v6, wnode_ref[...]) + bnode_ref[...]
    mu = jnp.mean(hv, -1, keepdims=True)
    var = jnp.mean((hv - mu) ** 2, -1, keepdims=True)
    hvn = gnode_ref[...] * (hv - mu) / jnp.sqrt(var + 1e-6) + bnnode_ref[...]
    hv_out[0] = mm(hvn, wv_ref[...]) + bv_ref[...]

    acc = None
    for c in range(3):
        dc = xca[:, c:c + 1] - xt[3 + c:4 + c, :]
        acc = dc * dc if acc is None else acc + dc * dc
    cur = jnp.sqrt(acc + 1e-6)
    lanei = lax.broadcasted_iota(jnp.int32, (N, N), 1)
    idx_cols = []
    val_cols = []
    for _ in range(K):
        mval = jnp.min(cur, -1, keepdims=True)
        cand = jnp.where(cur == mval, lanei, N)
        idxc = jnp.min(cand, -1, keepdims=True)
        idx_cols.append(idxc)
        val_cols.append(mval)
        cur = jnp.where(lanei == idxc, jnp.float32(jnp.inf), cur)
    eidx = jnp.concatenate(idx_cols, 1)
    eidx_out[0] = eidx
    eidxf_out[0] = eidx.astype(jnp.float32)
    dnb_out[0] = jnp.concatenate(val_cols, 1)


def _layers_body(hv_ref, hvloc_ref, eidxf_ref, jf_ref, if_ref, dnb_ref, *refs):
    wrefs = refs[:-2]
    he_out, r_out = refs[-2], refs[-1]
    hV = hv_ref[0]
    hVloc = hvloc_ref[0]
    eidxf = eidxf_ref[0]
    jF = jf_ref[0]
    iF = if_ref[0]
    dnb = dnb_ref[0]

    mm = lambda a, b: lax.dot_general(
        a, b, (((1,), (0,)), ((), ())), preferred_element_type=jnp.float32)

    lane_n = lax.broadcasted_iota(jnp.int32, (RK, N), 1).astype(jnp.float32)
    oh_j = (jF == lane_n).astype(jnp.float32)
    base = (pl.program_id(1) * RB).astype(jnp.float32)
    lane_rb = lax.broadcasted_iota(jnp.int32, (RK, RB), 1).astype(jnp.float32)
    oh_i = ((iF - base) == lane_rb).astype(jnp.float32)
    h_j = mm(oh_j, hV)
    h_i = mm(oh_i, hVloc)

    lane16 = lax.broadcasted_iota(jnp.int32, (1, 16), 1).astype(jnp.float32)
    mu_rbf = lane16 * jnp.float32(20.0 / 15.0)
    rbf = jnp.exp(-(((dnb - mu_rbf) * jnp.float32(16.0 / 20.0)) ** 2))
    lane8 = lax.broadcasted_iota(jnp.int32, (1, 8), 1).astype(jnp.float32)
    freq = jnp.exp(lane8 * 2.0 * jnp.float32(-jnp.log(10000.0) / 16.0))
    ang = (jF - iF) * freq

    def lnorm(x, g, b):
        mu = jnp.mean(x, -1, keepdims=True)
        var = jnp.mean((x - mu) ** 2, -1, keepdims=True)
        return g * (x - mu) / jnp.sqrt(var + 1e-6) + b

    wi = iter(wrefs)
    nxt = lambda: next(wi)[...]
    wc, ws, wr, be = nxt(), nxt(), nxt(), nxt()
    hE = mm(jnp.cos(ang), wc) + mm(jnp.sin(ang), ws) + mm(rbf, wr) + be
    hE = lnorm(hE, nxt(), nxt())
    hE = mm(hE, nxt()) + nxt()

    g_rows = mm(oh_j, eidxf)
    kline = lax.broadcasted_iota(jnp.int32, (1, K), 1).astype(jnp.float32) + 1.0
    matchv = jnp.where(jnp.abs(g_rows - iF) < 0.5, kline, 0.0)
    rq = jnp.sum(matchv, -1, keepdims=True)
    bF = (pl.program_id(0) * NK).astype(jnp.float32)
    eglob = (bF + (pl.program_id(1) * RK).astype(jnp.float32)
             + lax.broadcasted_iota(jnp.int32, (RK, 1), 0).astype(jnp.float32))
    rev = bF + jF * jnp.float32(K) + rq - 1.0
    r_out[...] = jnp.where(rq > 0.5, rev, eglob).astype(jnp.int32)

    for _ in range(NL):
        w1i, w1j, w1e, b1, w2, b2, w3, b3 = (nxt(), nxt(), nxt(), nxt(),
                                             nxt(), nxt(), nxt(), nxt())
        g0, bb0 = nxt(), nxt()
        fi, bfi, fo, bfo = nxt(), nxt(), nxt(), nxt()
        g1, bb1 = nxt(), nxt()
        m = jnp.maximum(mm(h_i, w1i) + mm(h_j, w1j) + mm(hE, w1e) + b1, 0.0)
        m = jnp.maximum(mm(m, w2) + b2, 0.0)
        m = mm(m, w3) + b3
        hE = lnorm(hE + m, g0, bb0)
        dh = mm(jnp.maximum(mm(hE, fi) + bfi, 0.0), fo) + bfo
        hE = lnorm(hE + dh, g1, bb1)
    he_out[...] = hE


def _merge_body(h_hbm, idx_hbm, out_hbm, idx_v, gath_v, sem):
    nc = plsc.get_sparse_core_info().num_cores
    wid = lax.axis_index("s") * nc + lax.axis_index("c")
    pltpu.sync_copy(idx_hbm.at[wid], idx_v)
    for c in range(CH):
        base = wid * RPW + c * CHK
        pltpu.async_copy(h_hbm.at[idx_v.at[c]], gath_v, sem).wait()
        pltpu.sync_copy(gath_v, out_hbm.at[pl.ds(base, CHK)])


def _wout_body(x_ref, g_ref, w_ref, b_ref, o_ref):
    o_ref[...] = lax.dot_general(
        (x_ref[...] + g_ref[...]) * 0.5, w_ref[...],
        (((1,), (0,)), ((), ())),
        preferred_element_type=jnp.float32) + b_ref[...]


def _full(shape):
    nd = len(shape)
    return pl.BlockSpec(shape, lambda *_: (0,) * nd)


def _batched(shape):
    nd = len(shape)
    return pl.BlockSpec((1,) + shape[1:], lambda b, *_: (b,) + (0,) * (nd - 1))


def kernel(X, x_mask, params):
    p = params
    f32 = jnp.float32
    Xf = X.reshape(B, N, 12)
    Xt = Xf.transpose(0, 2, 1)
    Xca = X[:, :, 1, :]

    feat = pl.pallas_call(
        _feat_body,
        grid=(B,),
        in_specs=[
            _batched((B, 12, N)), _batched((B, N, 3)),
            _full((6, H)), _full((1, H)), _full((1, H)), _full((1, H)),
            _full((H, H)), _full((1, H)),
        ],
        out_specs=[
            _batched((B, N, H)), _batched((B, N, K)),
            _batched((B, N, K)), _batched((B, N, K)),
        ],
        out_shape=[
            jax.ShapeDtypeStruct((B, N, H), f32),
            jax.ShapeDtypeStruct((B, N, K), jnp.int32),
            jax.ShapeDtypeStruct((B, N, K), f32),
            jax.ShapeDtypeStruct((B, N, K), f32),
        ],
    )
    hV, Eidx, EidxF, Dnb = feat(
        Xt, Xca,
        p['node_emb_w'].T, p['node_emb_b'].reshape(1, H),
        p['norm_nodes_g'].reshape(1, H), p['norm_nodes_b'].reshape(1, H),
        p['W_v_w'].T, p['W_v_b'].reshape(1, H))

    jF = EidxF.reshape(B, NK, 1)
    iF = jnp.broadcast_to(
        jnp.arange(N, dtype=f32)[None, :, None, None], (B, N, K, 1)
    ).reshape(B, NK, 1)
    dnbf = Dnb.reshape(B, NK, 1)

    w_edge = p['edge_emb_w'].T
    wlist = [w_edge[0:8], w_edge[8:16], w_edge[16:32],
             p['edge_emb_b'].reshape(1, H),
             p['norm_edges_g'].reshape(1, H), p['norm_edges_b'].reshape(1, H),
             p['W_e_w'].T, p['W_e_b'].reshape(1, H)]
    for l in range(NL):
        w1 = p[f'l{l}_W1_w'].T
        wlist += [w1[0:H], w1[H:2 * H], w1[2 * H:3 * H],
                  p[f'l{l}_W1_b'].reshape(1, H),
                  p[f'l{l}_W2_w'].T, p[f'l{l}_W2_b'].reshape(1, H),
                  p[f'l{l}_W3_w'].T, p[f'l{l}_W3_b'].reshape(1, H),
                  p[f'l{l}_norm0_g'].reshape(1, H), p[f'l{l}_norm0_b'].reshape(1, H),
                  p[f'l{l}_ff_in_w'].T, p[f'l{l}_ff_in_b'].reshape(1, 4 * H),
                  p[f'l{l}_ff_out_w'].T, p[f'l{l}_ff_out_b'].reshape(1, H),
                  p[f'l{l}_norm1_g'].reshape(1, H), p[f'l{l}_norm1_b'].reshape(1, H)]

    layers = pl.pallas_call(
        _layers_body,
        grid=(B, NBLK),
        in_specs=[
            pl.BlockSpec((1, N, H), lambda b, r: (b, 0, 0)),
            pl.BlockSpec((1, RB, H), lambda b, r: (b, r, 0)),
            pl.BlockSpec((1, N, K), lambda b, r: (b, 0, 0)),
            pl.BlockSpec((1, RK, 1), lambda b, r: (b, r, 0)),
            pl.BlockSpec((1, RK, 1), lambda b, r: (b, r, 0)),
            pl.BlockSpec((1, RK, 1), lambda b, r: (b, r, 0)),
        ] + [_full(w.shape) for w in wlist],
        out_specs=[
            pl.BlockSpec((RK, H), lambda b, r: (b * NBLK + r, 0)),
            pl.BlockSpec((RK, 1), lambda b, r: (b * NBLK + r, 0)),
        ],
        out_shape=[
            jax.ShapeDtypeStruct((BNK, H), f32),
            jax.ShapeDtypeStruct((BNK, 1), jnp.int32),
        ],
    )
    h_flat, r = layers(hV, hV, EidxF, jF, iF, dnbf, *wlist)

    r3 = r.reshape(NWRK, CH, CHK)

    merge = pl.kernel(
        _merge_body,
        out_type=jax.ShapeDtypeStruct((BNK, H), f32),
        mesh=plsc.VectorSubcoreMesh(core_axis_name="c", subcore_axis_name="s"),
        scratch_types=[
            pltpu.VMEM((CH, CHK), jnp.int32),
            pltpu.VMEM((CHK, H), f32),
            pltpu.SemaphoreType.DMA,
        ],
    )
    gathered = merge(h_flat, r3)

    wout = pl.pallas_call(
        _wout_body,
        grid=(BNK // RD,),
        in_specs=[
            pl.BlockSpec((RD, H), lambda g: (g, 0)),
            pl.BlockSpec((RD, H), lambda g: (g, 0)),
            _full((H, ODIM)), _full((1, ODIM)),
        ],
        out_specs=pl.BlockSpec((RD, ODIM), lambda g: (g, 0)),
        out_shape=jax.ShapeDtypeStruct((BNK, ODIM), f32),
    )
    h_out = wout(h_flat, gathered, p['W_out_w'].T, p['W_out_b'].reshape(1, ODIM))
    return h_out.reshape(B, N, K, ODIM), Eidx

# --- scband reference (transcript-rebuilt; emitter-appended) ---
"""Pipeline reference for scband-pair-energies-18296560681555 (READ-ONLY COPY).

The authoritative reference and input builder live on the scoring server;
editing this copy changes nothing except your own understanding.
"""

import jax, jax.numpy as jnp
import numpy as np

HDIM=128; K_NEI=30; OUT_DIM=400; N_LAYERS=3; PE_DIM=16; RBF_DIM=16; B=2; N=256

def linear(x,w,b):
    return x @ w.T + b

def layer_norm(x,g,b,eps=1e-6):
    mu=jnp.mean(x,-1,keepdims=True)
    var=jnp.mean((x-mu)**2,-1,keepdims=True)
    return g*(x-mu)/jnp.sqrt(var+eps)+b

def gather_nodes(nodes,E_idx):
    return jax.vmap(lambda n,i: n[i])(nodes,E_idx)

def dihedrals(X,eps=1e-7):
    Bn,Nn=X.shape[0],X.shape[1]
    Xb=X[:,:,:3,:].reshape(Bn,3*Nn,3)
    dX=Xb[:,1:,:]-Xb[:,:-1,:]
    U=dX/jnp.maximum(jnp.linalg.norm(dX,axis=-1,keepdims=True),1e-12)
    u2,u1,u0=U[:,:-2,:],U[:,1:-1,:],U[:,2:,:]
    nrm=lambda v: v/jnp.maximum(jnp.linalg.norm(v,axis=-1,keepdims=True),1e-12)
    n2=nrm(jnp.cross(u2,u1)); n1=nrm(jnp.cross(u1,u0))
    cosD=jnp.clip(jnp.sum(n2*n1,-1),-1+eps,1-eps)
    Dang=jnp.sign(jnp.sum(u2*n1,-1))*jnp.arccos(cosD)
    Dang=jnp.pad(Dang,((0,0),(1,2)))
    Dang=Dang.reshape(Bn,Nn,3)
    return jnp.concatenate([jnp.cos(Dang),jnp.sin(Dang)],-1)

def protein_features(X,mask,p):
    Bn,Nn=X.shape[0],X.shape[1]
    X_ca=X[:,:,1,:]
    m2=mask[:,:,None]*mask[:,None,:]
    dX=X_ca[:,:,None,:]-X_ca[:,None,:,:]
    D=m2*jnp.sqrt(jnp.sum(dX**2,-1)+1e-6)
    D_adjust=D+(1.0-m2)*jnp.max(D,-1,keepdims=True)
    negD,E_idx=jax.lax.top_k(-D_adjust,min(K_NEI,Nn))
    D_nb=-negD
    D_mu=jnp.linspace(0.0,20.0,RBF_DIM); D_sigma=20.0/RBF_DIM
    RBF=jnp.exp(-((D_nb[...,None]-D_mu)/D_sigma)**2)
    ii=jnp.arange(Nn,dtype=jnp.float32)[None,:,None]
    d=(E_idx.astype(jnp.float32)-ii)[...,None]
    freq=jnp.exp(jnp.arange(0,PE_DIM,2,dtype=jnp.float32)*(-np.log(10000.0)/PE_DIM))
    ang=d*freq
    E_pos=jnp.concatenate([jnp.cos(ang),jnp.sin(ang)],-1)
    E=jnp.concatenate([E_pos,RBF],-1)
    V=dihedrals(X)
    V=layer_norm(linear(V,p['node_emb_w'],p['node_emb_b']),p['norm_nodes_g'],p['norm_nodes_b'])
    E=layer_norm(linear(E,p['edge_emb_w'],p['edge_emb_b']),p['norm_edges_g'],p['norm_edges_b'])
    return V,E,E_idx

def cat_edge_endpoints(h_E,h_V,E_idx):
    h_i=gather_nodes(h_V,jnp.broadcast_to(E_idx[:,:,0:1],E_idx.shape))
    h_j=gather_nodes(h_V,E_idx)
    return jnp.concatenate([h_i,h_j,h_E],-1)

def merge_duplicate_edges(h_E,E_idx):
    Bn,Nn,K,d=h_E.shape
    def per_batch(hE,idx):
        coll=jnp.zeros((Nn,Nn,d),hE.dtype).at[jnp.arange(Nn)[:,None],idx].set(hE)
        rev=jnp.swapaxes(coll,0,1)[jnp.arange(Nn)[:,None],idx]
        return jnp.where(rev!=0,(hE+rev)/2.0,hE)
    return jax.vmap(per_batch)(h_E,E_idx)

def forward(X,x_mask,p):
    V,E,E_idx=protein_features(X,x_mask,p)
    h_V=linear(V,p['W_v_w'],p['W_v_b'])
    h_E=linear(E,p['W_e_w'],p['W_e_b'])
    mask_attend=gather_nodes(x_mask[...,None],E_idx)[...,0]
    mask_attend=x_mask[...,None]*mask_attend
    for l in range(N_LAYERS):
        h_EV=cat_edge_endpoints(h_E,h_V,E_idx)
        m=jax.nn.relu(linear(h_EV,p[f'l{l}_W1_w'],p[f'l{l}_W1_b']))
        m=jax.nn.relu(linear(m,p[f'l{l}_W2_w'],p[f'l{l}_W2_b']))
        m=linear(m,p[f'l{l}_W3_w'],p[f'l{l}_W3_b'])
        m=mask_attend[...,None]*m
        h_E=layer_norm(h_E+m,p[f'l{l}_norm0_g'],p[f'l{l}_norm0_b'])
        dh=linear(jax.nn.relu(linear(h_E,p[f'l{l}_ff_in_w'],p[f'l{l}_ff_in_b'])),p[f'l{l}_ff_out_w'],p[f'l{l}_ff_out_b'])
        h_E=layer_norm(h_E+dh,p[f'l{l}_norm1_g'],p[f'l{l}_norm1_b'])
        h_E=x_mask[:,:,None,None]*h_E
    h_out=linear(h_E,p['W_out_w'],p['W_out_b'])
    h_out=merge_duplicate_edges(h_out,E_idx)
    return h_out,E_idx

def setup_inputs(seed=0):
    key=jax.random.key(seed)
    ks=list(jax.random.split(key,64))
    X=jax.random.normal(ks[0],(B,N,4,3),dtype=jnp.float32)
    x_mask=jnp.ones((B,N),dtype=jnp.float32)
    p={}
    cnt=[1]
    def xavier(shape):
        k=ks[cnt[0]]; cnt[0]+=1
        lim=float(np.sqrt(6.0/(shape[0]+shape[1])))
        return jax.random.uniform(k,shape,jnp.float32,-lim,lim)
    def mk_lin(name,din,dout):
        p[name+'_w']=xavier((dout,din)); p[name+'_b']=jnp.zeros((dout,),jnp.float32)
    def mk_norm(name,d):
        p[name+'_g']=jnp.ones((d,),jnp.float32); p[name+'_b']=jnp.zeros((d,),jnp.float32)
    mk_lin('node_emb',6,HDIM); mk_lin('edge_emb',PE_DIM+RBF_DIM,HDIM)
    mk_norm('norm_nodes',HDIM); mk_norm('norm_edges',HDIM)
    mk_lin('W_v',HDIM,HDIM); mk_lin('W_e',HDIM,HDIM); mk_lin('W_out',HDIM,OUT_DIM)
    for l in range(N_LAYERS):
        mk_lin(f'l{l}_W1',3*HDIM,HDIM); mk_lin(f'l{l}_W2',HDIM,HDIM); mk_lin(f'l{l}_W3',HDIM,HDIM)
        mk_lin(f'l{l}_ff_in',HDIM,4*HDIM); mk_lin(f'l{l}_ff_out',4*HDIM,HDIM)
        mk_norm(f'l{l}_norm0',HDIM); mk_norm(f'l{l}_norm1',HDIM)
    return {'X':X,'x_mask':x_mask,'params':p}

def reference(X,x_mask,params):
    return forward(X,x_mask,params)

if __name__ == "__main__":
    import jax
    _d = setup_inputs()
    print(jax.jit(kernel)(*tuple(_d.values())))

</pallas_src>

<mosaic_0001>
#map = affine_map<(d0, d1) -> (0, 0)>
#map1 = affine_map<(d0, d1) -> (0, 0, 0)>
module attributes {stable_mosaic.version = 14 : i64} {
  func.func @_merge_body(%arg0: i32, %arg1: i32, %arg2: memref<15360x128xf32, #tpu.memory_space<hbm>>, %arg3: memref<32x4x120xi32, #tpu.memory_space<hbm>>, %arg4: memref<15360x128xf32, #tpu.memory_space<hbm>>, %arg5: memref<4x120xi32, #tpu.memory_space<vmem>>, %arg6: memref<120x128xf32, #tpu.memory_space<vmem>>, %arg7: memref<!tpu.dma_semaphore, #tpu.memory_space<semaphore_mem>>) attributes {dimension_semantics = [#tpu.dimension_semantics<core_parallel>, #tpu.dimension_semantics<subcore_parallel>], iteration_bounds = array<i64: 2, 16>, scalar_prefetch = 0 : i64, scratch_operands = 3 : i64, tpu.core_type = #tpu.core_type<sc_vector_subcore>, window_params = [{transform_indices = #map}, {transform_indices = #map1}, {transform_indices = #map}]} {
    %mul3A = arith.constant 2 : i32
    %mul3A_0 = arith.muli %arg1, %mul3A : i32
    %add3A = arith.addi %mul3A_0, %arg0 : i32
    "tpu.region"() ({
      %run_scoped3A = tpu.sem_alloc : memref<!tpu.dma_semaphore, #tpu.memory_space<semaphore_mem>>
      %dma_start3A_71 = arith.constant 0 : i32
      %dma_start3A_72 = arith.constant 0 : i32
      %dma_start3A_73 = tpu.memref_slice %arg3[%add3A, %dma_start3A_71, %dma_start3A_72] : memref<32x4x120xi32, #tpu.memory_space<hbm>> -> memref<1x4x120xi32, #tpu.memory_space<hbm>>
      %dma_start3A_74 = tpu.memref_squeeze %dma_start3A_73 : memref<1x4x120xi32, #tpu.memory_space<hbm>> -> memref<4x120xi32, #tpu.memory_space<hbm>>
      %dma_start3A_75 = arith.constant 0 : i32
      %dma_start3A_76 = arith.constant 0 : i32
      %dma_start3A_77 = tpu.memref_slice %arg3[%add3A, %dma_start3A_75, %dma_start3A_76] : memref<32x4x120xi32, #tpu.memory_space<hbm>> -> memref<1x4x120xi32, #tpu.memory_space<hbm>>
      %dma_start3A_78 = tpu.memref_squeeze %dma_start3A_77 : memref<1x4x120xi32, #tpu.memory_space<hbm>> -> memref<4x120xi32, #tpu.memory_space<hbm>>
      tpu.enqueue_dma source(%dma_start3A_78 : memref<4x120xi32, #tpu.memory_space<hbm>>) target(%arg5 : memref<4x120xi32, #tpu.memory_space<vmem>>) target_semaphore(%run_scoped3A : memref<!tpu.dma_semaphore, #tpu.memory_space<semaphore_mem>>)
      %dma_wait3A_79 = arith.constant 0 : i32
      %dma_wait3A_80 = arith.constant 0 : i32
      %dma_wait3A_81 = tpu.memref_slice %arg3[%add3A, %dma_wait3A_79, %dma_wait3A_80] : memref<32x4x120xi32, #tpu.memory_space<hbm>> -> memref<1x4x120xi32, #tpu.memory_space<hbm>>
      %dma_wait3A_82 = tpu.memref_squeeze %dma_wait3A_81 : memref<1x4x120xi32, #tpu.memory_space<hbm>> -> memref<4x120xi32, #tpu.memory_space<hbm>>
      %dma_wait3A_83 = arith.constant 0 : i32
      %dma_wait3A_84 = arith.constant 0 : i32
      %dma_wait3A_85 = tpu.memref_slice %arg3[%add3A, %dma_wait3A_83, %dma_wait3A_84] : memref<32x4x120xi32, #tpu.memory_space<hbm>> -> memref<1x4x120xi32, #tpu.memory_space<hbm>>
      %dma_wait3A_86 = tpu.memref_squeeze %dma_wait3A_85 : memref<1x4x120xi32, #tpu.memory_space<hbm>> -> memref<4x120xi32, #tpu.memory_space<hbm>>
      tpu.wait_dma2 semaphore(%run_scoped3A : memref<!tpu.dma_semaphore, #tpu.memory_space<semaphore_mem>>) src(%dma_wait3A_86 : memref<4x120xi32, #tpu.memory_space<hbm>>) dst(%arg5 : memref<4x120xi32, #tpu.memory_space<vmem>>)
      tpu.yield
    }) : () -> ()
    %mul3A_1 = arith.constant 480 : i32
    %mul3A_2 = arith.muli %add3A, %mul3A_1 : i32
    %add3A_3 = arith.constant 0 : i32
    %add3A_4 = arith.addi %mul3A_2, %add3A_3 : i32
    %dma_start3A = arith.constant 0 : i32
    %dma_start3A_5 = arith.constant 0 : i32
    %dma_start3A_6 = tpu.memref_slice %arg5[%dma_start3A, %dma_start3A_5] : memref<4x120xi32, #tpu.memory_space<vmem>> -> memref<1x120xi32, #tpu.memory_space<vmem>>
    %dma_start3A_7 = tpu.memref_squeeze %dma_start3A_6 : memref<1x120xi32, #tpu.memory_space<vmem>> -> memref<120xi32, #tpu.memory_space<vmem>>
    %dma_start3A_8 = arith.constant 0 : i32
    %dma_start3A_9 = arith.constant 0 : i32
    %dma_start3A_10 = tpu.memref_slice %arg2[%dma_start3A_8, %dma_start3A_9] : memref<15360x128xf32, #tpu.memory_space<hbm>> -> memref<15360x128xf32, #tpu.memory_space<hbm>>
    tpu.enqueue_indirect_dma source(%dma_start3A_10 : memref<15360x128xf32, #tpu.memory_space<hbm>>) target(%arg6 : memref<120x128xf32, #tpu.memory_space<vmem>>) offsets(%dma_start3A_7 : memref<120xi32, #tpu.memory_space<vmem>>) semaphore(%arg7 : memref<!tpu.dma_semaphore, #tpu.memory_space<semaphore_mem>>)
    %dma_wait3A = arith.constant 0 : i32
    %dma_wait3A_11 = arith.constant 0 : i32
    %dma_wait3A_12 = tpu.memref_slice %arg5[%dma_wait3A, %dma_wait3A_11] : memref<4x120xi32, #tpu.memory_space<vmem>> -> memref<1x120xi32, #tpu.memory_space<vmem>>
    %dma_wait3A_13 = tpu.memref_squeeze %dma_wait3A_12 : memref<1x120xi32, #tpu.memory_space<vmem>> -> memref<120xi32, #tpu.memory_space<vmem>>
    %dma_wait3A_14 = arith.constant 0 : i32
    %dma_wait3A_15 = arith.constant 0 : i32
    %dma_wait3A_16 = tpu.memref_slice %arg2[%dma_wait3A_14, %dma_wait3A_15] : memref<15360x128xf32, #tpu.memory_space<hbm>> -> memref<15360x128xf32, #tpu.memory_space<hbm>>
    tpu.wait_indirect_dma semaphore(%arg7 : memref<!tpu.dma_semaphore, #tpu.memory_space<semaphore_mem>>) src(%dma_wait3A_16 : memref<15360x128xf32, #tpu.memory_space<hbm>>) dst(%arg6 : memref<120x128xf32, #tpu.memory_space<vmem>>)
    "tpu.region"() ({
      %run_scoped3A = tpu.sem_alloc : memref<!tpu.dma_semaphore, #tpu.memory_space<semaphore_mem>>
      %dma_start3A_71 = arith.constant 0 : i32
      %dma_start3A_72 = tpu.memref_slice %arg4[%add3A_4, %dma_start3A_71] : memref<15360x128xf32, #tpu.memory_space<hbm>> -> memref<120x128xf32, #tpu.memory_space<hbm>>
      %dma_start3A_73 = arith.constant 0 : i32
      %dma_start3A_74 = tpu.memref_slice %arg4[%add3A_4, %dma_start3A_73] : memref<15360x128xf32, #tpu.memory_space<hbm>> -> memref<120x128xf32, #tpu.memory_space<hbm>>
      tpu.enqueue_dma source(%arg6 : memref<120x128xf32, #tpu.memory_space<vmem>>) target(%dma_start3A_74 : memref<120x128xf32, #tpu.memory_space<hbm>>) target_semaphore(%run_scoped3A : memref<!tpu.dma_semaphore, #tpu.memory_space<semaphore_mem>>)
      %dma_wait3A_75 = arith.constant 0 : i32
      %dma_wait3A_76 = tpu.memref_slice %arg4[%add3A_4, %dma_wait3A_75] : memref<15360x128xf32, #tpu.memory_space<hbm>> -> memref<120x128xf32, #tpu.memory_space<hbm>>
      %dma_wait3A_77 = arith.constant 0 : i32
      %dma_wait3A_78 = tpu.memref_slice %arg4[%add3A_4, %dma_wait3A_77] : memref<15360x128xf32, #tpu.memory_space<hbm>> -> memref<120x128xf32, #tpu.memory_space<hbm>>
      tpu.wait_dma2 semaphore(%run_scoped3A : memref<!tpu.dma_semaphore, #tpu.memory_space<semaphore_mem>>) src(%arg6 : memref<120x128xf32, #tpu.memory_space<vmem>>) dst(%dma_wait3A_78 : memref<120x128xf32, #tpu.memory_space<hbm>>)
      tpu.yield
    }) : () -> ()
    %mul3A_17 = arith.constant 480 : i32
    %mul3A_18 = arith.muli %add3A, %mul3A_17 : i32
    %add3A_19 = arith.constant 120 : i32
    %add3A_20 = arith.addi %mul3A_18, %add3A_19 : i32
    %dma_start3A_21 = arith.constant 1 : i32
    %dma_start3A_22 = arith.constant 0 : i32
    %dma_start3A_23 = tpu.memref_slice %arg5[%dma_start3A_21, %dma_start3A_22] : memref<4x120xi32, #tpu.memory_space<vmem>> -> memref<1x120xi32, #tpu.memory_space<vmem>>
    %dma_start3A_24 = tpu.memref_squeeze %dma_start3A_23 : memref<1x120xi32, #tpu.memory_space<vmem>> -> memref<120xi32, #tpu.memory_space<vmem>>
    %dma_start3A_25 = arith.constant 0 : i32
    %dma_start3A_26 = arith.constant 0 : i32
    %dma_start3A_27 = tpu.memref_slice %arg2[%dma_start3A_25, %dma_start3A_26] : memref<15360x128xf32, #tpu.memory_space<hbm>> -> memref<15360x128xf32, #tpu.memory_space<hbm>>
    tpu.enqueue_indirect_dma source(%dma_start3A_27 : memref<15360x128xf32, #tpu.memory_space<hbm>>) target(%arg6 : memref<120x128xf32, #tpu.memory_space<vmem>>) offsets(%dma_start3A_24 : memref<120xi32, #tpu.memory_space<vmem>>) semaphore(%arg7 : memref<!tpu.dma_semaphore, #tpu.memory_space<semaphore_mem>>)
    %dma_wait3A_28 = arith.constant 1 : i32
    %dma_wait3A_29 = arith.constant 0 : i32
    %dma_wait3A_30 = tpu.memref_slice %arg5[%dma_wait3A_28, %dma_wait3A_29] : memref<4x120xi32, #tpu.memory_space<vmem>> -> memref<1x120xi32, #tpu.memory_space<vmem>>
    %dma_wait3A_31 = tpu.memref_squeeze %dma_wait3A_30 : memref<1x120xi32, #tpu.memory_space<vmem>> -> memref<120xi32, #tpu.memory_space<vmem>>
    %dma_wait3A_32 = arith.constant 0 : i32
    %dma_wait3A_33 = arith.constant 0 : i32
    %dma_wait3A_34 = tpu.memref_slice %arg2[%dma_wait3A_32, %dma_wait3A_33] : memref<15360x128xf32, #tpu.memory_space<hbm>> -> memref<15360x128xf32, #tpu.memory_space<hbm>>
    tpu.wait_indirect_dma semaphore(%arg7 : memref<!tpu.dma_semaphore, #tpu.memory_space<semaphore_mem>>) src(%dma_wait3A_34 : memref<15360x128xf32, #tpu.memory_space<hbm>>) dst(%arg6 : memref<120x128xf32, #tpu.memory_space<vmem>>)
    "tpu.region"() ({
      %run_scoped3A = tpu.sem_alloc : memref<!tpu.dma_semaphore, #tpu.memory_space<semaphore_mem>>
      %dma_start3A_71 = arith.constant 0 : i32
      %dma_start3A_72 = tpu.memref_slice %arg4[%add3A_20, %dma_start3A_71] : memref<15360x128xf32, #tpu.memory_space<hbm>> -> memref<120x128xf32, #tpu.memory_space<hbm>>
      %dma_start3A_73 = arith.constant 0 : i32
      %dma_start3A_74 = tpu.memref_slice %arg4[%add3A_20, %dma_start3A_73] : memref<15360x128xf32, #tpu.memory_space<hbm>> -> memref<120x128xf32, #tpu.memory_space<hbm>>
      tpu.enqueue_dma source(%arg6 : memref<120x128xf32, #tpu.memory_space<vmem>>) target(%dma_start3A_74 : memref<120x128xf32, #tpu.memory_space<hbm>>) target_semaphore(%run_scoped3A : memref<!tpu.dma_semaphore, #tpu.memory_space<semaphore_mem>>)
      %dma_wait3A_75 = arith.constant 0 : i32
      %dma_wait3A_76 = tpu.memref_slice %arg4[%add3A_20, %dma_wait3A_75] : memref<15360x128xf32, #tpu.memory_space<hbm>> -> memref<120x128xf32, #tpu.memory_space<hbm>>
      %dma_wait3A_77 = arith.constant 0 : i32
      %dma_wait3A_78 = tpu.memref_slice %arg4[%add3A_20, %dma_wait3A_77] : memref<15360x128xf32, #tpu.memory_space<hbm>> -> memref<120x128xf32, #tpu.memory_space<hbm>>
      tpu.wait_dma2 semaphore(%run_scoped3A : memref<!tpu.dma_semaphore, #tpu.memory_space<semaphore_mem>>) src(%arg6 : memref<120x128xf32, #tpu.memory_space<vmem>>) dst(%dma_wait3A_78 : memref<120x128xf32, #tpu.memory_space<hbm>>)
      tpu.yield
    }) : () -> ()
    %mul3A_35 = arith.constant 480 : i32
    %mul3A_36 = arith.muli %add3A, %mul3A_35 : i32
    %add3A_37 = arith.constant 240 : i32
    %add3A_38 = arith.addi %mul3A_36, %add3A_37 : i32
    %dma_start3A_39 = arith.constant 2 : i32
    %dma_start3A_40 = arith.constant 0 : i32
    %dma_start3A_41 = tpu.memref_slice %arg5[%dma_start3A_39, %dma_start3A_40] : memref<4x120xi32, #tpu.memory_space<vmem>> -> memref<1x120xi32, #tpu.memory_space<vmem>>
    %dma_start3A_42 = tpu.memref_squeeze %dma_start3A_41 : memref<1x120xi32, #tpu.memory_space<vmem>> -> memref<120xi32, #tpu.memory_space<vmem>>
    %dma_start3A_43 = arith.constant 0 : i32
    %dma_start3A_44 = arith.constant 0 : i32
    %dma_start3A_45 = tpu.memref_slice %arg2[%dma_start3A_43, %dma_start3A_44] : memref<15360x128xf32, #tpu.memory_space<hbm>> -> memref<15360x128xf32, #tpu.memory_space<hbm>>
    tpu.enqueue_indirect_dma source(%dma_start3A_45 : memref<15360x128xf32, #tpu.memory_space<hbm>>) target(%arg6 : memref<120x128xf32, #tpu.memory_space<vmem>>) offsets(%dma_start3A_42 : memref<120xi32, #tpu.memory_space<vmem>>) semaphore(%arg7 : memref<!tpu.dma_semaphore, #tpu.memory_space<semaphore_mem>>)
    %dma_wait3A_46 = arith.constant 2 : i32
    %dma_wait3A_47 = arith.constant 0 : i32
    %dma_wait3A_48 = tpu.memref_slice %arg5[%dma_wait3A_46, %dma_wait3A_47] : memref<4x120xi32, #tpu.memory_space<vmem>> -> memref<1x120xi32, #tpu.memory_space<vmem>>
    %dma_wait3A_49 = tpu.memref_squeeze %dma_wait3A_48 : memref<1x120xi32, #tpu.memory_space<vmem>> -> memref<120xi32, #tpu.memory_space<vmem>>
    %dma_wait3A_50 = arith.constant 0 : i32
    %dma_wait3A_51 = arith.constant 0 : i32
    %dma_wait3A_52 = tpu.memref_slice %arg2[%dma_wait3A_50, %dma_wait3A_51] : memref<15360x128xf32, #tpu.memory_space<hbm>> -> memref<15360x128xf32, #tpu.memory_space<hbm>>
    tpu.wait_indirect_dma semaphore(%arg7 : memref<!tpu.dma_semaphore, #tpu.memory_space<semaphore_mem>>) src(%dma_wait3A_52 : memref<15360x128xf32, #tpu.memory_space<hbm>>) dst(%arg6 : memref<120x128xf32, #tpu.memory_space<vmem>>)
    "tpu.region"() ({
      %run_scoped3A = tpu.sem_alloc : memref<!tpu.dma_semaphore, #tpu.memory_space<semaphore_mem>>
      %dma_start3A_71 = arith.constant 0 : i32
      %dma_start3A_72 = tpu.memref_slice %arg4[%add3A_38, %dma_start3A_71] : memref<15360x128xf32, #tpu.memory_space<hbm>> -> memref<120x128xf32, #tpu.memory_space<hbm>>
      %dma_start3A_73 = arith.constant 0 : i32
      %dma_start3A_74 = tpu.memref_slice %arg4[%add3A_38, %dma_start3A_73] : memref<15360x128xf32, #tpu.memory_space<hbm>> -> memref<120x128xf32, #tpu.memory_space<hbm>>
      tpu.enqueue_dma source(%arg6 : memref<120x128xf32, #tpu.memory_space<vmem>>) target(%dma_start3A_74 : memref<120x128xf32, #tpu.memory_space<hbm>>) target_semaphore(%run_scoped3A : memref<!tpu.dma_semaphore, #tpu.memory_space<semaphore_mem>>)
      %dma_wait3A_75 = arith.constant 0 : i32
      %dma_wait3A_76 = tpu.memref_slice %arg4[%add3A_38, %dma_wait3A_75] : memref<15360x128xf32, #tpu.memory_space<hbm>> -> memref<120x128xf32, #tpu.memory_space<hbm>>
      %dma_wait3A_77 = arith.constant 0 : i32
      %dma_wait3A_78 = tpu.memref_slice %arg4[%add3A_38, %dma_wait3A_77] : memref<15360x128xf32, #tpu.memory_space<hbm>> -> memref<120x128xf32, #tpu.memory_space<hbm>>
      tpu.wait_dma2 semaphore(%run_scoped3A : memref<!tpu.dma_semaphore, #tpu.memory_space<semaphore_mem>>) src(%arg6 : memref<120x128xf32, #tpu.memory_space<vmem>>) dst(%dma_wait3A_78 : memref<120x128xf32, #tpu.memory_space<hbm>>)
      tpu.yield
    }) : () -> ()
    %mul3A_53 = arith.constant 480 : i32
    %mul3A_54 = arith.muli %add3A, %mul3A_53 : i32
    %add3A_55 = arith.constant 360 : i32
    %add3A_56 = arith.addi %mul3A_54, %add3A_55 : i32
    %dma_start3A_57 = arith.constant 3 : i32
    %dma_start3A_58 = arith.constant 0 : i32
    %dma_start3A_59 = tpu.memref_slice %arg5[%dma_start3A_57, %dma_start3A_58] : memref<4x120xi32, #tpu.memory_space<vmem>> -> memref<1x120xi32, #tpu.memory_space<vmem>>
    %dma_start3A_60 = tpu.memref_squeeze %dma_start3A_59 : memref<1x120xi32, #tpu.memory_space<vmem>> -> memref<120xi32, #tpu.memory_space<vmem>>
    %dma_start3A_61 = arith.constant 0 : i32
    %dma_start3A_62 = arith.constant 0 : i32
    %dma_start3A_63 = tpu.memref_slice %arg2[%dma_start3A_61, %dma_start3A_62] : memref<15360x128xf32, #tpu.memory_space<hbm>> -> memref<15360x128xf32, #tpu.memory_space<hbm>>
    tpu.enqueue_indirect_dma source(%dma_start3A_63 : memref<15360x128xf32, #tpu.memory_space<hbm>>) target(%arg6 : memref<120x128xf32, #tpu.memory_space<vmem>>) offsets(%dma_start3A_60 : memref<120xi32, #tpu.memory_space<vmem>>) semaphore(%arg7 : memref<!tpu.dma_semaphore, #tpu.memory_space<semaphore_mem>>)
    %dma_wait3A_64 = arith.constant 3 : i32
    %dma_wait3A_65 = arith.constant 0 : i32
    %dma_wait3A_66 = tpu.memref_slice %arg5[%dma_wait3A_64, %dma_wait3A_65] : memref<4x120xi32, #tpu.memory_space<vmem>> -> memref<1x120xi32, #tpu.memory_space<vmem>>
    %dma_wait3A_67 = tpu.memref_squeeze %dma_wait3A_66 : memref<1x120xi32, #tpu.memory_space<vmem>> -> memref<120xi32, #tpu.memory_space<vmem>>
    %dma_wait3A_68 = arith.constant 0 : i32
    %dma_wait3A_69 = arith.constant 0 : i32
    %dma_wait3A_70 = tpu.memref_slice %arg2[%dma_wait3A_68, %dma_wait3A_69] : memref<15360x128xf32, #tpu.memory_space<hbm>> -> memref<15360x128xf32, #tpu.memory_space<hbm>>
    tpu.wait_indirect_dma semaphore(%arg7 : memref<!tpu.dma_semaphore, #tpu.memory_space<semaphore_mem>>) src(%dma_wait3A_70 : memref<15360x128xf32, #tpu.memory_space<hbm>>) dst(%arg6 : memref<120x128xf32, #tpu.memory_space<vmem>>)
    "tpu.region"() ({
      %run_scoped3A = tpu.sem_alloc : memref<!tpu.dma_semaphore, #tpu.memory_space<semaphore_mem>>
      %dma_start3A_71 = arith.constant 0 : i32
      %dma_start3A_72 = tpu.memref_slice %arg4[%add3A_56, %dma_start3A_71] : memref<15360x128xf32, #tpu.memory_space<hbm>> -> memref<120x128xf32, #tpu.memory_space<hbm>>
      %dma_start3A_73 = arith.constant 0 : i32
      %dma_start3A_74 = tpu.memref_slice %arg4[%add3A_56, %dma_start3A_73] : memref<15360x128xf32, #tpu.memory_space<hbm>> -> memref<120x128xf32, #tpu.memory_space<hbm>>
      tpu.enqueue_dma source(%arg6 : memref<120x128xf32, #tpu.memory_space<vmem>>) target(%dma_start3A_74 : memref<120x128xf32, #tpu.memory_space<hbm>>) target_semaphore(%run_scoped3A : memref<!tpu.dma_semaphore, #tpu.memory_space<semaphore_mem>>)
      %dma_wait3A_75 = arith.constant 0 : i32
      %dma_wait3A_76 = tpu.memref_slice %arg4[%add3A_56, %dma_wait3A_75] : memref<15360x128xf32, #tpu.memory_space<hbm>> -> memref<120x128xf32, #tpu.memory_space<hbm>>
      %dma_wait3A_77 = arith.constant 0 : i32
      %dma_wait3A_78 = tpu.memref_slice %arg4[%add3A_56, %dma_wait3A_77] : memref<15360x128xf32, #tpu.memory_space<hbm>> -> memref<120x128xf32, #tpu.memory_space<hbm>>
      tpu.wait_dma2 semaphore(%run_scoped3A : memref<!tpu.dma_semaphore, #tpu.memory_space<semaphore_mem>>) src(%arg6 : memref<120x128xf32, #tpu.memory_space<vmem>>) dst(%dma_wait3A_78 : memref<120x128xf32, #tpu.memory_space<hbm>>)
      tpu.yield
    }) : () -> ()
    return
  }
}

module attributes {stable_mosaic.version = 14 : i64} {
  func.func @_feat_body(%arg0: i32, %arg1: memref<1x12x256xf32, #tpu.memory_space<vmem>>, %arg2: memref<1x256x3xf32, #tpu.memory_space<vmem>>, %arg3: memref<6x128xf32, #tpu.memory_space<vmem>>, %arg4: memref<1x128xf32, #tpu.memory_space<vmem>>, %arg5: memref<1x128xf32, #tpu.memory_space<vmem>>, %arg6: memref<1x128xf32, #tpu.memory_space<vmem>>, %arg7: memref<128x128xf32, #tpu.memory_space<vmem>>, %arg8: memref<1x128xf32, #tpu.memory_space<vmem>>, %arg9: memref<1x256x128xf32, #tpu.memory_space<vmem>>, %arg10: memref<1x256x30xi32, #tpu.memory_space<vmem>>, %arg11: memref<1x256x30xf32, #tpu.memory_space<vmem>>, %arg12: memref<1x256x30xf32, #tpu.memory_space<vmem>>) attributes {dimension_semantics = [#tpu.dimension_semantics<arbitrary>], iteration_bounds = array<i64: 2>, scalar_prefetch = 0 : i64, scratch_operands = 0 : i64, tpu.core_type = #tpu.core_type<tc>, window_params = [{transform_indices = @transform_0, window_bounds = array<i64: 1, 12, 256>}, {transform_indices = @transform_1, window_bounds = array<i64: 1, 256, 3>}, {pipeline_mode = #tpu.pipeline_mode<synchronous>, transform_indices = @transform_2, window_bounds = array<i64: 6, 128>}, {pipeline_mode = #tpu.pipeline_mode<synchronous>, transform_indices = @transform_3, window_bounds = array<i64: 1, 128>}, {pipeline_mode = #tpu.pipeline_mode<synchronous>, transform_indices = @transform_4, window_bounds = array<i64: 1, 128>}, {pipeline_mode = #tpu.pipeline_mode<synchronous>, transform_indices = @transform_5, window_bounds = array<i64: 1, 128>}, {pipeline_mode = #tpu.pipeline_mode<synchronous>, transform_indices = @transform_6, window_bounds = array<i64: 128, 128>}, {pipeline_mode = #tpu.pipeline_mode<synchronous>, transform_indices = @transform_7, window_bounds = array<i64: 1, 128>}, {transform_indices = @transform_8, window_bounds = array<i64: 1, 256, 128>}, {transform_indices = @transform_9, window_bounds = array<i64: 1, 256, 30>}, {transform_indices = @transform_10, window_bounds = array<i64: 1, 256, 30>}, {transform_indices = @transform_11, window_bounds = array<i64: 1, 256, 30>}]} {
    %get3A = arith.constant 0 : index
    %get3A_0 = arith.constant 0 : index
    %get3A_1 = arith.constant 0 : index
    %get3A_2 = vector.load %arg1[%get3A, %get3A_0, %get3A_1] : memref<1x12x256xf32, #tpu.memory_space<vmem>>, vector<1x12x256xf32>
    %get3A_3 = vector.shape_cast %get3A_2 : vector<1x12x256xf32> to vector<12x256xf32>
    %get3A_4 = arith.constant 0 : index
    %get3A_5 = arith.constant 0 : index
    %get3A_6 = arith.constant 0 : index
    %get3A_7 = vector.load %arg2[%get3A_4, %get3A_5, %get3A_6] : memref<1x256x3xf32, #tpu.memory_space<vmem>>, vector<1x256x3xf32>
    %get3A_8 = vector.shape_cast %get3A_7 : vector<1x256x3xf32> to vector<256x3xf32>
    %slice3A = vector.extract_strided_slice %get3A_3 {offsets = [3, 0], sizes = [1, 256], strides = [1, 1]} : vector<12x256xf32> to vector<1x256xf32>
    %slice3A_9 = vector.extract_strided_slice %get3A_3 {offsets = [0, 0], sizes = [1, 256], strides = [1, 1]} : vector<12x256xf32> to vector<1x256xf32>
    %sub3A = arith.subf %slice3A, %slice3A_9 : vector<1x256xf32>
    %slice3A_10 = vector.extract_strided_slice %get3A_3 {offsets = [4, 0], sizes = [1, 256], strides = [1, 1]} : vector<12x256xf32> to vector<1x256xf32>
    %slice3A_11 = vector.extract_strided_slice %get3A_3 {offsets = [1, 0], sizes = [1, 256], strides = [1, 1]} : vector<12x256xf32> to vector<1x256xf32>
    %sub3A_12 = arith.subf %slice3A_10, %slice3A_11 : vector<1x256xf32>
    %slice3A_13 = vector.extract_strided_slice %get3A_3 {offsets = [5, 0], sizes = [1, 256], strides = [1, 1]} : vector<12x256xf32> to vector<1x256xf32>
    %slice3A_14 = vector.extract_strided_slice %get3A_3 {offsets = [2, 0], sizes = [1, 256], strides = [1, 1]} : vector<12x256xf32> to vector<1x256xf32>
    %sub3A_15 = arith.subf %slice3A_13, %slice3A_14 : vector<1x256xf32>
    %slice3A_16 = vector.extract_strided_slice %get3A_3 {offsets = [6, 0], sizes = [1, 256], strides = [1, 1]} : vector<12x256xf32> to vector<1x256xf32>
    %slice3A_17 = vector.extract_strided_slice %get3A_3 {offsets = [3, 0], sizes = [1, 256], strides = [1, 1]} : vector<12x256xf32> to vector<1x256xf32>
    %sub3A_18 = arith.subf %slice3A_16, %slice3A_17 : vector<1x256xf32>
    %slice3A_19 = vector.extract_strided_slice %get3A_3 {offsets = [7, 0], sizes = [1, 256], strides = [1, 1]} : vector<12x256xf32> to vector<1x256xf32>
    %slice3A_20 = vector.extract_strided_slice %get3A_3 {offsets = [4, 0], sizes = [1, 256], strides = [1, 1]} : vector<12x256xf32> to vector<1x256xf32>
    %sub3A_21 = arith.subf %slice3A_19, %slice3A_20 : vector<1x256xf32>
    %slice3A_22 = vector.extract_strided_slice %get3A_3 {offsets = [8, 0], sizes = [1, 256], strides = [1, 1]} : vector<12x256xf32> to vector<1x256xf32>
    %slice3A_23 = vector.extract_strided_slice %get3A_3 {offsets = [5, 0], sizes = [1, 256], strides = [1, 1]} : vector<12x256xf32> to vector<1x256xf32>
    %sub3A_24 = arith.subf %slice3A_22, %slice3A_23 : vector<1x256xf32>
    %slice3A_25 = vector.extract_strided_slice %get3A_3 {offsets = [0, 0], sizes = [1, 256], strides = [1, 1]} : vector<12x256xf32> to vector<1x256xf32>
    %roll3A = arith.constant 255 : i32
    %roll3A_26 = tpu.dynamic_rotate %slice3A_25 by %roll3A dim 1 : vector<1x256xf32>, i32 -> vector<1x256xf32>
    %slice3A_27 = vector.extract_strided_slice %get3A_3 {offsets = [6, 0], sizes = [1, 256], strides = [1, 1]} : vector<12x256xf32> to vector<1x256xf32>
    %sub3A_28 = arith.subf %roll3A_26, %slice3A_27 : vector<1x256xf32>
    %slice3A_29 = vector.extract_strided_slice %get3A_3 {offsets = [1, 0], sizes = [1, 256], strides = [1, 1]} : vector<12x256xf32> to vector<1x256xf32>
    %roll3A_30 = arith.constant 255 : i32
    %roll3A_31 = tpu.dynamic_rotate %slice3A_29 by %roll3A_30 dim 1 : vector<1x256xf32>, i32 -> vector<1x256xf32>
    %slice3A_32 = vector.extract_strided_slice %get3A_3 {offsets = [7, 0], sizes = [1, 256], strides = [1, 1]} : vector<12x256xf32> to vector<1x256xf32>
    %sub3A_33 = arith.subf %roll3A_31, %slice3A_32 : vector<1x256xf32>
    %slice3A_34 = vector.extract_strided_slice %get3A_3 {offsets = [2, 0], sizes = [1, 256], strides = [1, 1]} : vector<12x256xf32> to vector<1x256xf32>
    %roll3A_35 = arith.constant 255 : i32
    %roll3A_36 = tpu.dynamic_rotate %slice3A_34 by %roll3A_35 dim 1 : vector<1x256xf32>, i32 -> vector<1x256xf32>
    %slice3A_37 = vector.extract_strided_slice %get3A_3 {offsets = [8, 0], sizes = [1, 256], strides = [1, 1]} : vector<12x256xf32> to vector<1x256xf32>
    %sub3A_38 = arith.subf %roll3A_36, %slice3A_37 : vector<1x256xf32>
    %mul3A = arith.mulf %sub3A, %sub3A : vector<1x256xf32>
    %mul3A_39 = arith.mulf %sub3A_12, %sub3A_12 : vector<1x256xf32>
    %add3A = arith.addf %mul3A, %mul3A_39 : vector<1x256xf32>
    %mul3A_40 = arith.mulf %sub3A_15, %sub3A_15 : vector<1x256xf32>
    %add3A_41 = arith.addf %add3A, %mul3A_40 : vector<1x256xf32>
    %sqrt3A = math.sqrt %add3A_41 : vector<1x256xf32>
    %max3A = arith.constant 9.99999996E-13 : f32
    %max3A_42 = vector.broadcast %max3A : f32 to vector<1x256xf32>
    %max3A_43 = arith.maximumf %sqrt3A, %max3A_42 : vector<1x256xf32>
    %div3A = arith.divf %sub3A, %max3A_43 : vector<1x256xf32>
    %div3A_44 = arith.divf %sub3A_12, %max3A_43 : vector<1x256xf32>
    %div3A_45 = arith.divf %sub3A_15, %max3A_43 : vector<1x256xf32>
    %mul3A_46 = arith.mulf %sub3A_18, %sub3A_18 : vector<1x256xf32>
    %mul3A_47 = arith.mulf %sub3A_21, %sub3A_21 : vector<1x256xf32>
    %add3A_48 = arith.addf %mul3A_46, %mul3A_47 : vector<1x256xf32>
    %mul3A_49 = arith.mulf %sub3A_24, %sub3A_24 : vector<1x256xf32>
    %add3A_50 = arith.addf %add3A_48, %mul3A_49 : vector<1x256xf32>
    %sqrt3A_51 = math.sqrt %add3A_50 : vector<1x256xf32>
    %max3A_52 = arith.constant 9.99999996E-13 : f32
    %max3A_53 = vector.broadcast %max3A_52 : f32 to vector<1x256xf32>
    %max3A_54 = arith.maximumf %sqrt3A_51, %max3A_53 : vector<1x256xf32>
    %div3A_55 = arith.divf %sub3A_18, %max3A_54 : vector<1x256xf32>
    %div3A_56 = arith.divf %sub3A_21, %max3A_54 : vector<1x256xf32>
    %div3A_57 = arith.divf %sub3A_24, %max3A_54 : vector<1x256xf32>
    %mul3A_58 = arith.mulf %sub3A_28, %sub3A_28 : vector<1x256xf32>
    %mul3A_59 = arith.mulf %sub3A_33, %sub3A_33 : vector<1x256xf32>
    %add3A_60 = arith.addf %mul3A_58, %mul3A_59 : vector<1x256xf32>
    %mul3A_61 = arith.mulf %sub3A_38, %sub3A_38 : vector<1x256xf32>
    %add3A_62 = arith.addf %add3A_60, %mul3A_61 : vector<1x256xf32>
    %sqrt3A_63 = math.sqrt %add3A_62 : vector<1x256xf32>
    %max3A_64 = arith.constant 9.99999996E-13 : f32
    %max3A_65 = vector.broadcast %max3A_64 : f32 to vector<1x256xf32>
    %max3A_66 = arith.maximumf %sqrt3A_63, %max3A_65 : vector<1x256xf32>
    %div3A_67 = arith.divf %sub3A_28, %max3A_66 : vector<1x256xf32>
    %div3A_68 = arith.divf %sub3A_33, %max3A_66 : vector<1x256xf32>
    %div3A_69 = arith.divf %sub3A_38, %max3A_66 : vector<1x256xf32>
    %roll3A_70 = arith.constant 1 : i32
    %roll3A_71 = tpu.dynamic_rotate %div3A_67 by %roll3A_70 dim 1 : vector<1x256xf32>, i32 -> vector<1x256xf32>
    %roll3A_72 = arith.constant 1 : i32
    %roll3A_73 = tpu.dynamic_rotate %div3A_68 by %roll3A_72 dim 1 : vector<1x256xf32>, i32 -> vector<1x256xf32>
    %roll3A_74 = arith.constant 1 : i32
    %roll3A_75 = tpu.dynamic_rotate %div3A_69 by %roll3A_74 dim 1 : vector<1x256xf32>, i32 -> vector<1x256xf32>
    %roll3A_76 = arith.constant 255 : i32
    %roll3A_77 = tpu.dynamic_rotate %div3A by %roll3A_76 dim 1 : vector<1x256xf32>, i32 -> vector<1x256xf32>
    %roll3A_78 = arith.constant 255 : i32
    %roll3A_79 = tpu.dynamic_rotate %div3A_44 by %roll3A_78 dim 1 : vector<1x256xf32>, i32 -> vector<1x256xf32>
    %roll3A_80 = arith.constant 255 : i32
    %roll3A_81 = tpu.dynamic_rotate %div3A_45 by %roll3A_80 dim 1 : vector<1x256xf32>, i32 -> vector<1x256xf32>
    %mul3A_82 = arith.mulf %roll3A_73, %div3A_45 : vector<1x256xf32>
    %mul3A_83 = arith.mulf %roll3A_75, %div3A_44 : vector<1x256xf32>
    %sub3A_84 = arith.subf %mul3A_82, %mul3A_83 : vector<1x256xf32>
    %mul3A_85 = arith.mulf %roll3A_75, %div3A : vector<1x256xf32>
    %mul3A_86 = arith.mulf %roll3A_71, %div3A_45 : vector<1x256xf32>
    %sub3A_87 = arith.subf %mul3A_85, %mul3A_86 : vector<1x256xf32>
    %mul3A_88 = arith.mulf %roll3A_71, %div3A_44 : vector<1x256xf32>
    %mul3A_89 = arith.mulf %roll3A_73, %div3A : vector<1x256xf32>
    %sub3A_90 = arith.subf %mul3A_88, %mul3A_89 : vector<1x256xf32>
    %mul3A_91 = arith.mulf %sub3A_84, %sub3A_84 : vector<1x256xf32>
    %mul3A_92 = arith.mulf %sub3A_87, %sub3A_87 : vector<1x256xf32>
    %add3A_93 = arith.addf %mul3A_91, %mul3A_92 : vector<1x256xf32>
    %mul3A_94 = arith.mulf %sub3A_90, %sub3A_90 : vector<1x256xf32>
    %add3A_95 = arith.addf %add3A_93, %mul3A_94 : vector<1x256xf32>
    %sqrt3A_96 = math.sqrt %add3A_95 : vector<1x256xf32>
    %max3A_97 = arith.constant 9.99999996E-13 : f32
    %max3A_98 = vector.broadcast %max3A_97 : f32 to vector<1x256xf32>
    %max3A_99 = arith.maximumf %sqrt3A_96, %max3A_98 : vector<1x256xf32>
    %div3A_100 = arith.divf %sub3A_84, %max3A_99 : vector<1x256xf32>
    %div3A_101 = arith.divf %sub3A_87, %max3A_99 : vector<1x256xf32>
    %div3A_102 = arith.divf %sub3A_90, %max3A_99 : vector<1x256xf32>
    %mul3A_103 = arith.mulf %div3A_44, %div3A_57 : vector<1x256xf32>
    %mul3A_104 = arith.mulf %div3A_45, %div3A_56 : vector<1x256xf32>
    %sub3A_105 = arith.subf %mul3A_103, %mul3A_104 : vector<1x256xf32>
    %mul3A_106 = arith.mulf %div3A_45, %div3A_55 : vector<1x256xf32>
    %mul3A_107 = arith.mulf %div3A, %div3A_57 : vector<1x256xf32>
    %sub3A_108 = arith.subf %mul3A_106, %mul3A_107 : vector<1x256xf32>
    %mul3A_109 = arith.mulf %div3A, %div3A_56 : vector<1x256xf32>
    %mul3A_110 = arith.mulf %div3A_44, %div3A_55 : vector<1x256xf32>
    %sub3A_111 = arith.subf %mul3A_109, %mul3A_110 : vector<1x256xf32>
    %mul3A_112 = arith.mulf %sub3A_105, %sub3A_105 : vector<1x256xf32>
    %mul3A_113 = arith.mulf %sub3A_108, %sub3A_108 : vector<1x256xf32>
    %add3A_114 = arith.addf %mul3A_112, %mul3A_113 : vector<1x256xf32>
    %mul3A_115 = arith.mulf %sub3A_111, %sub3A_111 : vector<1x256xf32>
    %add3A_116 = arith.addf %add3A_114, %mul3A_115 : vector<1x256xf32>
    %sqrt3A_117 = math.sqrt %add3A_116 : vector<1x256xf32>
    %max3A_118 = arith.constant 9.99999996E-13 : f32
    %max3A_119 = vector.broadcast %max3A_118 : f32 to vector<1x256xf32>
    %max3A_120 = arith.maximumf %sqrt3A_117, %max3A_119 : vector<1x256xf32>
    %div3A_121 = arith.divf %sub3A_105, %max3A_120 : vector<1x256xf32>
    %div3A_122 = arith.divf %sub3A_108, %max3A_120 : vector<1x256xf32>
    %div3A_123 = arith.divf %sub3A_111, %max3A_120 : vector<1x256xf32>
    %mul3A_124 = arith.mulf %div3A_100, %div3A_121 : vector<1x256xf32>
    %mul3A_125 = arith.mulf %div3A_101, %div3A_122 : vector<1x256xf32>
    %add3A_126 = arith.addf %mul3A_124, %mul3A_125 : vector<1x256xf32>
    %mul3A_127 = arith.mulf %div3A_102, %div3A_123 : vector<1x256xf32>
    %add3A_128 = arith.addf %add3A_126, %mul3A_127 : vector<1x256xf32>
    %jit3A = arith.constant -0.99999988 : f32
    %jit3A_129 = arith.constant 0.99999988 : f32
    %max3A_130 = vector.broadcast %jit3A : f32 to vector<1x256xf32>
    %max3A_131 = arith.maximumf %max3A_130, %add3A_128 : vector<1x256xf32>
    %min3A = vector.broadcast %jit3A_129 : f32 to vector<1x256xf32>
    %min3A_132 = arith.minimumf %min3A, %max3A_131 : vector<1x256xf32>
    %mul3A_133 = arith.mulf %roll3A_71, %div3A_121 : vector<1x256xf32>
    %mul3A_134 = arith.mulf %roll3A_73, %div3A_122 : vector<1x256xf32>
    %add3A_135 = arith.addf %mul3A_133, %mul3A_134 : vector<1x256xf32>
    %mul3A_136 = arith.mulf %roll3A_75, %div3A_123 : vector<1x256xf32>
    %add3A_137 = arith.addf %add3A_135, %mul3A_136 : vector<1x256xf32>
    %sign3A = tpu.bitcast %add3A_137 : vector<1x256xf32> -> vector<1x256xi32>
    %sign3A_138 = arith.constant -2147483648 : i32
    %sign3A_139 = vector.broadcast %sign3A_138 : i32 to vector<1x256xi32>
    %sign3A_140 = arith.andi %sign3A, %sign3A_139 : vector<1x256xi32>
    %sign3A_141 = arith.constant 1065353216 : i32
    %sign3A_142 = vector.broadcast %sign3A_141 : i32 to vector<1x256xi32>
    %sign3A_143 = arith.ori %sign3A_142, %sign3A_140 : vector<1x256xi32>
    %sign3A_144 = tpu.bitcast %sign3A_143 : vector<1x256xi32> -> vector<1x256xf32>
    %sign3A_145 = math.absf %add3A_137 : vector<1x256xf32>
    %sign3A_146 = arith.constant 0.000000e+00 : f32
    %sign3A_147 = vector.broadcast %sign3A_146 : f32 to vector<1x256xf32>
    %sign3A_148 = arith.cmpf ogt, %sign3A_145, %sign3A_147 : vector<1x256xf32>
    %sign3A_149 = arith.select %sign3A_148, %sign3A_144, %add3A_137 : vector<1x256xi1>, vector<1x256xf32>
    %mul3A_150 = arith.mulf %min3A_132, %min3A_132 : vector<1x256xf32>
    %sub3A_151 = arith.constant 1.000000e+00 : f32
    %sub3A_152 = vector.broadcast %sub3A_151 : f32 to vector<1x256xf32>
    %sub3A_153 = arith.subf %sub3A_152, %mul3A_150 : vector<1x256xf32>
    %sqrt3A_154 = math.sqrt %sub3A_153 : vector<1x256xf32>
    %mul3A_155 = arith.mulf %sign3A_149, %sqrt3A_154 : vector<1x256xf32>
    %mul3A_156 = arith.mulf %div3A_44, %div3A_57 : vector<1x256xf32>
    %mul3A_157 = arith.mulf %div3A_45, %div3A_56 : vector<1x256xf32>
    %sub3A_158 = arith.subf %mul3A_156, %mul3A_157 : vector<1x256xf32>
    %mul3A_159 = arith.mulf %div3A_45, %div3A_55 : vector<1x256xf32>
    %mul3A_160 = arith.mulf %div3A, %div3A_57 : vector<1x256xf32>
    %sub3A_161 = arith.subf %mul3A_159, %mul3A_160 : vector<1x256xf32>
    %mul3A_162 = arith.mulf %div3A, %div3A_56 : vector<1x256xf32>
    %mul3A_163 = arith.mulf %div3A_44, %div3A_55 : vector<1x256xf32>
    %sub3A_164 = arith.subf %mul3A_162, %mul3A_163 : vector<1x256xf32>
    %mul3A_165 = arith.mulf %sub3A_158, %sub3A_158 : vector<1x256xf32>
    %mul3A_166 = arith.mulf %sub3A_161, %sub3A_161 : vector<1x256xf32>
    %add3A_167 = arith.addf %mul3A_165, %mul3A_166 : vector<1x256xf32>
    %mul3A_168 = arith.mulf %sub3A_164, %sub3A_164 : vector<1x256xf32>
    %add3A_169 = arith.addf %add3A_167, %mul3A_168 : vector<1x256xf32>
    %sqrt3A_170 = math.sqrt %add3A_169 : vector<1x256xf32>
    %max3A_171 = arith.constant 9.99999996E-13 : f32
    %max3A_172 = vector.broadcast %max3A_171 : f32 to vector<1x256xf32>
    %max3A_173 = arith.maximumf %sqrt3A_170, %max3A_172 : vector<1x256xf32>
    %div3A_174 = arith.divf %sub3A_158, %max3A_173 : vector<1x256xf32>
    %div3A_175 = arith.divf %sub3A_161, %max3A_173 : vector<1x256xf32>
    %div3A_176 = arith.divf %sub3A_164, %max3A_173 : vector<1x256xf32>
    %mul3A_177 = arith.mulf %div3A_56, %div3A_69 : vector<1x256xf32>
    %mul3A_178 = arith.mulf %div3A_57, %div3A_68 : vector<1x256xf32>
    %sub3A_179 = arith.subf %mul3A_177, %mul3A_178 : vector<1x256xf32>
    %mul3A_180 = arith.mulf %div3A_57, %div3A_67 : vector<1x256xf32>
    %mul3A_181 = arith.mulf %div3A_55, %div3A_69 : vector<1x256xf32>
    %sub3A_182 = arith.subf %mul3A_180, %mul3A_181 : vector<1x256xf32>
    %mul3A_183 = arith.mulf %div3A_55, %div3A_68 : vector<1x256xf32>
    %mul3A_184 = arith.mulf %div3A_56, %div3A_67 : vector<1x256xf32>
    %sub3A_185 = arith.subf %mul3A_183, %mul3A_184 : vector<1x256xf32>
    %mul3A_186 = arith.mulf %sub3A_179, %sub3A_179 : vector<1x256xf32>
    %mul3A_187 = arith.mulf %sub3A_182, %sub3A_182 : vector<1x256xf32>
    %add3A_188 = arith.addf %mul3A_186, %mul3A_187 : vector<1x256xf32>
    %mul3A_189 = arith.mulf %sub3A_185, %sub3A_185 : vector<1x256xf32>
    %add3A_190 = arith.addf %add3A_188, %mul3A_189 : vector<1x256xf32>
    %sqrt3A_191 = math.sqrt %add3A_190 : vector<1x256xf32>
    %max3A_192 = arith.constant 9.99999996E-13 : f32
    %max3A_193 = vector.broadcast %max3A_192 : f32 to vector<1x256xf32>
    %max3A_194 = arith.maximumf %sqrt3A_191, %max3A_193 : vector<1x256xf32>
    %div3A_195 = arith.divf %sub3A_179, %max3A_194 : vector<1x256xf32>
    %div3A_196 = arith.divf %sub3A_182, %max3A_194 : vector<1x256xf32>
    %div3A_197 = arith.divf %sub3A_185, %max3A_194 : vector<1x256xf32>
    %mul3A_198 = arith.mulf %div3A_174, %div3A_195 : vector<1x256xf32>
    %mul3A_199 = arith.mulf %div3A_175, %div3A_196 : vector<1x256xf32>
    %add3A_200 = arith.addf %mul3A_198, %mul3A_199 : vector<1x256xf32>
    %mul3A_201 = arith.mulf %div3A_176, %div3A_197 : vector<1x256xf32>
    %add3A_202 = arith.addf %add3A_200, %mul3A_201 : vector<1x256xf32>
    %jit3A_203 = arith.constant -0.99999988 : f32
    %jit3A_204 = arith.constant 0.99999988 : f32
    %max3A_205 = vector.broadcast %jit3A_203 : f32 to vector<1x256xf32>
    %max3A_206 = arith.maximumf %max3A_205, %add3A_202 : vector<1x256xf32>
    %min3A_207 = vector.broadcast %jit3A_204 : f32 to vector<1x256xf32>
    %min3A_208 = arith.minimumf %min3A_207, %max3A_206 : vector<1x256xf32>
    %mul3A_209 = arith.mulf %div3A, %div3A_195 : vector<1x256xf32>
    %mul3A_210 = arith.mulf %div3A_44, %div3A_196 : vector<1x256xf32>
    %add3A_211 = arith.addf %mul3A_209, %mul3A_210 : vector<1x256xf32>
    %mul3A_212 = arith.mulf %div3A_45, %div3A_197 : vector<1x256xf32>
    %add3A_213 = arith.addf %add3A_211, %mul3A_212 : vector<1x256xf32>
    %sign3A_214 = tpu.bitcast %add3A_213 : vector<1x256xf32> -> vector<1x256xi32>
    %sign3A_215 = arith.constant -2147483648 : i32
    %sign3A_216 = vector.broadcast %sign3A_215 : i32 to vector<1x256xi32>
    %sign3A_217 = arith.andi %sign3A_214, %sign3A_216 : vector<1x256xi32>
    %sign3A_218 = arith.constant 1065353216 : i32
    %sign3A_219 = vector.broadcast %sign3A_218 : i32 to vector<1x256xi32>
    %sign3A_220 = arith.ori %sign3A_219, %sign3A_217 : vector<1x256xi32>
    %sign3A_221 = tpu.bitcast %sign3A_220 : vector<1x256xi32> -> vector<1x256xf32>
    %sign3A_222 = math.absf %add3A_213 : vector<1x256xf32>
    %sign3A_223 = arith.constant 0.000000e+00 : f32
    %sign3A_224 = vector.broadcast %sign3A_223 : f32 to vector<1x256xf32>
    %sign3A_225 = arith.cmpf ogt, %sign3A_222, %sign3A_224 : vector<1x256xf32>
    %sign3A_226 = arith.select %sign3A_225, %sign3A_221, %add3A_213 : vector<1x256xi1>, vector<1x256xf32>
    %mul3A_227 = arith.mulf %min3A_208, %min3A_208 : vector<1x256xf32>
    %sub3A_228 = arith.constant 1.000000e+00 : f32
    %sub3A_229 = vector.broadcast %sub3A_228 : f32 to vector<1x256xf32>
    %sub3A_230 = arith.subf %sub3A_229, %mul3A_227 : vector<1x256xf32>
    %sqrt3A_231 = math.sqrt %sub3A_230 : vector<1x256xf32>
    %mul3A_232 = arith.mulf %sign3A_226, %sqrt3A_231 : vector<1x256xf32>
    %mul3A_233 = arith.mulf %div3A_56, %div3A_69 : vector<1x256xf32>
    %mul3A_234 = arith.mulf %div3A_57, %div3A_68 : vector<1x256xf32>
    %sub3A_235 = arith.subf %mul3A_233, %mul3A_234 : vector<1x256xf32>
    %mul3A_236 = arith.mulf %div3A_57, %div3A_67 : vector<1x256xf32>
    %mul3A_237 = arith.mulf %div3A_55, %div3A_69 : vector<1x256xf32>
    %sub3A_238 = arith.subf %mul3A_236, %mul3A_237 : vector<1x256xf32>
    %mul3A_239 = arith.mulf %div3A_55, %div3A_68 : vector<1x256xf32>
    %mul3A_240 = arith.mulf %div3A_56, %div3A_67 : vector<1x256xf32>
    %sub3A_241 = arith.subf %mul3A_239, %mul3A_240 : vector<1x256xf32>
    %mul3A_242 = arith.mulf %sub3A_235, %sub3A_235 : vector<1x256xf32>
    %mul3A_243 = arith.mulf %sub3A_238, %sub3A_238 : vector<1x256xf32>
    %add3A_244 = arith.addf %mul3A_242, %mul3A_243 : vector<1x256xf32>
    %mul3A_245 = arith.mulf %sub3A_241, %sub3A_241 : vector<1x256xf32>
    %add3A_246 = arith.addf %add3A_244, %mul3A_245 : vector<1x256xf32>
    %sqrt3A_247 = math.sqrt %add3A_246 : vector<1x256xf32>
    %max3A_248 = arith.constant 9.99999996E-13 : f32
    %max3A_249 = vector.broadcast %max3A_248 : f32 to vector<1x256xf32>
    %max3A_250 = arith.maximumf %sqrt3A_247, %max3A_249 : vector<1x256xf32>
    %div3A_251 = arith.divf %sub3A_235, %max3A_250 : vector<1x256xf32>
    %div3A_252 = arith.divf %sub3A_238, %max3A_250 : vector<1x256xf32>
    %div3A_253 = arith.divf %sub3A_241, %max3A_250 : vector<1x256xf32>
    %mul3A_254 = arith.mulf %div3A_68, %roll3A_81 : vector<1x256xf32>
    %mul3A_255 = arith.mulf %div3A_69, %roll3A_79 : vector<1x256xf32>
    %sub3A_256 = arith.subf %mul3A_254, %mul3A_255 : vector<1x256xf32>
    %mul3A_257 = arith.mulf %div3A_69, %roll3A_77 : vector<1x256xf32>
    %mul3A_258 = arith.mulf %div3A_67, %roll3A_81 : vector<1x256xf32>
    %sub3A_259 = arith.subf %mul3A_257, %mul3A_258 : vector<1x256xf32>
    %mul3A_260 = arith.mulf %div3A_67, %roll3A_79 : vector<1x256xf32>
    %mul3A_261 = arith.mulf %div3A_68, %roll3A_77 : vector<1x256xf32>
    %sub3A_262 = arith.subf %mul3A_260, %mul3A_261 : vector<1x256xf32>
    %mul3A_263 = arith.mulf %sub3A_256, %sub3A_256 : vector<1x256xf32>
    %mul3A_264 = arith.mulf %sub3A_259, %sub3A_259 : vector<1x256xf32>
    %add3A_265 = arith.addf %mul3A_263, %mul3A_264 : vector<1x256xf32>
    %mul3A_266 = arith.mulf %sub3A_262, %sub3A_262 : vector<1x256xf32>
    %add3A_267 = arith.addf %add3A_265, %mul3A_266 : vector<1x256xf32>
    %sqrt3A_268 = math.sqrt %add3A_267 : vector<1x256xf32>
    %max3A_269 = arith.constant 9.99999996E-13 : f32
    %max3A_270 = vector.broadcast %max3A_269 : f32 to vector<1x256xf32>
    %max3A_271 = arith.maximumf %sqrt3A_268, %max3A_270 : vector<1x256xf32>
    %div3A_272 = arith.divf %sub3A_256, %max3A_271 : vector<1x256xf32>
    %div3A_273 = arith.divf %sub3A_259, %max3A_271 : vector<1x256xf32>
    %div3A_274 = arith.divf %sub3A_262, %max3A_271 : vector<1x256xf32>
    %mul3A_275 = arith.mulf %div3A_251, %div3A_272 : vector<1x256xf32>
    %mul3A_276 = arith.mulf %div3A_252, %div3A_273 : vector<1x256xf32>
    %add3A_277 = arith.addf %mul3A_275, %mul3A_276 : vector<1x256xf32>
    %mul3A_278 = arith.mulf %div3A_253, %div3A_274 : vector<1x256xf32>
    %add3A_279 = arith.addf %add3A_277, %mul3A_278 : vector<1x256xf32>
    %jit3A_280 = arith.constant -0.99999988 : f32
    %jit3A_281 = arith.constant 0.99999988 : f32
    %max3A_282 = vector.broadcast %jit3A_280 : f32 to vector<1x256xf32>
    %max3A_283 = arith.maximumf %max3A_282, %add3A_279 : vector<1x256xf32>
    %min3A_284 = vector.broadcast %jit3A_281 : f32 to vector<1x256xf32>
    %min3A_285 = arith.minimumf %min3A_284, %max3A_283 : vector<1x256xf32>
    %mul3A_286 = arith.mulf %div3A_55, %div3A_272 : vector<1x256xf32>
    %mul3A_287 = arith.mulf %div3A_56, %div3A_273 : vector<1x256xf32>
    %add3A_288 = arith.addf %mul3A_286, %mul3A_287 : vector<1x256xf32>
    %mul3A_289 = arith.mulf %div3A_57, %div3A_274 : vector<1x256xf32>
    %add3A_290 = arith.addf %add3A_288, %mul3A_289 : vector<1x256xf32>
    %sign3A_291 = tpu.bitcast %add3A_290 : vector<1x256xf32> -> vector<1x256xi32>
    %sign3A_292 = arith.constant -2147483648 : i32
    %sign3A_293 = vector.broadcast %sign3A_292 : i32 to vector<1x256xi32>
    %sign3A_294 = arith.andi %sign3A_291, %sign3A_293 : vector<1x256xi32>
    %sign3A_295 = arith.constant 1065353216 : i32
    %sign3A_296 = vector.broadcast %sign3A_295 : i32 to vector<1x256xi32>
    %sign3A_297 = arith.ori %sign3A_296, %sign3A_294 : vector<1x256xi32>
    %sign3A_298 = tpu.bitcast %sign3A_297 : vector<1x256xi32> -> vector<1x256xf32>
    %sign3A_299 = math.absf %add3A_290 : vector<1x256xf32>
    %sign3A_300 = arith.constant 0.000000e+00 : f32
    %sign3A_301 = vector.broadcast %sign3A_300 : f32 to vector<1x256xf32>
    %sign3A_302 = arith.cmpf ogt, %sign3A_299, %sign3A_301 : vector<1x256xf32>
    %sign3A_303 = arith.select %sign3A_302, %sign3A_298, %add3A_290 : vector<1x256xi1>, vector<1x256xf32>
    %mul3A_304 = arith.mulf %min3A_285, %min3A_285 : vector<1x256xf32>
    %sub3A_305 = arith.constant 1.000000e+00 : f32
    %sub3A_306 = vector.broadcast %sub3A_305 : f32 to vector<1x256xf32>
    %sub3A_307 = arith.subf %sub3A_306, %mul3A_304 : vector<1x256xf32>
    %sqrt3A_308 = math.sqrt %sub3A_307 : vector<1x256xf32>
    %mul3A_309 = arith.mulf %sign3A_303, %sqrt3A_308 : vector<1x256xf32>
    %iota3A = tpu.iota {dimensions = array<i32: 1>} : vector<1x256xi32>
    %convert_element_type3A = arith.sitofp %iota3A : vector<1x256xi32> to vector<1x256xf32>
    %lt3A = arith.constant 5.000000e-01 : f32
    %lt3A_310 = vector.broadcast %lt3A : f32 to vector<1x256xf32>
    %lt3A_311 = arith.cmpf olt, %convert_element_type3A, %lt3A_310 : vector<1x256xf32>
    %gt3A = arith.constant 2.545000e+02 : f32
    %gt3A_312 = vector.broadcast %gt3A : f32 to vector<1x256xf32>
    %gt3A_313 = arith.cmpf ogt, %convert_element_type3A, %gt3A_312 : vector<1x256xf32>
    %jit3A_314 = arith.constant 1.000000e+00 : f32
    %broadcast_in_dim3A = vector.broadcast %jit3A_314 : f32 to vector<1x256xf32>
    %select_n3A = arith.select %lt3A_311, %broadcast_in_dim3A, %min3A_132 : vector<1x256xi1>, vector<1x256xf32>
    %jit3A_315 = arith.constant 0.000000e+00 : f32
    %broadcast_in_dim3A_316 = vector.broadcast %jit3A_315 : f32 to vector<1x256xf32>
    %select_n3A_317 = arith.select %lt3A_311, %broadcast_in_dim3A_316, %mul3A_155 : vector<1x256xi1>, vector<1x256xf32>
    %jit3A_318 = arith.constant 1.000000e+00 : f32
    %broadcast_in_dim3A_319 = vector.broadcast %jit3A_318 : f32 to vector<1x256xf32>
    %select_n3A_320 = arith.select %gt3A_313, %broadcast_in_dim3A_319, %min3A_208 : vector<1x256xi1>, vector<1x256xf32>
    %jit3A_321 = arith.constant 0.000000e+00 : f32
    %broadcast_in_dim3A_322 = vector.broadcast %jit3A_321 : f32 to vector<1x256xf32>
    %select_n3A_323 = arith.select %gt3A_313, %broadcast_in_dim3A_322, %mul3A_232 : vector<1x256xi1>, vector<1x256xf32>
    %jit3A_324 = arith.constant 1.000000e+00 : f32
    %broadcast_in_dim3A_325 = vector.broadcast %jit3A_324 : f32 to vector<1x256xf32>
    %select_n3A_326 = arith.select %gt3A_313, %broadcast_in_dim3A_325, %min3A_285 : vector<1x256xi1>, vector<1x256xf32>
    %jit3A_327 = arith.constant 0.000000e+00 : f32
    %broadcast_in_dim3A_328 = vector.broadcast %jit3A_327 : f32 to vector<1x256xf32>
    %select_n3A_329 = arith.select %gt3A_313, %broadcast_in_dim3A_328, %mul3A_309 : vector<1x256xi1>, vector<1x256xf32>
    %concatenate3A = tpu.concatenate %select_n3A, %select_n3A_320, %select_n3A_326, %select_n3A_317, %select_n3A_323, %select_n3A_329 in 0 : vector<1x256xf32>, vector<1x256xf32>, vector<1x256xf32>, vector<1x256xf32>, vector<1x256xf32>, vector<1x256xf32> -> vector<6x256xf32>
    %get3A_330 = arith.constant 0 : index
    %get3A_331 = arith.constant 0 : index
    %get3A_332 = vector.load %arg3[%get3A_330, %get3A_331] : memref<6x128xf32, #tpu.memory_space<vmem>>, vector<6x128xf32>
    %dot_general3A = arith.constant dense<0.000000e+00> : vector<256x128xf32>
    %dot_general3A_333 = tpu.matmul %concatenate3A, %get3A_332, %dot_general3A {dimension_numbers = #tpu.dot_dimension_numbers<[0], [0], [1], [1], [0, 1, 1, 1], [], []>, transpose_lhs_hint = false} : vector<6x256xf32>, vector<6x128xf32>, vector<256x128xf32> -> vector<256x128xf32>
    %get3A_334 = arith.constant 0 : index
    %get3A_335 = arith.constant 0 : index
    %get3A_336 = vector.load %arg4[%get3A_334, %get3A_335] : memref<1x128xf32, #tpu.memory_space<vmem>>, vector<1x128xf32>
    %add3A_337 = vector.broadcast %get3A_336 : vector<1x128xf32> to vector<256x128xf32>
    %add3A_338 = arith.addf %dot_general3A_333, %add3A_337 : vector<256x128xf32>
    %reduce_sum3A = arith.constant dense<0.000000e+00> : vector<256xf32>
    %reduce_sum3A_339 = vector.multi_reduction <add>, %add3A_338, %reduce_sum3A [1] : vector<256x128xf32> to vector<256xf32>
    %broadcast_in_dim3A_340 = vector.shape_cast %reduce_sum3A_339 : vector<256xf32> to vector<256x1xf32>
    %div3A_341 = arith.constant 1.280000e+02 : f32
    %div3A_342 = vector.broadcast %div3A_341 : f32 to vector<256x1xf32>
    %div3A_343 = arith.divf %broadcast_in_dim3A_340, %div3A_342 : vector<256x1xf32>
    %sub3A_344 = vector.broadcast %div3A_343 : vector<256x1xf32> to vector<256x128xf32>
    %sub3A_345 = arith.subf %add3A_338, %sub3A_344 : vector<256x128xf32>
    %integer_pow3A = arith.mulf %sub3A_345, %sub3A_345 : vector<256x128xf32>
    %reduce_sum3A_346 = arith.constant dense<0.000000e+00> : vector<256xf32>
    %reduce_sum3A_347 = vector.multi_reduction <add>, %integer_pow3A, %reduce_sum3A_346 [1] : vector<256x128xf32> to vector<256xf32>
    %broadcast_in_dim3A_348 = vector.shape_cast %reduce_sum3A_347 : vector<256xf32> to vector<256x1xf32>
    %div3A_349 = arith.constant 1.280000e+02 : f32
    %div3A_350 = vector.broadcast %div3A_349 : f32 to vector<256x1xf32>
    %div3A_351 = arith.divf %broadcast_in_dim3A_348, %div3A_350 : vector<256x1xf32>
    %get3A_352 = arith.constant 0 : index
    %get3A_353 = arith.constant 0 : index
    %get3A_354 = vector.load %arg5[%get3A_352, %get3A_353] : memref<1x128xf32, #tpu.memory_space<vmem>>, vector<1x128xf32>
    %sub3A_355 = vector.broadcast %div3A_343 : vector<256x1xf32> to vector<256x128xf32>
    %sub3A_356 = arith.subf %add3A_338, %sub3A_355 : vector<256x128xf32>
    %mul3A_357 = vector.broadcast %get3A_354 : vector<1x128xf32> to vector<256x128xf32>
    %mul3A_358 = arith.mulf %mul3A_357, %sub3A_356 : vector<256x128xf32>
    %add3A_359 = arith.constant 9.99999997E-7 : f32
    %add3A_360 = vector.broadcast %add3A_359 : f32 to vector<256x1xf32>
    %add3A_361 = arith.addf %div3A_351, %add3A_360 : vector<256x1xf32>
    %sqrt3A_362 = math.sqrt %add3A_361 : vector<256x1xf32>
    %div3A_363 = vector.broadcast %sqrt3A_362 : vector<256x1xf32> to vector<256x128xf32>
    %div3A_364 = arith.divf %mul3A_358, %div3A_363 : vector<256x128xf32>
    %get3A_365 = arith.constant 0 : index
    %get3A_366 = arith.constant 0 : index
    %get3A_367 = vector.load %arg6[%get3A_365, %get3A_366] : memref<1x128xf32, #tpu.memory_space<vmem>>, vector<1x128xf32>
    %add3A_368 = vector.broadcast %get3A_367 : vector<1x128xf32> to vector<256x128xf32>
    %add3A_369 = arith.addf %div3A_364, %add3A_368 : vector<256x128xf32>
    %get3A_370 = arith.constant 0 : index
    %get3A_371 = arith.constant 0 : index
    %get3A_372 = vector.load %arg7[%get3A_370, %get3A_371] : memref<128x128xf32, #tpu.memory_space<vmem>>, vector<128x128xf32>
    %dot_general3A_373 = arith.constant dense<0.000000e+00> : vector<256x128xf32>
    %dot_general3A_374 = tpu.matmul %add3A_369, %get3A_372, %dot_general3A_373 {dimension_numbers = #tpu.dot_dimension_numbers<[1], [0], [0], [1], [0, 0, 1, 1], [], []>, transpose_lhs_hint = false} : vector<256x128xf32>, vector<128x128xf32>, vector<256x128xf32> -> vector<256x128xf32>
    %get3A_375 = arith.constant 0 : index
    %get3A_376 = arith.constant 0 : index
    %get3A_377 = vector.load %arg8[%get3A_375, %get3A_376] : memref<1x128xf32, #tpu.memory_space<vmem>>, vector<1x128xf32>
    %add3A_378 = vector.broadcast %get3A_377 : vector<1x128xf32> to vector<256x128xf32>
    %add3A_379 = arith.addf %dot_general3A_374, %add3A_378 : vector<256x128xf32>
    %swap3A = arith.constant 0 : index
    %swap3A_380 = arith.constant 0 : index
    %swap3A_381 = arith.constant 0 : index
    %swap3A_382 = vector.load %arg9[%swap3A, %swap3A_380, %swap3A_381] : memref<1x256x128xf32, #tpu.memory_space<vmem>>, vector<1x256x128xf32>
    %swap3A_383 = vector.shape_cast %swap3A_382 : vector<1x256x128xf32> to vector<256x128xf32>
    %swap3A_384 = vector.shape_cast %add3A_379 : vector<256x128xf32> to vector<1x256x128xf32>
    tpu.vector_store %arg9[%swap3A, %swap3A_380, %swap3A_381], %swap3A_384 {strides = array<i32>} : memref<1x256x128xf32, #tpu.memory_space<vmem>>, vector<1x256x128xf32>,
    %slice3A_385 = vector.extract_strided_slice %get3A_8 {offsets = [0, 0], sizes = [256, 1], strides = [1, 1]} : vector<256x3xf32> to vector<256x1xf32>
    %slice3A_386 = vector.extract_strided_slice %get3A_3 {offsets = [3, 0], sizes = [1, 256], strides = [1, 1]} : vector<12x256xf32> to vector<1x256xf32>
    %sub3A_387 = vector.broadcast %slice3A_385 : vector<256x1xf32> to vector<256x256xf32>
    %sub3A_388 = vector.broadcast %slice3A_386 : vector<1x256xf32> to vector<256x256xf32>
    %sub3A_389 = arith.subf %sub3A_387, %sub3A_388 : vector<256x256xf32>
    %mul3A_390 = arith.mulf %sub3A_389, %sub3A_389 : vector<256x256xf32>
    %slice3A_391 = vector.extract_strided_slice %get3A_8 {offsets = [0, 1], sizes = [256, 1], strides = [1, 1]} : vector<256x3xf32> to vector<256x1xf32>
    %slice3A_392 = vector.extract_strided_slice %get3A_3 {offsets = [4, 0], sizes = [1, 256], strides = [1, 1]} : vector<12x256xf32> to vector<1x256xf32>
    %sub3A_393 = vector.broadcast %slice3A_391 : vector<256x1xf32> to vector<256x256xf32>
    %sub3A_394 = vector.broadcast %slice3A_392 : vector<1x256xf32> to vector<256x256xf32>
    %sub3A_395 = arith.subf %sub3A_393, %sub3A_394 : vector<256x256xf32>
    %mul3A_396 = arith.mulf %sub3A_395, %sub3A_395 : vector<256x256xf32>
    %add3A_397 = arith.addf %mul3A_390, %mul3A_396 : vector<256x256xf32>
    %slice3A_398 = vector.extract_strided_slice %get3A_8 {offsets = [0, 2], sizes = [256, 1], strides = [1, 1]} : vector<256x3xf32> to vector<256x1xf32>
    %slice3A_399 = vector.extract_strided_slice %get3A_3 {offsets = [5, 0], sizes = [1, 256], strides = [1, 1]} : vector<12x256xf32> to vector<1x256xf32>
    %sub3A_400 = vector.broadcast %slice3A_398 : vector<256x1xf32> to vector<256x256xf32>
    %sub3A_401 = vector.broadcast %slice3A_399 : vector<1x256xf32> to vector<256x256xf32>
    %sub3A_402 = arith.subf %sub3A_400, %sub3A_401 : vector<256x256xf32>
    %mul3A_403 = arith.mulf %sub3A_402, %sub3A_402 : vector<256x256xf32>
    %add3A_404 = arith.addf %add3A_397, %mul3A_403 : vector<256x256xf32>
    %add3A_405 = arith.constant 9.99999997E-7 : f32
    %add3A_406 = vector.broadcast %add3A_405 : f32 to vector<256x256xf32>
    %add3A_407 = arith.addf %add3A_404, %add3A_406 : vector<256x256xf32>
    %sqrt3A_408 = math.sqrt %add3A_407 : vector<256x256xf32>
    %iota3A_409 = tpu.iota {dimensions = array<i32: 1>} : vector<256x256xi32>
    %reduce_min3A = arith.constant dense<0x7F800000> : vector<256xf32>
    %reduce_min3A_410 = vector.multi_reduction <minimumf>, %sqrt3A_408, %reduce_min3A [1] : vector<256x256xf32> to vector<256xf32>
    %broadcast_in_dim3A_411 = vector.shape_cast %reduce_min3A_410 : vector<256xf32> to vector<256x1xf32>
    %eq3A = vector.broadcast %broadcast_in_dim3A_411 : vector<256x1xf32> to vector<256x256xf32>
    %eq3A_412 = arith.cmpf oeq, %sqrt3A_408, %eq3A : vector<256x256xf32>
    %jit3A_413 = arith.constant 256 : i32
    %broadcast_in_dim3A_414 = vector.broadcast %jit3A_413 : i32 to vector<256x256xi32>
    %select_n3A_415 = arith.select %eq3A_412, %iota3A_409, %broadcast_in_dim3A_414 : vector<256x256xi1>, vector<256x256xi32>
    %reduce_min3A_416 = arith.constant dense<2147483647> : vector<256xi32>
    %reduce_min3A_417 = vector.multi_reduction <minsi>, %select_n3A_415, %reduce_min3A_416 [1] : vector<256x256xi32> to vector<256xi32>
    %broadcast_in_dim3A_418 = vector.shape_cast %reduce_min3A_417 : vector<256xi32> to vector<256x1xi32>
    %eq3A_419 = vector.broadcast %broadcast_in_dim3A_418 : vector<256x1xi32> to vector<256x256xi32>
    %eq3A_420 = arith.cmpi eq, %iota3A_409, %eq3A_419 : vector<256x256xi32>
    %jit3A_421 = arith.constant 0x7F800000 : f32
    %broadcast_in_dim3A_422 = vector.broadcast %jit3A_421 : f32 to vector<256x256xf32>
    %select_n3A_423 = arith.select %eq3A_420, %broadcast_in_dim3A_422, %sqrt3A_408 : vector<256x256xi1>, vector<256x256xf32>
    %reduce_min3A_424 = arith.constant dense<0x7F800000> : vector<256xf32>
    %reduce_min3A_425 = vector.multi_reduction <minimumf>, %select_n3A_423, %reduce_min3A_424 [1] : vector<256x256xf32> to vector<256xf32>
    %broadcast_in_dim3A_426 = vector.shape_cast %reduce_min3A_425 : vector<256xf32> to vector<256x1xf32>
    %eq3A_427 = vector.broadcast %broadcast_in_dim3A_426 : vector<256x1xf32> to vector<256x256xf32>
    %eq3A_428 = arith.cmpf oeq, %select_n3A_423, %eq3A_427 : vector<256x256xf32>
    %jit3A_429 = arith.constant 256 : i32
    %broadcast_in_dim3A_430 = vector.broadcast %jit3A_429 : i32 to vector<256x256xi32>
    %select_n3A_431 = arith.select %eq3A_428, %iota3A_409, %broadcast_in_dim3A_430 : vector<256x256xi1>, vector<256x256xi32>
    %reduce_min3A_432 = arith.constant dense<2147483647> : vector<256xi32>
    %reduce_min3A_433 = vector.multi_reduction <minsi>, %select_n3A_431, %reduce_min3A_432 [1] : vector<256x256xi32> to vector<256xi32>
    %broadcast_in_dim3A_434 = vector.shape_cast %reduce_min3A_433 : vector<256xi32> to vector<256x1xi32>
    %eq3A_435 = vector.broadcast %broadcast_in_dim3A_434 : vector<256x1xi32> to vector<256x256xi32>
    %eq3A_436 = arith.cmpi eq, %iota3A_409, %eq3A_435 : vector<256x256xi32>
    %jit3A_437 = arith.constant 0x7F800000 : f32
    %broadcast_in_dim3A_438 = vector.broadcast %jit3A_437 : f32 to vector<256x256xf32>
    %select_n3A_439 = arith.select %eq3A_436, %broadcast_in_dim3A_438, %select_n3A_423 : vector<256x256xi1>, vector<256x256xf32>
    %reduce_min3A_440 = arith.constant dense<0x7F800000> : vector<256xf32>
    %reduce_min3A_441 = vector.multi_reduction <minimumf>, %select_n3A_439, %reduce_min3A_440 [1] : vector<256x256xf32> to vector<256xf32>
    %broadcast_in_dim3A_442 = vector.shape_cast %reduce_min3A_441 : vector<256xf32> to vector<256x1xf32>
    %eq3A_443 = vector.broadcast %broadcast_in_dim3A_442 : vector<256x1xf32> to vector<256x256xf32>
    %eq3A_444 = arith.cmpf oeq, %select_n3A_439, %eq3A_443 : vector<256x256xf32>
    %jit3A_445 = arith.constant 256 : i32
    %broadcast_in_dim3A_446 = vector.broadcast %jit3A_445 : i32 to vector<256x256xi32>
    %select_n3A_447 = arith.select %eq3A_444, %iota3A_409, %broadcast_in_dim3A_446 : vector<256x256xi1>, vector<256x256xi32>
    %reduce_min3A_448 = arith.constant dense<2147483647> : vector<256xi32>
    %reduce_min3A_449 = vector.multi_reduction <minsi>, %select_n3A_447, %reduce_min3A_448 [1] : vector<256x256xi32> to vector<256xi32>
    %broadcast_in_dim3A_450 = vector.shape_cast %reduce_min3A_449 : vector<256xi32> to vector<256x1xi32>
    %eq3A_451 = vector.broadcast %broadcast_in_dim3A_450 : vector<256x1xi32> to vector<256x256xi32>
    %eq3A_452 = arith.cmpi eq, %iota3A_409, %eq3A_451 : vector<256x256xi32>
    %jit3A_453 = arith.constant 0x7F800000 : f32
    %broadcast_in_dim3A_454 = vector.broadcast %jit3A_453 : f32 to vector<256x256xf32>
    %select_n3A_455 = arith.select %eq3A_452, %broadcast_in_dim3A_454, %select_n3A_439 : vector<256x256xi1>, vector<256x256xf32>
    %reduce_min3A_456 = arith.constant dense<0x7F800000> : vector<256xf32>
    %reduce_min3A_457 = vector.multi_reduction <minimumf>, %select_n3A_455, %reduce_min3A_456 [1] : vector<256x256xf32> to vector<256xf32>
    %broadcast_in_dim3A_458 = vector.shape_cast %reduce_min3A_457 : vector<256xf32> to vector<256x1xf32>
    %eq3A_459 = vector.broadcast %broadcast_in_dim3A_458 : vector<256x1xf32> to vector<256x256xf32>
    %eq3A_460 = arith.cmpf oeq, %select_n3A_455, %eq3A_459 : vector<256x256xf32>
    %jit3A_461 = arith.constant 256 : i32
    %broadcast_in_dim3A_462 = vector.broadcast %jit3A_461 : i32 to vector<256x256xi32>
    %select_n3A_463 = arith.select %eq3A_460, %iota3A_409, %broadcast_in_dim3A_462 : vector<256x256xi1>, vector<256x256xi32>
    %reduce_min3A_464 = arith.constant dense<2147483647> : vector<256xi32>
    %reduce_min3A_465 = vector.multi_reduction <minsi>, %select_n3A_463, %reduce_min3A_464 [1] : vector<256x256xi32> to vector<256xi32>
    %broadcast_in_dim3A_466 = vector.shape_cast %reduce_min3A_465 : vector<256xi32> to vector<256x1xi32>
    %eq3A_467 = vector.broadcast %broadcast_in_dim3A_466 : vector<256x1xi32> to vector<256x256xi32>
    %eq3A_468 = arith.cmpi eq, %iota3A_409, %eq3A_467 : vector<256x256xi32>
    %jit3A_469 = arith.constant 0x7F800000 : f32
    %broadcast_in_dim3A_470 = vector.broadcast %jit3A_469 : f32 to vector<256x256xf32>
    %select_n3A_471 = arith.select %eq3A_468, %broadcast_in_dim3A_470, %select_n3A_455 : vector<256x256xi1>, vector<256x256xf32>
    %reduce_min3A_472 = arith.constant dense<0x7F800000> : vector<256xf32>
    %reduce_min3A_473 = vector.multi_reduction <minimumf>, %select_n3A_471, %reduce_min3A_472 [1] : vector<256x256xf32> to vector<256xf32>
    %broadcast_in_dim3A_474 = vector.shape_cast %reduce_min3A_473 : vector<256xf32> to vector<256x1xf32>
    %eq3A_475 = vector.broadcast %broadcast_in_dim3A_474 : vector<256x1xf32> to vector<256x256xf32>
    %eq3A_476 = arith.cmpf oeq, %select_n3A_471, %eq3A_475 : vector<256x256xf32>
    %jit3A_477 = arith.constant 256 : i32
    %broadcast_in_dim3A_478 = vector.broadcast %jit3A_477 : i32 to vector<256x256xi32>
    %select_n3A_479 = arith.select %eq3A_476, %iota3A_409, %broadcast_in_dim3A_478 : vector<256x256xi1>, vector<256x256xi32>
    %reduce_min3A_480 = arith.constant dense<2147483647> : vector<256xi32>
    %reduce_min3A_481 = vector.multi_reduction <minsi>, %select_n3A_479, %reduce_min3A_480 [1] : vector<256x256xi32> to vector<256xi32>
    %broadcast_in_dim3A_482 = vector.shape_cast %reduce_min3A_481 : vector<256xi32> to vector<256x1xi32>
    %eq3A_483 = vector.broadcast %broadcast_in_dim3A_482 : vector<256x1xi32> to vector<256x256xi32>
    %eq3A_484 = arith.cmpi eq, %iota3A_409, %eq3A_483 : vector<256x256xi32>
    %jit3A_485 = arith.constant 0x7F800000 : f32
    %broadcast_in_dim3A_486 = vector.broadcast %jit3A_485 : f32 to vector<256x256xf32>
    %select_n3A_487 = arith.select %eq3A_484, %broadcast_in_dim3A_486, %select_n3A_471 : vector<256x256xi1>, vector<256x256xf32>
    %reduce_min3A_488 = arith.constant dense<0x7F800000> : vector<256xf32>
    %reduce_min3A_489 = vector.multi_reduction <minimumf>, %select_n3A_487, %reduce_min3A_488 [1] : vector<256x256xf32> to vector<256xf32>
    %broadcast_in_dim3A_490 = vector.shape_cast %reduce_min3A_489 : vector<256xf32> to vector<256x1xf32>
    %eq3A_491 = vector.broadcast %broadcast_in_dim3A_490 : vector<256x1xf32> to vector<256x256xf32>
    %eq3A_492 = arith.cmpf oeq, %select_n3A_487, %eq3A_491 : vector<256x256xf32>
    %jit3A_493 = arith.constant 256 : i32
    %broadcast_in_dim3A_494 = vector.broadcast %jit3A_493 : i32 to vector<256x256xi32>
    %select_n3A_495 = arith.select %eq3A_492, %iota3A_409, %broadcast_in_dim3A_494 : vector<256x256xi1>, vector<256x256xi32>
    %reduce_min3A_496 = arith.constant dense<2147483647> : vector<256xi32>
    %reduce_min3A_497 = vector.multi_reduction <minsi>, %select_n3A_495, %reduce_min3A_496 [1] : vector<256x256xi32> to vector<256xi32>
    %broadcast_in_dim3A_498 = vector.shape_cast %reduce_min3A_497 : vector<256xi32> to vector<256x1xi32>
    %eq3A_499 = vector.broadcast %broadcast_in_dim3A_498 : vector<256x1xi32> to vector<256x256xi32>
    %eq3A_500 = arith.cmpi eq, %iota3A_409, %eq3A_499 : vector<256x256xi32>
    %jit3A_501 = arith.constant 0x7F800000 : f32
    %broadcast_in_dim3A_502 = vector.broadcast %jit3A_501 : f32 to vector<256x256xf32>
    %select_n3A_503 = arith.select %eq3A_500, %broadcast_in_dim3A_502, %select_n3A_487 : vector<256x256xi1>, vector<256x256xf32>
    %reduce_min3A_504 = arith.constant dense<0x7F800000> : vector<256xf32>
    %reduce_min3A_505 = vector.multi_reduction <minimumf>, %select_n3A_503, %reduce_min3A_504 [1] : vector<256x256xf32> to vector<256xf32>
    %broadcast_in_dim3A_506 = vector.shape_cast %reduce_min3A_505 : vector<256xf32> to vector<256x1xf32>
    %eq3A_507 = vector.broadcast %broadcast_in_dim3A_506 : vector<256x1xf32> to vector<256x256xf32>
    %eq3A_508 = arith.cmpf oeq, %select_n3A_503, %eq3A_507 : vector<256x256xf32>
    %jit3A_509 = arith.constant 256 : i32
    %broadcast_in_dim3A_510 = vector.broadcast %jit3A_509 : i32 to vector<256x256xi32>
    %select_n3A_511 = arith.select %eq3A_508, %iota3A_409, %broadcast_in_dim3A_510 : vector<256x256xi1>, vector<256x256xi32>
    %reduce_min3A_512 = arith.constant dense<2147483647> : vector<256xi32>
    %reduce_min3A_513 = vector.multi_reduction <minsi>, %select_n3A_511, %reduce_min3A_512 [1] : vector<256x256xi32> to vector<256xi32>
    %broadcast_in_dim3A_514 = vector.shape_cast %reduce_min3A_513 : vector<256xi32> to vector<256x1xi32>
    %eq3A_515 = vector.broadcast %broadcast_in_dim3A_514 : vector<256x1xi32> to vector<256x256xi32>
    %eq3A_516 = arith.cmpi eq, %iota3A_409, %eq3A_515 : vector<256x256xi32>
    %jit3A_517 = arith.constant 0x7F800000 : f32
    %broadcast_in_dim3A_518 = vector.broadcast %jit3A_517 : f32 to vector<256x256xf32>
    %select_n3A_519 = arith.select %eq3A_516, %broadcast_in_dim3A_518, %select_n3A_503 : vector<256x256xi1>, vector<256x256xf32>
    %reduce_min3A_520 = arith.constant dense<0x7F800000> : vector<256xf32>
    %reduce_min3A_521 = vector.multi_reduction <minimumf>, %select_n3A_519, %reduce_min3A_520 [1] : vector<256x256xf32> to vector<256xf32>
    %broadcast_in_dim3A_522 = vector.shape_cast %reduce_min3A_521 : vector<256xf32> to vector<256x1xf32>
    %eq3A_523 = vector.broadcast %broadcast_in_dim3A_522 : vector<256x1xf32> to vector<256x256xf32>
    %eq3A_524 = arith.cmpf oeq, %select_n3A_519, %eq3A_523 : vector<256x256xf32>
    %jit3A_525 = arith.constant 256 : i32
    %broadcast_in_dim3A_526 = vector.broadcast %jit3A_525 : i32 to vector<256x256xi32>
    %select_n3A_527 = arith.select %eq3A_524, %iota3A_409, %broadcast_in_dim3A_526 : vector<256x256xi1>, vector<256x256xi32>
    %reduce_min3A_528 = arith.constant dense<2147483647> : vector<256xi32>
    %reduce_min3A_529 = vector.multi_reduction <minsi>, %select_n3A_527, %reduce_min3A_528 [1] : vector<256x256xi32> to vector<256xi32>
    %broadcast_in_dim3A_530 = vector.shape_cast %reduce_min3A_529 : vector<256xi32> to vector<256x1xi32>
    %eq3A_531 = vector.broadcast %broadcast_in_dim3A_530 : vector<256x1xi32> to vector<256x256xi32>
    %eq3A_532 = arith.cmpi eq, %iota3A_409, %eq3A_531 : vector<256x256xi32>
    %jit3A_533 = arith.constant 0x7F800000 : f32
    %broadcast_in_dim3A_534 = vector.broadcast %jit3A_533 : f32 to vector<256x256xf32>
    %select_n3A_535 = arith.select %eq3A_532, %broadcast_in_dim3A_534, %select_n3A_519 : vector<256x256xi1>, vector<256x256xf32>
    %reduce_min3A_536 = arith.constant dense<0x7F800000> : vector<256xf32>
    %reduce_min3A_537 = vector.multi_reduction <minimumf>, %select_n3A_535, %reduce_min3A_536 [1] : vector<256x256xf32> to vector<256xf32>
    %broadcast_in_dim3A_538 = vector.shape_cast %reduce_min3A_537 : vector<256xf32> to vector<256x1xf32>
    %eq3A_539 = vector.broadcast %broadcast_in_dim3A_538 : vector<256x1xf32> to vector<256x256xf32>
    %eq3A_540 = arith.cmpf oeq, %select_n3A_535, %eq3A_539 : vector<256x256xf32>
    %jit3A_541 = arith.constant 256 : i32
    %broadcast_in_dim3A_542 = vector.broadcast %jit3A_541 : i32 to vector<256x256xi32>
    %select_n3A_543 = arith.select %eq3A_540, %iota3A_409, %broadcast_in_dim3A_542 : vector<256x256xi1>, vector<256x256xi32>
    %reduce_min3A_544 = arith.constant dense<2147483647> : vector<256xi32>
    %reduce_min3A_545 = vector.multi_reduction <minsi>, %select_n3A_543, %reduce_min3A_544 [1] : vector<256x256xi32> to vector<256xi32>
    %broadcast_in_dim3A_546 = vector.shape_cast %reduce_min3A_545 : vector<256xi32> to vector<256x1xi32>
    %eq3A_547 = vector.broadcast %broadcast_in_dim3A_546 : vector<256x1xi32> to vector<256x256xi32>
    %eq3A_548 = arith.cmpi eq, %iota3A_409, %eq3A_547 : vector<256x256xi32>
    %jit3A_549 = arith.constant 0x7F800000 : f32
    %broadcast_in_dim3A_550 = vector.broadcast %jit3A_549 : f32 to vector<256x256xf32>
    %select_n3A_551 = arith.select %eq3A_548, %broadcast_in_dim3A_550, %select_n3A_535 : vector<256x256xi1>, vector<256x256xf32>
    %reduce_min3A_552 = arith.constant dense<0x7F800000> : vector<256xf32>
    %reduce_min3A_553 = vector.multi_reduction <minimumf>, %select_n3A_551, %reduce_min3A_552 [1] : vector<256x256xf32> to vector<256xf32>
    %broadcast_in_dim3A_554 = vector.shape_cast %reduce_min3A_553 : vector<256xf32> to vector<256x1xf32>
    %eq3A_555 = vector.broadcast %broadcast_in_dim3A_554 : vector<256x1xf32> to vector<256x256xf32>
    %eq3A_556 = arith.cmpf oeq, %select_n3A_551, %eq3A_555 : vector<256x256xf32>
    %jit3A_557 = arith.constant 256 : i32
    %broadcast_in_dim3A_558 = vector.broadcast %jit3A_557 : i32 to vector<256x256xi32>
    %select_n3A_559 = arith.select %eq3A_556, %iota3A_409, %broadcast_in_dim3A_558 : vector<256x256xi1>, vector<256x256xi32>
    %reduce_min3A_560 = arith.constant dense<2147483647> : vector<256xi32>
    %reduce_min3A_561 = vector.multi_reduction <minsi>, %select_n3A_559, %reduce_min3A_560 [1] : vector<256x256xi32> to vector<256xi32>
    %broadcast_in_dim3A_562 = vector.shape_cast %reduce_min3A_561 : vector<256xi32> to vector<256x1xi32>
    %eq3A_563 = vector.broadcast %broadcast_in_dim3A_562 : vector<256x1xi32> to vector<256x256xi32>
    %eq3A_564 = arith.cmpi eq, %iota3A_409, %eq3A_563 : vector<256x256xi32>
    %jit3A_565 = arith.constant 0x7F800000 : f32
    %broadcast_in_dim3A_566 = vector.broadcast %jit3A_565 : f32 to vector<256x256xf32>
    %select_n3A_567 = arith.select %eq3A_564, %broadcast_in_dim3A_566, %select_n3A_551 : vector<256x256xi1>, vector<256x256xf32>
    %reduce_min3A_568 = arith.constant dense<0x7F800000> : vector<256xf32>
    %reduce_min3A_569 = vector.multi_reduction <minimumf>, %select_n3A_567, %reduce_min3A_568 [1] : vector<256x256xf32> to vector<256xf32>
    %broadcast_in_dim3A_570 = vector.shape_cast %reduce_min3A_569 : vector<256xf32> to vector<256x1xf32>
    %eq3A_571 = vector.broadcast %broadcast_in_dim3A_570 : vector<256x1xf32> to vector<256x256xf32>
    %eq3A_572 = arith.cmpf oeq, %select_n3A_567, %eq3A_571 : vector<256x256xf32>
    %jit3A_573 = arith.constant 256 : i32
    %broadcast_in_dim3A_574 = vector.broadcast %jit3A_573 : i32 to vector<256x256xi32>
    %select_n3A_575 = arith.select %eq3A_572, %iota3A_409, %broadcast_in_dim3A_574 : vector<256x256xi1>, vector<256x256xi32>
    %reduce_min3A_576 = arith.constant dense<2147483647> : vector<256xi32>
    %reduce_min3A_577 = vector.multi_reduction <minsi>, %select_n3A_575, %reduce_min3A_576 [1] : vector<256x256xi32> to vector<256xi32>
    %broadcast_in_dim3A_578 = vector.shape_cast %reduce_min3A_577 : vector<256xi32> to vector<256x1xi32>
    %eq3A_579 = vector.broadcast %broadcast_in_dim3A_578 : vector<256x1xi32> to vector<256x256xi32>
    %eq3A_580 = arith.cmpi eq, %iota3A_409, %eq3A_579 : vector<256x256xi32>
    %jit3A_581 = arith.constant 0x7F800000 : f32
    %broadcast_in_dim3A_582 = vector.broadcast %jit3A_581 : f32 to vector<256x256xf32>
    %select_n3A_583 = arith.select %eq3A_580, %broadcast_in_dim3A_582, %select_n3A_567 : vector<256x256xi1>, vector<256x256xf32>
    %reduce_min3A_584 = arith.constant dense<0x7F800000> : vector<256xf32>
    %reduce_min3A_585 = vector.multi_reduction <minimumf>, %select_n3A_583, %reduce_min3A_584 [1] : vector<256x256xf32> to vector<256xf32>
    %broadcast_in_dim3A_586 = vector.shape_cast %reduce_min3A_585 : vector<256xf32> to vector<256x1xf32>
    %eq3A_587 = vector.broadcast %broadcast_in_dim3A_586 : vector<256x1xf32> to vector<256x256xf32>
    %eq3A_588 = arith.cmpf oeq, %select_n3A_583, %eq3A_587 : vector<256x256xf32>
    %jit3A_589 = arith.constant 256 : i32
    %broadcast_in_dim3A_590 = vector.broadcast %jit3A_589 : i32 to vector<256x256xi32>
    %select_n3A_591 = arith.select %eq3A_588, %iota3A_409, %broadcast_in_dim3A_590 : vector<256x256xi1>, vector<256x256xi32>
    %reduce_min3A_592 = arith.constant dense<2147483647> : vector<256xi32>
    %reduce_min3A_593 = vector.multi_reduction <minsi>, %select_n3A_591, %reduce_min3A_592 [1] : vector<256x256xi32> to vector<256xi32>
    %broadcast_in_dim3A_594 = vector.shape_cast %reduce_min3A_593 : vector<256xi32> to vector<256x1xi32>
    %eq3A_595 = vector.broadcast %broadcast_in_dim3A_594 : vector<256x1xi32> to vector<256x256xi32>
    %eq3A_596 = arith.cmpi eq, %iota3A_409, %eq3A_595 : vector<256x256xi32>
    %jit3A_597 = arith.constant 0x7F800000 : f32
    %broadcast_in_dim3A_598 = vector.broadcast %jit3A_597 : f32 to vector<256x256xf32>
    %select_n3A_599 = arith.select %eq3A_596, %broadcast_in_dim3A_598, %select_n3A_583 : vector<256x256xi1>, vector<256x256xf32>
    %reduce_min3A_600 = arith.constant dense<0x7F800000> : vector<256xf32>
    %reduce_min3A_601 = vector.multi_reduction <minimumf>, %select_n3A_599, %reduce_min3A_600 [1] : vector<256x256xf32> to vector<256xf32>
    %broadcast_in_dim3A_602 = vector.shape_cast %reduce_min3A_601 : vector<256xf32> to vector<256x1xf32>
    %eq3A_603 = vector.broadcast %broadcast_in_dim3A_602 : vector<256x1xf32> to vector<256x256xf32>
    %eq3A_604 = arith.cmpf oeq, %select_n3A_599, %eq3A_603 : vector<256x256xf32>
    %jit3A_605 = arith.constant 256 : i32
    %broadcast_in_dim3A_606 = vector.broadcast %jit3A_605 : i32 to vector<256x256xi32>
    %select_n3A_607 = arith.select %eq3A_604, %iota3A_409, %broadcast_in_dim3A_606 : vector<256x256xi1>, vector<256x256xi32>
    %reduce_min3A_608 = arith.constant dense<2147483647> : vector<256xi32>
    %reduce_min3A_609 = vector.multi_reduction <minsi>, %select_n3A_607, %reduce_min3A_608 [1] : vector<256x256xi32> to vector<256xi32>
    %broadcast_in_dim3A_610 = vector.shape_cast %reduce_min3A_609 : vector<256xi32> to vector<256x1xi32>
    %eq3A_611 = vector.broadcast %broadcast_in_dim3A_610 : vector<256x1xi32> to vector<256x256xi32>
    %eq3A_612 = arith.cmpi eq, %iota3A_409, %eq3A_611 : vector<256x256xi32>
    %jit3A_613 = arith.constant 0x7F800000 : f32
    %broadcast_in_dim3A_614 = vector.broadcast %jit3A_613 : f32 to vector<256x256xf32>
    %select_n3A_615 = arith.select %eq3A_612, %broadcast_in_dim3A_614, %select_n3A_599 : vector<256x256xi1>, vector<256x256xf32>
    %reduce_min3A_616 = arith.constant dense<0x7F800000> : vector<256xf32>
    %reduce_min3A_617 = vector.multi_reduction <minimumf>, %select_n3A_615, %reduce_min3A_616 [1] : vector<256x256xf32> to vector<256xf32>
    %broadcast_in_dim3A_618 = vector.shape_cast %reduce_min3A_617 : vector<256xf32> to vector<256x1xf32>
    %eq3A_619 = vector.broadcast %broadcast_in_dim3A_618 : vector<256x1xf32> to vector<256x256xf32>
    %eq3A_620 = arith.cmpf oeq, %select_n3A_615, %eq3A_619 : vector<256x256xf32>
    %jit3A_621 = arith.constant 256 : i32
    %broadcast_in_dim3A_622 = vector.broadcast %jit3A_621 : i32 to vector<256x256xi32>
    %select_n3A_623 = arith.select %eq3A_620, %iota3A_409, %broadcast_in_dim3A_622 : vector<256x256xi1>, vector<256x256xi32>
    %reduce_min3A_624 = arith.constant dense<2147483647> : vector<256xi32>
    %reduce_min3A_625 = vector.multi_reduction <minsi>, %select_n3A_623, %reduce_min3A_624 [1] : vector<256x256xi32> to vector<256xi32>
    %broadcast_in_dim3A_626 = vector.shape_cast %reduce_min3A_625 : vector<256xi32> to vector<256x1xi32>
    %eq3A_627 = vector.broadcast %broadcast_in_dim3A_626 : vector<256x1xi32> to vector<256x256xi32>
    %eq3A_628 = arith.cmpi eq, %iota3A_409, %eq3A_627 : vector<256x256xi32>
    %jit3A_629 = arith.constant 0x7F800000 : f32
    %broadcast_in_dim3A_630 = vector.broadcast %jit3A_629 : f32 to vector<256x256xf32>
    %select_n3A_631 = arith.select %eq3A_628, %broadcast_in_dim3A_630, %select_n3A_615 : vector<256x256xi1>, vector<256x256xf32>
    %reduce_min3A_632 = arith.constant dense<0x7F800000> : vector<256xf32>
    %reduce_min3A_633 = vector.multi_reduction <minimumf>, %select_n3A_631, %reduce_min3A_632 [1] : vector<256x256xf32> to vector<256xf32>
    %broadcast_in_dim3A_634 = vector.shape_cast %reduce_min3A_633 : vector<256xf32> to vector<256x1xf32>
    %eq3A_635 = vector.broadcast %broadcast_in_dim3A_634 : vector<256x1xf32> to vector<256x256xf32>
    %eq3A_636 = arith.cmpf oeq, %select_n3A_631, %eq3A_635 : vector<256x256xf32>
    %jit3A_637 = arith.constant 256 : i32
    %broadcast_in_dim3A_638 = vector.broadcast %jit3A_637 : i32 to vector<256x256xi32>
    %select_n3A_639 = arith.select %eq3A_636, %iota3A_409, %broadcast_in_dim3A_638 : vector<256x256xi1>, vector<256x256xi32>
    %reduce_min3A_640 = arith.constant dense<2147483647> : vector<256xi32>
    %reduce_min3A_641 = vector.multi_reduction <minsi>, %select_n3A_639, %reduce_min3A_640 [1] : vector<256x256xi32> to vector<256xi32>
    %broadcast_in_dim3A_642 = vector.shape_cast %reduce_min3A_641 : vector<256xi32> to vector<256x1xi32>
    %eq3A_643 = vector.broadcast %broadcast_in_dim3A_642 : vector<256x1xi32> to vector<256x256xi32>
    %eq3A_644 = arith.cmpi eq, %iota3A_409, %eq3A_643 : vector<256x256xi32>
    %jit3A_645 = arith.constant 0x7F800000 : f32
    %broadcast_in_dim3A_646 = vector.broadcast %jit3A_645 : f32 to vector<256x256xf32>
    %select_n3A_647 = arith.select %eq3A_644, %broadcast_in_dim3A_646, %select_n3A_631 : vector<256x256xi1>, vector<256x256xf32>
    %reduce_min3A_648 = arith.constant dense<0x7F800000> : vector<256xf32>
    %reduce_min3A_649 = vector.multi_reduction <minimumf>, %select_n3A_647, %reduce_min3A_648 [1] : vector<256x256xf32> to vector<256xf32>
    %broadcast_in_dim3A_650 = vector.shape_cast %reduce_min3A_649 : vector<256xf32> to vector<256x1xf32>
    %eq3A_651 = vector.broadcast %broadcast_in_dim3A_650 : vector<256x1xf32> to vector<256x256xf32>
    %eq3A_652 = arith.cmpf oeq, %select_n3A_647, %eq3A_651 : vector<256x256xf32>
    %jit3A_653 = arith.constant 256 : i32
    %broadcast_in_dim3A_654 = vector.broadcast %jit3A_653 : i32 to vector<256x256xi32>
    %select_n3A_655 = arith.select %eq3A_652, %iota3A_409, %broadcast_in_dim3A_654 : vector<256x256xi1>, vector<256x256xi32>
    %reduce_min3A_656 = arith.constant dense<2147483647> : vector<256xi32>
    %reduce_min3A_657 = vector.multi_reduction <minsi>, %select_n3A_655, %reduce_min3A_656 [1] : vector<256x256xi32> to vector<256xi32>
    %broadcast_in_dim3A_658 = vector.shape_cast %reduce_min3A_657 : vector<256xi32> to vector<256x1xi32>
    %eq3A_659 = vector.broadcast %broadcast_in_dim3A_658 : vector<256x1xi32> to vector<256x256xi32>
    %eq3A_660 = arith.cmpi eq, %iota3A_409, %eq3A_659 : vector<256x256xi32>
    %jit3A_661 = arith.constant 0x7F800000 : f32
    %broadcast_in_dim3A_662 = vector.broadcast %jit3A_661 : f32 to vector<256x256xf32>
    %select_n3A_663 = arith.select %eq3A_660, %broadcast_in_dim3A_662, %select_n3A_647 : vector<256x256xi1>, vector<256x256xf32>
    %reduce_min3A_664 = arith.constant dense<0x7F800000> : vector<256xf32>
    %reduce_min3A_665 = vector.multi_reduction <minimumf>, %select_n3A_663, %reduce_min3A_664 [1] : vector<256x256xf32> to vector<256xf32>
    %broadcast_in_dim3A_666 = vector.shape_cast %reduce_min3A_665 : vector<256xf32> to vector<256x1xf32>
    %eq3A_667 = vector.broadcast %broadcast_in_dim3A_666 : vector<256x1xf32> to vector<256x256xf32>
    %eq3A_668 = arith.cmpf oeq, %select_n3A_663, %eq3A_667 : vector<256x256xf32>
    %jit3A_669 = arith.constant 256 : i32
    %broadcast_in_dim3A_670 = vector.broadcast %jit3A_669 : i32 to vector<256x256xi32>
    %select_n3A_671 = arith.select %eq3A_668, %iota3A_409, %broadcast_in_dim3A_670 : vector<256x256xi1>, vector<256x256xi32>
    %reduce_min3A_672 = arith.constant dense<2147483647> : vector<256xi32>
    %reduce_min3A_673 = vector.multi_reduction <minsi>, %select_n3A_671, %reduce_min3A_672 [1] : vector<256x256xi32> to vector<256xi32>
    %broadcast_in_dim3A_674 = vector.shape_cast %reduce_min3A_673 : vector<256xi32> to vector<256x1xi32>
    %eq3A_675 = vector.broadcast %broadcast_in_dim3A_674 : vector<256x1xi32> to vector<256x256xi32>
    %eq3A_676 = arith.cmpi eq, %iota3A_409, %eq3A_675 : vector<256x256xi32>
    %jit3A_677 = arith.constant 0x7F800000 : f32
    %broadcast_in_dim3A_678 = vector.broadcast %jit3A_677 : f32 to vector<256x256xf32>
    %select_n3A_679 = arith.select %eq3A_676, %broadcast_in_dim3A_678, %select_n3A_663 : vector<256x256xi1>, vector<256x256xf32>
    %reduce_min3A_680 = arith.constant dense<0x7F800000> : vector<256xf32>
    %reduce_min3A_681 = vector.multi_reduction <minimumf>, %select_n3A_679, %reduce_min3A_680 [1] : vector<256x256xf32> to vector<256xf32>
    %broadcast_in_dim3A_682 = vector.shape_cast %reduce_min3A_681 : vector<256xf32> to vector<256x1xf32>
    %eq3A_683 = vector.broadcast %broadcast_in_dim3A_682 : vector<256x1xf32> to vector<256x256xf32>
    %eq3A_684 = arith.cmpf oeq, %select_n3A_679, %eq3A_683 : vector<256x256xf32>
    %jit3A_685 = arith.constant 256 : i32
    %broadcast_in_dim3A_686 = vector.broadcast %jit3A_685 : i32 to vector<256x256xi32>
    %select_n3A_687 = arith.select %eq3A_684, %iota3A_409, %broadcast_in_dim3A_686 : vector<256x256xi1>, vector<256x256xi32>
    %reduce_min3A_688 = arith.constant dense<2147483647> : vector<256xi32>
    %reduce_min3A_689 = vector.multi_reduction <minsi>, %select_n3A_687, %reduce_min3A_688 [1] : vector<256x256xi32> to vector<256xi32>
    %broadcast_in_dim3A_690 = vector.shape_cast %reduce_min3A_689 : vector<256xi32> to vector<256x1xi32>
    %eq3A_691 = vector.broadcast %broadcast_in_dim3A_690 : vector<256x1xi32> to vector<256x256xi32>
    %eq3A_692 = arith.cmpi eq, %iota3A_409, %eq3A_691 : vector<256x256xi32>
    %jit3A_693 = arith.constant 0x7F800000 : f32
    %broadcast_in_dim3A_694 = vector.broadcast %jit3A_693 : f32 to vector<256x256xf32>
    %select_n3A_695 = arith.select %eq3A_692, %broadcast_in_dim3A_694, %select_n3A_679 : vector<256x256xi1>, vector<256x256xf32>
    %reduce_min3A_696 = arith.constant dense<0x7F800000> : vector<256xf32>
    %reduce_min3A_697 = vector.multi_reduction <minimumf>, %select_n3A_695, %reduce_min3A_696 [1] : vector<256x256xf32> to vector<256xf32>
    %broadcast_in_dim3A_698 = vector.shape_cast %reduce_min3A_697 : vector<256xf32> to vector<256x1xf32>
    %eq3A_699 = vector.broadcast %broadcast_in_dim3A_698 : vector<256x1xf32> to vector<256x256xf32>
    %eq3A_700 = arith.cmpf oeq, %select_n3A_695, %eq3A_699 : vector<256x256xf32>
    %jit3A_701 = arith.constant 256 : i32
    %broadcast_in_dim3A_702 = vector.broadcast %jit3A_701 : i32 to vector<256x256xi32>
    %select_n3A_703 = arith.select %eq3A_700, %iota3A_409, %broadcast_in_dim3A_702 : vector<256x256xi1>, vector<256x256xi32>
    %reduce_min3A_704 = arith.constant dense<2147483647> : vector<256xi32>
    %reduce_min3A_705 = vector.multi_reduction <minsi>, %select_n3A_703, %reduce_min3A_704 [1] : vector<256x256xi32> to vector<256xi32>
    %broadcast_in_dim3A_706 = vector.shape_cast %reduce_min3A_705 : vector<256xi32> to vector<256x1xi32>
    %eq3A_707 = vector.broadcast %broadcast_in_dim3A_706 : vector<256x1xi32> to vector<256x256xi32>
    %eq3A_708 = arith.cmpi eq, %iota3A_409, %eq3A_707 : vector<256x256xi32>
    %jit3A_709 = arith.constant 0x7F800000 : f32
    %broadcast_in_dim3A_710 = vector.broadcast %jit3A_709 : f32 to vector<256x256xf32>
    %select_n3A_711 = arith.select %eq3A_708, %broadcast_in_dim3A_710, %select_n3A_695 : vector<256x256xi1>, vector<256x256xf32>
    %reduce_min3A_712 = arith.constant dense<0x7F800000> : vector<256xf32>
    %reduce_min3A_713 = vector.multi_reduction <minimumf>, %select_n3A_711, %reduce_min3A_712 [1] : vector<256x256xf32> to vector<256xf32>
    %broadcast_in_dim3A_714 = vector.shape_cast %reduce_min3A_713 : vector<256xf32> to vector<256x1xf32>
    %eq3A_715 = vector.broadcast %broadcast_in_dim3A_714 : vector<256x1xf32> to vector<256x256xf32>
    %eq3A_716 = arith.cmpf oeq, %select_n3A_711, %eq3A_715 : vector<256x256xf32>
    %jit3A_717 = arith.constant 256 : i32
    %broadcast_in_dim3A_718 = vector.broadcast %jit3A_717 : i32 to vector<256x256xi32>
    %select_n3A_719 = arith.select %eq3A_716, %iota3A_409, %broadcast_in_dim3A_718 : vector<256x256xi1>, vector<256x256xi32>
    %reduce_min3A_720 = arith.constant dense<2147483647> : vector<256xi32>
    %reduce_min3A_721 = vector.multi_reduction <minsi>, %select_n3A_719, %reduce_min3A_720 [1] : vector<256x256xi32> to vector<256xi32>
    %broadcast_in_dim3A_722 = vector.shape_cast %reduce_min3A_721 : vector<256xi32> to vector<256x1xi32>
    %eq3A_723 = vector.broadcast %broadcast_in_dim3A_722 : vector<256x1xi32> to vector<256x256xi32>
    %eq3A_724 = arith.cmpi eq, %iota3A_409, %eq3A_723 : vector<256x256xi32>
    %jit3A_725 = arith.constant 0x7F800000 : f32
    %broadcast_in_dim3A_726 = vector.broadcast %jit3A_725 : f32 to vector<256x256xf32>
    %select_n3A_727 = arith.select %eq3A_724, %broadcast_in_dim3A_726, %select_n3A_711 : vector<256x256xi1>, vector<256x256xf32>
    %reduce_min3A_728 = arith.constant dense<0x7F800000> : vector<256xf32>
    %reduce_min3A_729 = vector.multi_reduction <minimumf>, %select_n3A_727, %reduce_min3A_728 [1] : vector<256x256xf32> to vector<256xf32>
    %broadcast_in_dim3A_730 = vector.shape_cast %reduce_min3A_729 : vector<256xf32> to vector<256x1xf32>
    %eq3A_731 = vector.broadcast %broadcast_in_dim3A_730 : vector<256x1xf32> to vector<256x256xf32>
    %eq3A_732 = arith.cmpf oeq, %select_n3A_727, %eq3A_731 : vector<256x256xf32>
    %jit3A_733 = arith.constant 256 : i32
    %broadcast_in_dim3A_734 = vector.broadcast %jit3A_733 : i32 to vector<256x256xi32>
    %select_n3A_735 = arith.select %eq3A_732, %iota3A_409, %broadcast_in_dim3A_734 : vector<256x256xi1>, vector<256x256xi32>
    %reduce_min3A_736 = arith.constant dense<2147483647> : vector<256xi32>
    %reduce_min3A_737 = vector.multi_reduction <minsi>, %select_n3A_735, %reduce_min3A_736 [1] : vector<256x256xi32> to vector<256xi32>
    %broadcast_in_dim3A_738 = vector.shape_cast %reduce_min3A_737 : vector<256xi32> to vector<256x1xi32>
    %eq3A_739 = vector.broadcast %broadcast_in_dim3A_738 : vector<256x1xi32> to vector<256x256xi32>
    %eq3A_740 = arith.cmpi eq, %iota3A_409, %eq3A_739 : vector<256x256xi32>
    %jit3A_741 = arith.constant 0x7F800000 : f32
    %broadcast_in_dim3A_742 = vector.broadcast %jit3A_741 : f32 to vector<256x256xf32>
    %select_n3A_743 = arith.select %eq3A_740, %broadcast_in_dim3A_742, %select_n3A_727 : vector<256x256xi1>, vector<256x256xf32>
    %reduce_min3A_744 = arith.constant dense<0x7F800000> : vector<256xf32>
    %reduce_min3A_745 = vector.multi_reduction <minimumf>, %select_n3A_743, %reduce_min3A_744 [1] : vector<256x256xf32> to vector<256xf32>
    %broadcast_in_dim3A_746 = vector.shape_cast %reduce_min3A_745 : vector<256xf32> to vector<256x1xf32>
    %eq3A_747 = vector.broadcast %broadcast_in_dim3A_746 : vector<256x1xf32> to vector<256x256xf32>
    %eq3A_748 = arith.cmpf oeq, %select_n3A_743, %eq3A_747 : vector<256x256xf32>
    %jit3A_749 = arith.constant 256 : i32
    %broadcast_in_dim3A_750 = vector.broadcast %jit3A_749 : i32 to vector<256x256xi32>
    %select_n3A_751 = arith.select %eq3A_748, %iota3A_409, %broadcast_in_dim3A_750 : vector<256x256xi1>, vector<256x256xi32>
    %reduce_min3A_752 = arith.constant dense<2147483647> : vector<256xi32>
    %reduce_min3A_753 = vector.multi_reduction <minsi>, %select_n3A_751, %reduce_min3A_752 [1] : vector<256x256xi32> to vector<256xi32>
    %broadcast_in_dim3A_754 = vector.shape_cast %reduce_min3A_753 : vector<256xi32> to vector<256x1xi32>
    %eq3A_755 = vector.broadcast %broadcast_in_dim3A_754 : vector<256x1xi32> to vector<256x256xi32>
    %eq3A_756 = arith.cmpi eq, %iota3A_409, %eq3A_755 : vector<256x256xi32>
    %jit3A_757 = arith.constant 0x7F800000 : f32
    %broadcast_in_dim3A_758 = vector.broadcast %jit3A_757 : f32 to vector<256x256xf32>
    %select_n3A_759 = arith.select %eq3A_756, %broadcast_in_dim3A_758, %select_n3A_743 : vector<256x256xi1>, vector<256x256xf32>
    %reduce_min3A_760 = arith.constant dense<0x7F800000> : vector<256xf32>
    %reduce_min3A_761 = vector.multi_reduction <minimumf>, %select_n3A_759, %reduce_min3A_760 [1] : vector<256x256xf32> to vector<256xf32>
    %broadcast_in_dim3A_762 = vector.shape_cast %reduce_min3A_761 : vector<256xf32> to vector<256x1xf32>
    %eq3A_763 = vector.broadcast %broadcast_in_dim3A_762 : vector<256x1xf32> to vector<256x256xf32>
    %eq3A_764 = arith.cmpf oeq, %select_n3A_759, %eq3A_763 : vector<256x256xf32>
    %jit3A_765 = arith.constant 256 : i32
    %broadcast_in_dim3A_766 = vector.broadcast %jit3A_765 : i32 to vector<256x256xi32>
    %select_n3A_767 = arith.select %eq3A_764, %iota3A_409, %broadcast_in_dim3A_766 : vector<256x256xi1>, vector<256x256xi32>
    %reduce_min3A_768 = arith.constant dense<2147483647> : vector<256xi32>
    %reduce_min3A_769 = vector.multi_reduction <minsi>, %select_n3A_767, %reduce_min3A_768 [1] : vector<256x256xi32> to vector<256xi32>
    %broadcast_in_dim3A_770 = vector.shape_cast %reduce_min3A_769 : vector<256xi32> to vector<256x1xi32>
    %eq3A_771 = vector.broadcast %broadcast_in_dim3A_770 : vector<256x1xi32> to vector<256x256xi32>
    %eq3A_772 = arith.cmpi eq, %iota3A_409, %eq3A_771 : vector<256x256xi32>
    %jit3A_773 = arith.constant 0x7F800000 : f32
    %broadcast_in_dim3A_774 = vector.broadcast %jit3A_773 : f32 to vector<256x256xf32>
    %select_n3A_775 = arith.select %eq3A_772, %broadcast_in_dim3A_774, %select_n3A_759 : vector<256x256xi1>, vector<256x256xf32>
    %reduce_min3A_776 = arith.constant dense<0x7F800000> : vector<256xf32>
    %reduce_min3A_777 = vector.multi_reduction <minimumf>, %select_n3A_775, %reduce_min3A_776 [1] : vector<256x256xf32> to vector<256xf32>
    %broadcast_in_dim3A_778 = vector.shape_cast %reduce_min3A_777 : vector<256xf32> to vector<256x1xf32>
    %eq3A_779 = vector.broadcast %broadcast_in_dim3A_778 : vector<256x1xf32> to vector<256x256xf32>
    %eq3A_780 = arith.cmpf oeq, %select_n3A_775, %eq3A_779 : vector<256x256xf32>
    %jit3A_781 = arith.constant 256 : i32
    %broadcast_in_dim3A_782 = vector.broadcast %jit3A_781 : i32 to vector<256x256xi32>
    %select_n3A_783 = arith.select %eq3A_780, %iota3A_409, %broadcast_in_dim3A_782 : vector<256x256xi1>, vector<256x256xi32>
    %reduce_min3A_784 = arith.constant dense<2147483647> : vector<256xi32>
    %reduce_min3A_785 = vector.multi_reduction <minsi>, %select_n3A_783, %reduce_min3A_784 [1] : vector<256x256xi32> to vector<256xi32>
    %broadcast_in_dim3A_786 = vector.shape_cast %reduce_min3A_785 : vector<256xi32> to vector<256x1xi32>
    %eq3A_787 = vector.broadcast %broadcast_in_dim3A_786 : vector<256x1xi32> to vector<256x256xi32>
    %eq3A_788 = arith.cmpi eq, %iota3A_409, %eq3A_787 : vector<256x256xi32>
    %jit3A_789 = arith.constant 0x7F800000 : f32
    %broadcast_in_dim3A_790 = vector.broadcast %jit3A_789 : f32 to vector<256x256xf32>
    %select_n3A_791 = arith.select %eq3A_788, %broadcast_in_dim3A_790, %select_n3A_775 : vector<256x256xi1>, vector<256x256xf32>
    %reduce_min3A_792 = arith.constant dense<0x7F800000> : vector<256xf32>
    %reduce_min3A_793 = vector.multi_reduction <minimumf>, %select_n3A_791, %reduce_min3A_792 [1] : vector<256x256xf32> to vector<256xf32>
    %broadcast_in_dim3A_794 = vector.shape_cast %reduce_min3A_793 : vector<256xf32> to vector<256x1xf32>
    %eq3A_795 = vector.broadcast %broadcast_in_dim3A_794 : vector<256x1xf32> to vector<256x256xf32>
    %eq3A_796 = arith.cmpf oeq, %select_n3A_791, %eq3A_795 : vector<256x256xf32>
    %jit3A_797 = arith.constant 256 : i32
    %broadcast_in_dim3A_798 = vector.broadcast %jit3A_797 : i32 to vector<256x256xi32>
    %select_n3A_799 = arith.select %eq3A_796, %iota3A_409, %broadcast_in_dim3A_798 : vector<256x256xi1>, vector<256x256xi32>
    %reduce_min3A_800 = arith.constant dense<2147483647> : vector<256xi32>
    %reduce_min3A_801 = vector.multi_reduction <minsi>, %select_n3A_799, %reduce_min3A_800 [1] : vector<256x256xi32> to vector<256xi32>
    %broadcast_in_dim3A_802 = vector.shape_cast %reduce_min3A_801 : vector<256xi32> to vector<256x1xi32>
    %eq3A_803 = vector.broadcast %broadcast_in_dim3A_802 : vector<256x1xi32> to vector<256x256xi32>
    %eq3A_804 = arith.cmpi eq, %iota3A_409, %eq3A_803 : vector<256x256xi32>
    %jit3A_805 = arith.constant 0x7F800000 : f32
    %broadcast_in_dim3A_806 = vector.broadcast %jit3A_805 : f32 to vector<256x256xf32>
    %select_n3A_807 = arith.select %eq3A_804, %broadcast_in_dim3A_806, %select_n3A_791 : vector<256x256xi1>, vector<256x256xf32>
    %reduce_min3A_808 = arith.constant dense<0x7F800000> : vector<256xf32>
    %reduce_min3A_809 = vector.multi_reduction <minimumf>, %select_n3A_807, %reduce_min3A_808 [1] : vector<256x256xf32> to vector<256xf32>
    %broadcast_in_dim3A_810 = vector.shape_cast %reduce_min3A_809 : vector<256xf32> to vector<256x1xf32>
    %eq3A_811 = vector.broadcast %broadcast_in_dim3A_810 : vector<256x1xf32> to vector<256x256xf32>
    %eq3A_812 = arith.cmpf oeq, %select_n3A_807, %eq3A_811 : vector<256x256xf32>
    %jit3A_813 = arith.constant 256 : i32
    %broadcast_in_dim3A_814 = vector.broadcast %jit3A_813 : i32 to vector<256x256xi32>
    %select_n3A_815 = arith.select %eq3A_812, %iota3A_409, %broadcast_in_dim3A_814 : vector<256x256xi1>, vector<256x256xi32>
    %reduce_min3A_816 = arith.constant dense<2147483647> : vector<256xi32>
    %reduce_min3A_817 = vector.multi_reduction <minsi>, %select_n3A_815, %reduce_min3A_816 [1] : vector<256x256xi32> to vector<256xi32>
    %broadcast_in_dim3A_818 = vector.shape_cast %reduce_min3A_817 : vector<256xi32> to vector<256x1xi32>
    %eq3A_819 = vector.broadcast %broadcast_in_dim3A_818 : vector<256x1xi32> to vector<256x256xi32>
    %eq3A_820 = arith.cmpi eq, %iota3A_409, %eq3A_819 : vector<256x256xi32>
    %jit3A_821 = arith.constant 0x7F800000 : f32
    %broadcast_in_dim3A_822 = vector.broadcast %jit3A_821 : f32 to vector<256x256xf32>
    %select_n3A_823 = arith.select %eq3A_820, %broadcast_in_dim3A_822, %select_n3A_807 : vector<256x256xi1>, vector<256x256xf32>
    %reduce_min3A_824 = arith.constant dense<0x7F800000> : vector<256xf32>
    %reduce_min3A_825 = vector.multi_reduction <minimumf>, %select_n3A_823, %reduce_min3A_824 [1] : vector<256x256xf32> to vector<256xf32>
    %broadcast_in_dim3A_826 = vector.shape_cast %reduce_min3A_825 : vector<256xf32> to vector<256x1xf32>
    %eq3A_827 = vector.broadcast %broadcast_in_dim3A_826 : vector<256x1xf32> to vector<256x256xf32>
    %eq3A_828 = arith.cmpf oeq, %select_n3A_823, %eq3A_827 : vector<256x256xf32>
    %jit3A_829 = arith.constant 256 : i32
    %broadcast_in_dim3A_830 = vector.broadcast %jit3A_829 : i32 to vector<256x256xi32>
    %select_n3A_831 = arith.select %eq3A_828, %iota3A_409, %broadcast_in_dim3A_830 : vector<256x256xi1>, vector<256x256xi32>
    %reduce_min3A_832 = arith.constant dense<2147483647> : vector<256xi32>
    %reduce_min3A_833 = vector.multi_reduction <minsi>, %select_n3A_831, %reduce_min3A_832 [1] : vector<256x256xi32> to vector<256xi32>
    %broadcast_in_dim3A_834 = vector.shape_cast %reduce_min3A_833 : vector<256xi32> to vector<256x1xi32>
    %eq3A_835 = vector.broadcast %broadcast_in_dim3A_834 : vector<256x1xi32> to vector<256x256xi32>
    %eq3A_836 = arith.cmpi eq, %iota3A_409, %eq3A_835 : vector<256x256xi32>
    %jit3A_837 = arith.constant 0x7F800000 : f32
    %broadcast_in_dim3A_838 = vector.broadcast %jit3A_837 : f32 to vector<256x256xf32>
    %select_n3A_839 = arith.select %eq3A_836, %broadcast_in_dim3A_838, %select_n3A_823 : vector<256x256xi1>, vector<256x256xf32>
    %reduce_min3A_840 = arith.constant dense<0x7F800000> : vector<256xf32>
    %reduce_min3A_841 = vector.multi_reduction <minimumf>, %select_n3A_839, %reduce_min3A_840 [1] : vector<256x256xf32> to vector<256xf32>
    %broadcast_in_dim3A_842 = vector.shape_cast %reduce_min3A_841 : vector<256xf32> to vector<256x1xf32>
    %eq3A_843 = vector.broadcast %broadcast_in_dim3A_842 : vector<256x1xf32> to vector<256x256xf32>
    %eq3A_844 = arith.cmpf oeq, %select_n3A_839, %eq3A_843 : vector<256x256xf32>
    %jit3A_845 = arith.constant 256 : i32
    %broadcast_in_dim3A_846 = vector.broadcast %jit3A_845 : i32 to vector<256x256xi32>
    %select_n3A_847 = arith.select %eq3A_844, %iota3A_409, %broadcast_in_dim3A_846 : vector<256x256xi1>, vector<256x256xi32>
    %reduce_min3A_848 = arith.constant dense<2147483647> : vector<256xi32>
    %reduce_min3A_849 = vector.multi_reduction <minsi>, %select_n3A_847, %reduce_min3A_848 [1] : vector<256x256xi32> to vector<256xi32>
    %broadcast_in_dim3A_850 = vector.shape_cast %reduce_min3A_849 : vector<256xi32> to vector<256x1xi32>
    %eq3A_851 = vector.broadcast %broadcast_in_dim3A_850 : vector<256x1xi32> to vector<256x256xi32>
    %eq3A_852 = arith.cmpi eq, %iota3A_409, %eq3A_851 : vector<256x256xi32>
    %jit3A_853 = arith.constant 0x7F800000 : f32
    %broadcast_in_dim3A_854 = vector.broadcast %jit3A_853 : f32 to vector<256x256xf32>
    %select_n3A_855 = arith.select %eq3A_852, %broadcast_in_dim3A_854, %select_n3A_839 : vector<256x256xi1>, vector<256x256xf32>
    %reduce_min3A_856 = arith.constant dense<0x7F800000> : vector<256xf32>
    %reduce_min3A_857 = vector.multi_reduction <minimumf>, %select_n3A_855, %reduce_min3A_856 [1] : vector<256x256xf32> to vector<256xf32>
    %broadcast_in_dim3A_858 = vector.shape_cast %reduce_min3A_857 : vector<256xf32> to vector<256x1xf32>
    %eq3A_859 = vector.broadcast %broadcast_in_dim3A_858 : vector<256x1xf32> to vector<256x256xf32>
    %eq3A_860 = arith.cmpf oeq, %select_n3A_855, %eq3A_859 : vector<256x256xf32>
    %jit3A_861 = arith.constant 256 : i32
    %broadcast_in_dim3A_862 = vector.broadcast %jit3A_861 : i32 to vector<256x256xi32>
    %select_n3A_863 = arith.select %eq3A_860, %iota3A_409, %broadcast_in_dim3A_862 : vector<256x256xi1>, vector<256x256xi32>
    %reduce_min3A_864 = arith.constant dense<2147483647> : vector<256xi32>
    %reduce_min3A_865 = vector.multi_reduction <minsi>, %select_n3A_863, %reduce_min3A_864 [1] : vector<256x256xi32> to vector<256xi32>
    %broadcast_in_dim3A_866 = vector.shape_cast %reduce_min3A_865 : vector<256xi32> to vector<256x1xi32>
    %eq3A_867 = vector.broadcast %broadcast_in_dim3A_866 : vector<256x1xi32> to vector<256x256xi32>
    %eq3A_868 = arith.cmpi eq, %iota3A_409, %eq3A_867 : vector<256x256xi32>
    %jit3A_869 = arith.constant 0x7F800000 : f32
    %broadcast_in_dim3A_870 = vector.broadcast %jit3A_869 : f32 to vector<256x256xf32>
    %select_n3A_871 = arith.select %eq3A_868, %broadcast_in_dim3A_870, %select_n3A_855 : vector<256x256xi1>, vector<256x256xf32>
    %reduce_min3A_872 = arith.constant dense<0x7F800000> : vector<256xf32>
    %reduce_min3A_873 = vector.multi_reduction <minimumf>, %select_n3A_871, %reduce_min3A_872 [1] : vector<256x256xf32> to vector<256xf32>
    %broadcast_in_dim3A_874 = vector.shape_cast %reduce_min3A_873 : vector<256xf32> to vector<256x1xf32>
    %eq3A_875 = vector.broadcast %broadcast_in_dim3A_874 : vector<256x1xf32> to vector<256x256xf32>
    %eq3A_876 = arith.cmpf oeq, %select_n3A_871, %eq3A_875 : vector<256x256xf32>
    %jit3A_877 = arith.constant 256 : i32
    %broadcast_in_dim3A_878 = vector.broadcast %jit3A_877 : i32 to vector<256x256xi32>
    %select_n3A_879 = arith.select %eq3A_876, %iota3A_409, %broadcast_in_dim3A_878 : vector<256x256xi1>, vector<256x256xi32>
    %reduce_min3A_880 = arith.constant dense<2147483647> : vector<256xi32>
    %reduce_min3A_881 = vector.multi_reduction <minsi>, %select_n3A_879, %reduce_min3A_880 [1] : vector<256x256xi32> to vector<256xi32>
    %broadcast_in_dim3A_882 = vector.shape_cast %reduce_min3A_881 : vector<256xi32> to vector<256x1xi32>
    %concatenate3A_883 = tpu.concatenate %broadcast_in_dim3A_418, %broadcast_in_dim3A_434, %broadcast_in_dim3A_450, %broadcast_in_dim3A_466, %broadcast_in_dim3A_482, %broadcast_in_dim3A_498, %broadcast_in_dim3A_514, %broadcast_in_dim3A_530, %broadcast_in_dim3A_546, %broadcast_in_dim3A_562, %broadcast_in_dim3A_578, %broadcast_in_dim3A_594, %broadcast_in_dim3A_610, %broadcast_in_dim3A_626, %broadcast_in_dim3A_642, %broadcast_in_dim3A_658, %broadcast_in_dim3A_674, %broadcast_in_dim3A_690, %broadcast_in_dim3A_706, %broadcast_in_dim3A_722, %broadcast_in_dim3A_738, %broadcast_in_dim3A_754, %broadcast_in_dim3A_770, %broadcast_in_dim3A_786, %broadcast_in_dim3A_802, %broadcast_in_dim3A_818, %broadcast_in_dim3A_834, %broadcast_in_dim3A_850, %broadcast_in_dim3A_866, %broadcast_in_dim3A_882 in 1 : vector<256x1xi32>, vector<256x1xi32>, vector<256x1xi32>, vector<256x1xi32>, vector<256x1xi32>, vector<256x1xi32>, vector<256x1xi32>, vector<256x1xi32>, vector<256x1xi32>, vector<256x1xi32>, vector<256x1xi32>, vector<256x1xi32>, vector<256x1xi32>, vector<256x1xi32>, vector<256x1xi32>, vector<256x1xi32>, vector<256x1xi32>, vector<256x1xi32>, vector<256x1xi32>, vector<256x1xi32>, vector<256x1xi32>, vector<256x1xi32>, vector<256x1xi32>, vector<256x1xi32>, vector<256x1xi32>, vector<256x1xi32>, vector<256x1xi32>, vector<256x1xi32>, vector<256x1xi32>, vector<256x1xi32> -> vector<256x30xi32>
    %swap3A_884 = arith.constant 0 : index
    %swap3A_885 = arith.constant 0 : index
    %swap3A_886 = arith.constant 0 : index
    %swap3A_887 = vector.load %arg10[%swap3A_884, %swap3A_885, %swap3A_886] : memref<1x256x30xi32, #tpu.memory_space<vmem>>, vector<1x256x30xi32>
    %swap3A_888 = vector.shape_cast %swap3A_887 : vector<1x256x30xi32> to vector<256x30xi32>
    %swap3A_889 = vector.shape_cast %concatenate3A_883 : vector<256x30xi32> to vector<1x256x30xi32>
    tpu.vector_store %arg10[%swap3A_884, %swap3A_885, %swap3A_886], %swap3A_889 {strides = array<i32>} : memref<1x256x30xi32, #tpu.memory_space<vmem>>, vector<1x256x30xi32>,
    %convert_element_type3A_890 = arith.sitofp %concatenate3A_883 : vector<256x30xi32> to vector<256x30xf32>
    %swap3A_891 = arith.constant 0 : index
    %swap3A_892 = arith.constant 0 : index
    %swap3A_893 = arith.constant 0 : index
    %swap3A_894 = vector.load %arg11[%swap3A_891, %swap3A_892, %swap3A_893] : memref<1x256x30xf32, #tpu.memory_space<vmem>>, vector<1x256x30xf32>
    %swap3A_895 = vector.shape_cast %swap3A_894 : vector<1x256x30xf32> to vector<256x30xf32>
    %swap3A_896 = vector.shape_cast %convert_element_type3A_890 : vector<256x30xf32> to vector<1x256x30xf32>
    tpu.vector_store %arg11[%swap3A_891, %swap3A_892, %swap3A_893], %swap3A_896 {strides = array<i32>} : memref<1x256x30xf32, #tpu.memory_space<vmem>>, vector<1x256x30xf32>,
    %concatenate3A_897 = tpu.concatenate %broadcast_in_dim3A_411, %broadcast_in_dim3A_426, %broadcast_in_dim3A_442, %broadcast_in_dim3A_458, %broadcast_in_dim3A_474, %broadcast_in_dim3A_490, %broadcast_in_dim3A_506, %broadcast_in_dim3A_522, %broadcast_in_dim3A_538, %broadcast_in_dim3A_554, %broadcast_in_dim3A_570, %broadcast_in_dim3A_586, %broadcast_in_dim3A_602, %broadcast_in_dim3A_618, %broadcast_in_dim3A_634, %broadcast_in_dim3A_650, %broadcast_in_dim3A_666, %broadcast_in_dim3A_682, %broadcast_in_dim3A_698, %broadcast_in_dim3A_714, %broadcast_in_dim3A_730, %broadcast_in_dim3A_746, %broadcast_in_dim3A_762, %broadcast_in_dim3A_778, %broadcast_in_dim3A_794, %broadcast_in_dim3A_810, %broadcast_in_dim3A_826, %broadcast_in_dim3A_842, %broadcast_in_dim3A_858, %broadcast_in_dim3A_874 in 1 : vector<256x1xf32>, vector<256x1xf32>, vector<256x1xf32>, vector<256x1xf32>, vector<256x1xf32>, vector<256x1xf32>, vector<256x1xf32>, vector<256x1xf32>, vector<256x1xf32>, vector<256x1xf32>, vector<256x1xf32>, vector<256x1xf32>, vector<256x1xf32>, vector<256x1xf32>, vector<256x1xf32>, vector<256x1xf32>, vector<256x1xf32>, vector<256x1xf32>, vector<256x1xf32>, vector<256x1xf32>, vector<256x1xf32>, vector<256x1xf32>, vector<256x1xf32>, vector<256x1xf32>, vector<256x1xf32>, vector<256x1xf32>, vector<256x1xf32>, vector<256x1xf32>, vector<256x1xf32>, vector<256x1xf32> -> vector<256x30xf32>
    %swap3A_898 = arith.constant 0 : index
    %swap3A_899 = arith.constant 0 : index
    %swap3A_900 = arith.constant 0 : index
    %swap3A_901 = vector.load %arg12[%swap3A_898, %swap3A_899, %swap3A_900] : memref<1x256x30xf32, #tpu.memory_space<vmem>>, vector<1x256x30xf32>
    %swap3A_902 = vector.shape_cast %swap3A_901 : vector<1x256x30xf32> to vector<256x30xf32>
    %swap3A_903 = vector.shape_cast %concatenate3A_897 : vector<256x30xf32> to vector<1x256x30xf32>
    tpu.vector_store %arg12[%swap3A_898, %swap3A_899, %swap3A_900], %swap3A_903 {strides = array<i32>} : memref<1x256x30xf32, #tpu.memory_space<vmem>>, vector<1x256x30xf32>,
    return
  }
  func.func @transform_0(%arg0: i32) -> (i32, i32, i32) {
    %c0_i32 = arith.constant 0 : i32
    %c0_i32_0 = arith.constant 0 : i32
    %c0_i32_1 = arith.constant 0 : i32
    return %arg0, %c0_i32, %c0_i32_0 : i32, i32, i32
  }
  func.func @transform_1(%arg0: i32) -> (i32, i32, i32) {
    %c0_i32 = arith.constant 0 : i32
    %c0_i32_0 = arith.constant 0 : i32
    %c0_i32_1 = arith.constant 0 : i32
    return %arg0, %c0_i32, %c0_i32_0 : i32, i32, i32
  }
  func.func @transform_2(%arg0: i32) -> (i32, i32) {
    %c0_i32 = arith.constant 0 : i32
    %c0_i32_0 = arith.constant 0 : i32
    %c0_i32_1 = arith.constant 0 : i32
    return %c0_i32, %c0_i32_0 : i32, i32
  }
  func.func @transform_3(%arg0: i32) -> (i32, i32) {
    %c0_i32 = arith.constant 0 : i32
    %c0_i32_0 = arith.constant 0 : i32
    %c0_i32_1 = arith.constant 0 : i32
    return %c0_i32, %c0_i32_0 : i32, i32
  }
  func.func @transform_4(%arg0: i32) -> (i32, i32) {
    %c0_i32 = arith.constant 0 : i32
    %c0_i32_0 = arith.constant 0 : i32
    %c0_i32_1 = arith.constant 0 : i32
    return %c0_i32, %c0_i32_0 : i32, i32
  }
  func.func @transform_5(%arg0: i32) -> (i32, i32) {
    %c0_i32 = arith.constant 0 : i32
    %c0_i32_0 = arith.constant 0 : i32
    %c0_i32_1 = arith.constant 0 : i32
    return %c0_i32, %c0_i32_0 : i32, i32
  }
  func.func @transform_6(%arg0: i32) -> (i32, i32) {
    %c0_i32 = arith.constant 0 : i32
    %c0_i32_0 = arith.constant 0 : i32
    %c0_i32_1 = arith.constant 0 : i32
    return %c0_i32, %c0_i32_0 : i32, i32
  }
  func.func @transform_7(%arg0: i32) -> (i32, i32) {
    %c0_i32 = arith.constant 0 : i32
    %c0_i32_0 = arith.constant 0 : i32
    %c0_i32_1 = arith.constant 0 : i32
    return %c0_i32, %c0_i32_0 : i32, i32
  }
  func.func @transform_8(%arg0: i32) -> (i32, i32, i32) {
    %c0_i32 = arith.constant 0 : i32
    %c0_i32_0 = arith.constant 0 : i32
    %c0_i32_1 = arith.constant 0 : i32
    return %arg0, %c0_i32, %c0_i32_0 : i32, i32, i32
  }
  func.func @transform_9(%arg0: i32) -> (i32, i32, i32) {
    %c0_i32 = arith.constant 0 : i32
    %c0_i32_0 = arith.constant 0 : i32
    %c0_i32_1 = arith.constant 0 : i32
    return %arg0, %c0_i32, %c0_i32_0 : i32, i32, i32
  }
  func.func @transform_10(%arg0: i32) -> (i32, i32, i32) {
    %c0_i32 = arith.constant 0 : i32
    %c0_i32_0 = arith.constant 0 : i32
    %c0_i32_1 = arith.constant 0 : i32
    return %arg0, %c0_i32, %c0_i32_0 : i32, i32, i32
  }
  func.func @transform_11(%arg0: i32) -> (i32, i32, i32) {
    %c0_i32 = arith.constant 0 : i32
    %c0_i32_0 = arith.constant 0 : i32
    %c0_i32_1 = arith.constant 0 : i32
    return %arg0, %c0_i32, %c0_i32_0 : i32, i32, i32
  }
}

module attributes {stable_mosaic.version = 14 : i64} {
  func.func @_layers_body(%arg0: i32, %arg1: i32, %arg2: memref<1x256x128xf32, #tpu.memory_space<vmem>>, %arg3: memref<1x128x128xf32, #tpu.memory_space<vmem>>, %arg4: memref<1x256x30xf32, #tpu.memory_space<vmem>>, %arg5: memref<1x3840x1xf32, #tpu.memory_space<vmem>>, %arg6: memref<1x3840x1xf32, #tpu.memory_space<vmem>>, %arg7: memref<1x3840x1xf32, #tpu.memory_space<vmem>>, %arg8: memref<8x128xf32, #tpu.memory_space<vmem>>, %arg9: memref<8x128xf32, #tpu.memory_space<vmem>>, %arg10: memref<16x128xf32, #tpu.memory_space<vmem>>, %arg11: memref<1x128xf32, #tpu.memory_space<vmem>>, %arg12: memref<1x128xf32, #tpu.memory_space<vmem>>, %arg13: memref<1x128xf32, #tpu.memory_space<vmem>>, %arg14: memref<128x128xf32, #tpu.memory_space<vmem>>, %arg15: memref<1x128xf32, #tpu.memory_space<vmem>>, %arg16: memref<128x128xf32, #tpu.memory_space<vmem>>, %arg17: memref<128x128xf32, #tpu.memory_space<vmem>>, %arg18: memref<128x128xf32, #tpu.memory_space<vmem>>, %arg19: memref<1x128xf32, #tpu.memory_space<vmem>>, %arg20: memref<128x128xf32, #tpu.memory_space<vmem>>, %arg21: memref<1x128xf32, #tpu.memory_space<vmem>>, %arg22: memref<128x128xf32, #tpu.memory_space<vmem>>, %arg23: memref<1x128xf32, #tpu.memory_space<vmem>>, %arg24: memref<1x128xf32, #tpu.memory_space<vmem>>, %arg25: memref<1x128xf32, #tpu.memory_space<vmem>>, %arg26: memref<128x512xf32, #tpu.memory_space<vmem>>, %arg27: memref<1x512xf32, #tpu.memory_space<vmem>>, %arg28: memref<512x128xf32, #tpu.memory_space<vmem>>, %arg29: memref<1x128xf32, #tpu.memory_space<vmem>>, %arg30: memref<1x128xf32, #tpu.memory_space<vmem>>, %arg31: memref<1x128xf32, #tpu.memory_space<vmem>>, %arg32: memref<128x128xf32, #tpu.memory_space<vmem>>, %arg33: memref<128x128xf32, #tpu.memory_space<vmem>>, %arg34: memref<128x128xf32, #tpu.memory_space<vmem>>, %arg35: memref<1x128xf32, #tpu.memory_space<vmem>>, %arg36: memref<128x128xf32, #tpu.memory_space<vmem>>, %arg37: memref<1x128xf32, #tpu.memory_space<vmem>>, %arg38: memref<128x128xf32, #tpu.memory_space<vmem>>, %arg39: memref<1x128xf32, #tpu.memory_space<vmem>>, %arg40: memref<1x128xf32, #tpu.memory_space<vmem>>, %arg41: memref<1x128xf32, #tpu.memory_space<vmem>>, %arg42: memref<128x512xf32, #tpu.memory_space<vmem>>, %arg43: memref<1x512xf32, #tpu.memory_space<vmem>>, %arg44: memref<512x128xf32, #tpu.memory_space<vmem>>, %arg45: memref<1x128xf32, #tpu.memory_space<vmem>>, %arg46: memref<1x128xf32, #tpu.memory_space<vmem>>, %arg47: memref<1x128xf32, #tpu.memory_space<vmem>>, %arg48: memref<128x128xf32, #tpu.memory_space<vmem>>, %arg49: memref<128x128xf32, #tpu.memory_space<vmem>>, %arg50: memref<128x128xf32, #tpu.memory_space<vmem>>, %arg51: memref<1x128xf32, #tpu.memory_space<vmem>>, %arg52: memref<128x128xf32, #tpu.memory_space<vmem>>, %arg53: memref<1x128xf32, #tpu.memory_space<vmem>>, %arg54: memref<128x128xf32, #tpu.memory_space<vmem>>, %arg55: memref<1x128xf32, #tpu.memory_space<vmem>>, %arg56: memref<1x128xf32, #tpu.memory_space<vmem>>, %arg57: memref<1x128xf32, #tpu.memory_space<vmem>>, %arg58: memref<128x512xf32, #tpu.memory_space<vmem>>, %arg59: memref<1x512xf32, #tpu.memory_space<vmem>>, %arg60: memref<512x128xf32, #tpu.memory_space<vmem>>, %arg61: memref<1x128xf32, #tpu.memory_space<vmem>>, %arg62: memref<1x128xf32, #tpu.memory_space<vmem>>, %arg63: memref<1x128xf32, #tpu.memory_space<vmem>>, %arg64: memref<3840x128xf32, #tpu.memory_space<vmem>>, %arg65: memref<3840x1xi32, #tpu.memory_space<vmem>>) attributes {dimension_semantics = [#tpu.dimension_semantics<arbitrary>, #tpu.dimension_semantics<arbitrary>], iteration_bounds = array<i64: 2, 2>, scalar_prefetch = 0 : i64, scratch_operands = 0 : i64, tpu.core_type = #tpu.core_type<tc>, window_params = [{transform_indices = @transform_0, window_bounds = array<i64: 1, 256, 128>}, {transform_indices = @transform_1, window_bounds = array<i64: 1, 128, 128>}, {transform_indices = @transform_2, window_bounds = array<i64: 1, 256, 30>}, {transform_indices = @transform_3, window_bounds = array<i64: 1, 3840, 1>}, {transform_indices = @transform_4, window_bounds = array<i64: 1, 3840, 1>}, {transform_indices = @transform_5, window_bounds = array<i64: 1, 3840, 1>}, {pipeline_mode = #tpu.pipeline_mode<synchronous>, transform_indices = @transform_6, window_bounds = array<i64: 8, 128>}, {pipeline_mode = #tpu.pipeline_mode<synchronous>, transform_indices = @transform_7, window_bounds = array<i64: 8, 128>}, {pipeline_mode = #tpu.pipeline_mode<synchronous>, transform_indices = @transform_8, window_bounds = array<i64: 16, 128>}, {pipeline_mode = #tpu.pipeline_mode<synchronous>, transform_indices = @transform_9, window_bounds = array<i64: 1, 128>}, {pipeline_mode = #tpu.pipeline_mode<synchronous>, transform_indices = @transform_10, window_bounds = array<i64: 1, 128>}, {pipeline_mode = #tpu.pipeline_mode<synchronous>, transform_indices = @transform_11, window_bounds = array<i64: 1, 128>}, {pipeline_mode = #tpu.pipeline_mode<synchronous>, transform_indices = @transform_12, window_bounds = array<i64: 128, 128>}, {pipeline_mode = #tpu.pipeline_mode<synchronous>, transform_indices = @transform_13, window_bounds = array<i64: 1, 128>}, {pipeline_mode = #tpu.pipeline_mode<synchronous>, transform_indices = @transform_14, window_bounds = array<i64: 128, 128>}, {pipeline_mode = #tpu.pipeline_mode<synchronous>, transform_indices = @transform_15, window_bounds = array<i64: 128, 128>}, {pipeline_mode = #tpu.pipeline_mode<synchronous>, transform_indices = @transform_16, window_bounds = array<i64: 128, 128>}, {pipeline_mode = #tpu.pipeline_mode<synchronous>, transform_indices = @transform_17, window_bounds = array<i64: 1, 128>}, {pipeline_mode = #tpu.pipeline_mode<synchronous>, transform_indices = @transform_18, window_bounds = array<i64: 128, 128>}, {pipeline_mode = #tpu.pipeline_mode<synchronous>, transform_indices = @transform_19, window_bounds = array<i64: 1, 128>}, {pipeline_mode = #tpu.pipeline_mode<synchronous>, transform_indices = @transform_20, window_bounds = array<i64: 128, 128>}, {pipeline_mode = #tpu.pipeline_mode<synchronous>, transform_indices = @transform_21, window_bounds = array<i64: 1, 128>}, {pipeline_mode = #tpu.pipeline_mode<synchronous>, transform_indices = @transform_22, window_bounds = array<i64: 1, 128>}, {pipeline_mode = #tpu.pipeline_mode<synchronous>, transform_indices = @transform_23, window_bounds = array<i64: 1, 128>}, {pipeline_mode = #tpu.pipeline_mode<synchronous>, transform_indices = @transform_24, window_bounds = array<i64: 128, 512>}, {pipeline_mode = #tpu.pipeline_mode<synchronous>, transform_indices = @transform_25, window_bounds = array<i64: 1, 512>}, {pipeline_mode = #tpu.pipeline_mode<synchronous>, transform_indices = @transform_26, window_bounds = array<i64: 512, 128>}, {pipeline_mode = #tpu.pipeline_mode<synchronous>, transform_indices = @transform_27, window_bounds = array<i64: 1, 128>}, {pipeline_mode = #tpu.pipeline_mode<synchronous>, transform_indices = @transform_28, window_bounds = array<i64: 1, 128>}, {pipeline_mode = #tpu.pipeline_mode<synchronous>, transform_indices = @transform_29, window_bounds = array<i64: 1, 128>}, {pipeline_mode = #tpu.pipeline_mode<synchronous>, transform_indices = @transform_30, window_bounds = array<i64: 128, 128>}, {pipeline_mode = #tpu.pipeline_mode<synchronous>, transform_indices = @transform_31, window_bounds = array<i64: 128, 128>}, {pipeline_mode = #tpu.pipeline_mode<synchronous>, transform_indices = @transform_32, window_bounds = array<i64: 128, 128>}, {pipeline_mode = #tpu.pipeline_mode<synchronous>, transform_indices = @transform_33, window_bounds = array<i64: 1, 128>}, {pipeline_mode = #tpu.pipeline_mode<synchronous>, transform_indices = @transform_34, window_bounds = array<i64: 128, 128>}, {pipeline_mode = #tpu.pipeline_mode<synchronous>, transform_indices = @transform_35, window_bounds = array<i64: 1, 128>}, {pipeline_mode = #tpu.pipeline_mode<synchronous>, transform_indices = @transform_36, window_bounds = array<i64: 128, 128>}, {pipeline_mode = #tpu.pipeline_mode<synchronous>, transform_indices = @transform_37, window_bounds = array<i64: 1, 128>}, {pipeline_mode = #tpu.pipeline_mode<synchronous>, transform_indices = @transform_38, window_bounds = array<i64: 1, 128>}, {pipeline_mode = #tpu.pipeline_mode<synchronous>, transform_indices = @transform_39, window_bounds = array<i64: 1, 128>}, {pipeline_mode = #tpu.pipeline_mode<synchronous>, transform_indices = @transform_40, window_bounds = array<i64: 128, 512>}, {pipeline_mode = #tpu.pipeline_mode<synchronous>, transform_indices = @transform_41, window_bounds = array<i64: 1, 512>}, {pipeline_mode = #tpu.pipeline_mode<synchronous>, transform_indices = @transform_42, window_bounds = array<i64: 512, 128>}, {pipeline_mode = #tpu.pipeline_mode<synchronous>, transform_indices = @transform_43, window_bounds = array<i64: 1, 128>}, {pipeline_mode = #tpu.pipeline_mode<synchronous>, transform_indices = @transform_44, window_bounds = array<i64: 1, 128>}, {pipeline_mode = #tpu.pipeline_mode<synchronous>, transform_indices = @transform_45, window_bounds = array<i64: 1, 128>}, {pipeline_mode = #tpu.pipeline_mode<synchronous>, transform_indices = @transform_46, window_bounds = array<i64: 128, 128>}, {pipeline_mode = #tpu.pipeline_mode<synchronous>, transform_indices = @transform_47, window_bounds = array<i64: 128, 128>}, {pipeline_mode = #tpu.pipeline_mode<synchronous>, transform_indices = @transform_48, window_bounds = array<i64: 128, 128>}, {pipeline_mode = #tpu.pipeline_mode<synchronous>, transform_indices = @transform_49, window_bounds = array<i64: 1, 128>}, {pipeline_mode = #tpu.pipeline_mode<synchronous>, transform_indices = @transform_50, window_bounds = array<i64: 128, 128>}, {pipeline_mode = #tpu.pipeline_mode<synchronous>, transform_indices = @transform_51, window_bounds = array<i64: 1, 128>}, {pipeline_mode = #tpu.pipeline_mode<synchronous>, transform_indices = @transform_52, window_bounds = array<i64: 128, 128>}, {pipeline_mode = #tpu.pipeline_mode<synchronous>, transform_indices = @transform_53, window_bounds = array<i64: 1, 128>}, {pipeline_mode = #tpu.pipeline_mode<synchronous>, transform_indices = @transform_54, window_bounds = array<i64: 1, 128>}, {pipeline_mode = #tpu.pipeline_mode<synchronous>, transform_indices = @transform_55, window_bounds = array<i64: 1, 128>}, {pipeline_mode = #tpu.pipeline_mode<synchronous>, transform_indices = @transform_56, window_bounds = array<i64: 128, 512>}, {pipeline_mode = #tpu.pipeline_mode<synchronous>, transform_indices = @transform_57, window_bounds = array<i64: 1, 512>}, {pipeline_mode = #tpu.pipeline_mode<synchronous>, transform_indices = @transform_58, window_bounds = array<i64: 512, 128>}, {pipeline_mode = #tpu.pipeline_mode<synchronous>, transform_indices = @transform_59, window_bounds = array<i64: 1, 128>}, {pipeline_mode = #tpu.pipeline_mode<synchronous>, transform_indices = @transform_60, window_bounds = array<i64: 1, 128>}, {pipeline_mode = #tpu.pipeline_mode<synchronous>, transform_indices = @transform_61, window_bounds = array<i64: 1, 128>}, {transform_indices = @transform_62, window_bounds = array<i64: 3840, 128>}, {transform_indices = @transform_63, window_bounds = array<i64: 3840, 1>}]} {
    %get3A = arith.constant 0 : index
    %get3A_0 = arith.constant 0 : index
    %get3A_1 = arith.constant 0 : index
    %get3A_2 = vector.load %arg2[%get3A, %get3A_0, %get3A_1] : memref<1x256x128xf32, #tpu.memory_space<vmem>>, vector<1x256x128xf32>
    %get3A_3 = vector.shape_cast %get3A_2 : vector<1x256x128xf32> to vector<256x128xf32>
    %get3A_4 = arith.constant 0 : index
    %get3A_5 = arith.constant 0 : index
    %get3A_6 = arith.constant 0 : index
    %get3A_7 = vector.load %arg3[%get3A_4, %get3A_5, %get3A_6] : memref<1x128x128xf32, #tpu.memory_space<vmem>>, vector<1x128x128xf32>
    %get3A_8 = vector.shape_cast %get3A_7 : vector<1x128x128xf32> to vector<128x128xf32>
    %get3A_9 = arith.constant 0 : index
    %get3A_10 = arith.constant 0 : index
    %get3A_11 = arith.constant 0 : index
    %get3A_12 = vector.load %arg4[%get3A_9, %get3A_10, %get3A_11] : memref<1x256x30xf32, #tpu.memory_space<vmem>>, vector<1x256x30xf32>
    %get3A_13 = vector.shape_cast %get3A_12 : vector<1x256x30xf32> to vector<256x30xf32>
    %get3A_14 = arith.constant 0 : index
    %get3A_15 = arith.constant 0 : index
    %get3A_16 = arith.constant 0 : index
    %get3A_17 = vector.load %arg5[%get3A_14, %get3A_15, %get3A_16] : memref<1x3840x1xf32, #tpu.memory_space<vmem>>, vector<1x3840x1xf32>
    %get3A_18 = vector.shape_cast %get3A_17 : vector<1x3840x1xf32> to vector<3840x1xf32>
    %get3A_19 = arith.constant 0 : index
    %get3A_20 = arith.constant 0 : index
    %get3A_21 = arith.constant 0 : index
    %get3A_22 = vector.load %arg6[%get3A_19, %get3A_20, %get3A_21] : memref<1x3840x1xf32, #tpu.memory_space<vmem>>, vector<1x3840x1xf32>
    %get3A_23 = vector.shape_cast %get3A_22 : vector<1x3840x1xf32> to vector<3840x1xf32>
    %get3A_24 = arith.constant 0 : index
    %get3A_25 = arith.constant 0 : index
    %get3A_26 = arith.constant 0 : index
    %get3A_27 = vector.load %arg7[%get3A_24, %get3A_25, %get3A_26] : memref<1x3840x1xf32, #tpu.memory_space<vmem>>, vector<1x3840x1xf32>
    %get3A_28 = vector.shape_cast %get3A_27 : vector<1x3840x1xf32> to vector<3840x1xf32>
    %iota3A = tpu.iota {dimensions = array<i32: 1>} : vector<3840x256xi32>
    %convert_element_type3A = arith.sitofp %iota3A : vector<3840x256xi32> to vector<3840x256xf32>
    %eq3A = vector.broadcast %get3A_18 : vector<3840x1xf32> to vector<3840x256xf32>
    %eq3A_29 = arith.cmpf oeq, %eq3A, %convert_element_type3A : vector<3840x256xf32>
    %convert_element_type3A_30 = arith.extui %eq3A_29 : vector<3840x256xi1> to vector<3840x256xi32>
    %convert_element_type3A_31 = arith.sitofp %convert_element_type3A_30 : vector<3840x256xi32> to vector<3840x256xf32>
    %mul3A = arith.constant 128 : i32
    %mul3A_32 = arith.muli %arg1, %mul3A : i32
    %convert_element_type3A_33 = arith.sitofp %mul3A_32 : i32 to f32
    %iota3A_34 = tpu.iota {dimensions = array<i32: 1>} : vector<3840x128xi32>
    %convert_element_type3A_35 = arith.sitofp %iota3A_34 : vector<3840x128xi32> to vector<3840x128xf32>
    %sub3A = vector.broadcast %convert_element_type3A_33 : f32 to vector<3840x1xf32>
    %sub3A_36 = arith.subf %get3A_23, %sub3A : vector<3840x1xf32>
    %eq3A_37 = vector.broadcast %sub3A_36 : vector<3840x1xf32> to vector<3840x128xf32>
    %eq3A_38 = arith.cmpf oeq, %eq3A_37, %convert_element_type3A_35 : vector<3840x128xf32>
    %convert_element_type3A_39 = arith.extui %eq3A_38 : vector<3840x128xi1> to vector<3840x128xi32>
    %convert_element_type3A_40 = arith.sitofp %convert_element_type3A_39 : vector<3840x128xi32> to vector<3840x128xf32>
    %dot_general3A = arith.constant dense<0.000000e+00> : vector<3840x128xf32>
    %dot_general3A_41 = tpu.matmul %convert_element_type3A_31, %get3A_3, %dot_general3A {dimension_numbers = #tpu.dot_dimension_numbers<[1], [0], [0], [1], [0, 0, 1, 1], [], []>, transpose_lhs_hint = false} : vector<3840x256xf32>, vector<256x128xf32>, vector<3840x128xf32> -> vector<3840x128xf32>
    %dot_general3A_42 = arith.constant dense<0.000000e+00> : vector<3840x128xf32>
    %dot_general3A_43 = tpu.matmul %convert_element_type3A_40, %get3A_8, %dot_general3A_42 {dimension_numbers = #tpu.dot_dimension_numbers<[1], [0], [0], [1], [0, 0, 1, 1], [], []>, transpose_lhs_hint = false} : vector<3840x128xf32>, vector<128x128xf32>, vector<3840x128xf32> -> vector<3840x128xf32>
    %iota3A_44 = tpu.iota {dimensions = array<i32: 1>} : vector<1x16xi32>
    %convert_element_type3A_45 = arith.sitofp %iota3A_44 : vector<1x16xi32> to vector<1x16xf32>
    %mul3A_46 = arith.constant 1.33333337 : f32
    %mul3A_47 = vector.broadcast %mul3A_46 : f32 to vector<1x16xf32>
    %mul3A_48 = arith.mulf %convert_element_type3A_45, %mul3A_47 : vector<1x16xf32>
    %sub3A_49 = vector.broadcast %get3A_28 : vector<3840x1xf32> to vector<3840x16xf32>
    %sub3A_50 = vector.broadcast %mul3A_48 : vector<1x16xf32> to vector<3840x16xf32>
    %sub3A_51 = arith.subf %sub3A_49, %sub3A_50 : vector<3840x16xf32>
    %mul3A_52 = arith.constant 8.000000e-01 : f32
    %mul3A_53 = vector.broadcast %mul3A_52 : f32 to vector<3840x16xf32>
    %mul3A_54 = arith.mulf %sub3A_51, %mul3A_53 : vector<3840x16xf32>
    %integer_pow3A = arith.mulf %mul3A_54, %mul3A_54 : vector<3840x16xf32>
    %neg3A = arith.constant 0.000000e+00 : f32
    %neg3A_55 = vector.broadcast %neg3A : f32 to vector<3840x16xf32>
    %neg3A_56 = arith.subf %neg3A_55, %integer_pow3A : vector<3840x16xf32>
    %exp3A = math.exp %neg3A_56 : vector<3840x16xf32>
    %iota3A_57 = tpu.iota {dimensions = array<i32: 1>} : vector<1x8xi32>
    %convert_element_type3A_58 = arith.sitofp %iota3A_57 : vector<1x8xi32> to vector<1x8xf32>
    %mul3A_59 = arith.constant 2.000000e+00 : f32
    %mul3A_60 = vector.broadcast %mul3A_59 : f32 to vector<1x8xf32>
    %mul3A_61 = arith.mulf %convert_element_type3A_58, %mul3A_60 : vector<1x8xf32>
    %log3A = arith.constant 1.000000e+04 : f32
    %log3A_62 = math.log %log3A : f32
    %neg3A_63 = arith.constant 0.000000e+00 : f32
    %neg3A_64 = arith.subf %neg3A_63, %log3A_62 : f32
    %div3A = arith.constant 1.600000e+01 : f32
    %div3A_65 = arith.divf %neg3A_64, %div3A : f32
    %mul3A_66 = vector.broadcast %div3A_65 : f32 to vector<1x8xf32>
    %mul3A_67 = arith.mulf %mul3A_61, %mul3A_66 : vector<1x8xf32>
    %exp3A_68 = math.exp %mul3A_67 : vector<1x8xf32>
    %sub3A_69 = arith.subf %get3A_18, %get3A_23 : vector<3840x1xf32>
    %mul3A_70 = vector.broadcast %sub3A_69 : vector<3840x1xf32> to vector<3840x8xf32>
    %mul3A_71 = vector.broadcast %exp3A_68 : vector<1x8xf32> to vector<3840x8xf32>
    %mul3A_72 = arith.mulf %mul3A_70, %mul3A_71 : vector<3840x8xf32>
    %get3A_73 = arith.constant 0 : index
    %get3A_74 = arith.constant 0 : index
    %get3A_75 = vector.load %arg8[%get3A_73, %get3A_74] : memref<8x128xf32, #tpu.memory_space<vmem>>, vector<8x128xf32>
    %get3A_76 = arith.constant 0 : index
    %get3A_77 = arith.constant 0 : index
    %get3A_78 = vector.load %arg9[%get3A_76, %get3A_77] : memref<8x128xf32, #tpu.memory_space<vmem>>, vector<8x128xf32>
    %get3A_79 = arith.constant 0 : index
    %get3A_80 = arith.constant 0 : index
    %get3A_81 = vector.load %arg10[%get3A_79, %get3A_80] : memref<16x128xf32, #tpu.memory_space<vmem>>, vector<16x128xf32>
    %get3A_82 = arith.constant 0 : index
    %get3A_83 = arith.constant 0 : index
    %get3A_84 = vector.load %arg11[%get3A_82, %get3A_83] : memref<1x128xf32, #tpu.memory_space<vmem>>, vector<1x128xf32>
    %cos3A = math.cos %mul3A_72 : vector<3840x8xf32>
    %dot_general3A_85 = arith.constant dense<0.000000e+00> : vector<3840x128xf32>
    %dot_general3A_86 = tpu.matmul %cos3A, %get3A_75, %dot_general3A_85 {dimension_numbers = #tpu.dot_dimension_numbers<[1], [0], [0], [1], [0, 0, 1, 1], [], []>, transpose_lhs_hint = false} : vector<3840x8xf32>, vector<8x128xf32>, vector<3840x128xf32> -> vector<3840x128xf32>
    %sin3A = math.sin %mul3A_72 : vector<3840x8xf32>
    %dot_general3A_87 = arith.constant dense<0.000000e+00> : vector<3840x128xf32>
    %dot_general3A_88 = tpu.matmul %sin3A, %get3A_78, %dot_general3A_87 {dimension_numbers = #tpu.dot_dimension_numbers<[1], [0], [0], [1], [0, 0, 1, 1], [], []>, transpose_lhs_hint = false} : vector<3840x8xf32>, vector<8x128xf32>, vector<3840x128xf32> -> vector<3840x128xf32>
    %add3A = arith.addf %dot_general3A_86, %dot_general3A_88 : vector<3840x128xf32>
    %dot_general3A_89 = arith.constant dense<0.000000e+00> : vector<3840x128xf32>
    %dot_general3A_90 = tpu.matmul %exp3A, %get3A_81, %dot_general3A_89 {dimension_numbers = #tpu.dot_dimension_numbers<[1], [0], [0], [1], [0, 0, 1, 1], [], []>, transpose_lhs_hint = false} : vector<3840x16xf32>, vector<16x128xf32>, vector<3840x128xf32> -> vector<3840x128xf32>
    %add3A_91 = arith.addf %add3A, %dot_general3A_90 : vector<3840x128xf32>
    %add3A_92 = vector.broadcast %get3A_84 : vector<1x128xf32> to vector<3840x128xf32>
    %add3A_93 = arith.addf %add3A_91, %add3A_92 : vector<3840x128xf32>
    %get3A_94 = arith.constant 0 : index
    %get3A_95 = arith.constant 0 : index
    %get3A_96 = vector.load %arg12[%get3A_94, %get3A_95] : memref<1x128xf32, #tpu.memory_space<vmem>>, vector<1x128xf32>
    %get3A_97 = arith.constant 0 : index
    %get3A_98 = arith.constant 0 : index
    %get3A_99 = vector.load %arg13[%get3A_97, %get3A_98] : memref<1x128xf32, #tpu.memory_space<vmem>>, vector<1x128xf32>
    %reduce_sum3A = arith.constant dense<0.000000e+00> : vector<3840xf32>
    %reduce_sum3A_100 = vector.multi_reduction <add>, %add3A_93, %reduce_sum3A [1] : vector<3840x128xf32> to vector<3840xf32>
    %broadcast_in_dim3A = vector.shape_cast %reduce_sum3A_100 : vector<3840xf32> to vector<3840x1xf32>
    %div3A_101 = arith.constant 1.280000e+02 : f32
    %div3A_102 = vector.broadcast %div3A_101 : f32 to vector<3840x1xf32>
    %div3A_103 = arith.divf %broadcast_in_dim3A, %div3A_102 : vector<3840x1xf32>
    %sub3A_104 = vector.broadcast %div3A_103 : vector<3840x1xf32> to vector<3840x128xf32>
    %sub3A_105 = arith.subf %add3A_93, %sub3A_104 : vector<3840x128xf32>
    %integer_pow3A_106 = arith.mulf %sub3A_105, %sub3A_105 : vector<3840x128xf32>
    %reduce_sum3A_107 = arith.constant dense<0.000000e+00> : vector<3840xf32>
    %reduce_sum3A_108 = vector.multi_reduction <add>, %integer_pow3A_106, %reduce_sum3A_107 [1] : vector<3840x128xf32> to vector<3840xf32>
    %broadcast_in_dim3A_109 = vector.shape_cast %reduce_sum3A_108 : vector<3840xf32> to vector<3840x1xf32>
    %div3A_110 = arith.constant 1.280000e+02 : f32
    %div3A_111 = vector.broadcast %div3A_110 : f32 to vector<3840x1xf32>
    %div3A_112 = arith.divf %broadcast_in_dim3A_109, %div3A_111 : vector<3840x1xf32>
    %sub3A_113 = vector.broadcast %div3A_103 : vector<3840x1xf32> to vector<3840x128xf32>
    %sub3A_114 = arith.subf %add3A_93, %sub3A_113 : vector<3840x128xf32>
    %mul3A_115 = vector.broadcast %get3A_96 : vector<1x128xf32> to vector<3840x128xf32>
    %mul3A_116 = arith.mulf %mul3A_115, %sub3A_114 : vector<3840x128xf32>
    %add3A_117 = arith.constant 9.99999997E-7 : f32
    %add3A_118 = vector.broadcast %add3A_117 : f32 to vector<3840x1xf32>
    %add3A_119 = arith.addf %div3A_112, %add3A_118 : vector<3840x1xf32>
    %sqrt3A = math.sqrt %add3A_119 : vector<3840x1xf32>
    %div3A_120 = vector.broadcast %sqrt3A : vector<3840x1xf32> to vector<3840x128xf32>
    %div3A_121 = arith.divf %mul3A_116, %div3A_120 : vector<3840x128xf32>
    %add3A_122 = vector.broadcast %get3A_99 : vector<1x128xf32> to vector<3840x128xf32>
    %add3A_123 = arith.addf %div3A_121, %add3A_122 : vector<3840x128xf32>
    %get3A_124 = arith.constant 0 : index
    %get3A_125 = arith.constant 0 : index
    %get3A_126 = vector.load %arg14[%get3A_124, %get3A_125] : memref<128x128xf32, #tpu.memory_space<vmem>>, vector<128x128xf32>
    %dot_general3A_127 = arith.constant dense<0.000000e+00> : vector<3840x128xf32>
    %dot_general3A_128 = tpu.matmul %add3A_123, %get3A_126, %dot_general3A_127 {dimension_numbers = #tpu.dot_dimension_numbers<[1], [0], [0], [1], [0, 0, 1, 1], [], []>, transpose_lhs_hint = false} : vector<3840x128xf32>, vector<128x128xf32>, vector<3840x128xf32> -> vector<3840x128xf32>
    %get3A_129 = arith.constant 0 : index
    %get3A_130 = arith.constant 0 : index
    %get3A_131 = vector.load %arg15[%get3A_129, %get3A_130] : memref<1x128xf32, #tpu.memory_space<vmem>>, vector<1x128xf32>
    %add3A_132 = vector.broadcast %get3A_131 : vector<1x128xf32> to vector<3840x128xf32>
    %add3A_133 = arith.addf %dot_general3A_128, %add3A_132 : vector<3840x128xf32>
    %dot_general3A_134 = arith.constant dense<0.000000e+00> : vector<3840x30xf32>
    %dot_general3A_135 = tpu.matmul %convert_element_type3A_31, %get3A_13, %dot_general3A_134 {dimension_numbers = #tpu.dot_dimension_numbers<[1], [0], [0], [1], [0, 0, 1, 1], [], []>, transpose_lhs_hint = false} : vector<3840x256xf32>, vector<256x30xf32>, vector<3840x30xf32> -> vector<3840x30xf32>
    %iota3A_136 = tpu.iota {dimensions = array<i32: 1>} : vector<1x30xi32>
    %convert_element_type3A_137 = arith.sitofp %iota3A_136 : vector<1x30xi32> to vector<1x30xf32>
    %add3A_138 = arith.constant 1.000000e+00 : f32
    %add3A_139 = vector.broadcast %add3A_138 : f32 to vector<1x30xf32>
    %add3A_140 = arith.addf %convert_element_type3A_137, %add3A_139 : vector<1x30xf32>
    %sub3A_141 = vector.broadcast %get3A_23 : vector<3840x1xf32> to vector<3840x30xf32>
    %sub3A_142 = arith.subf %dot_general3A_135, %sub3A_141 : vector<3840x30xf32>
    %abs3A = math.absf %sub3A_142 : vector<3840x30xf32>
    %lt3A = arith.constant 5.000000e-01 : f32
    %lt3A_143 = vector.broadcast %lt3A : f32 to vector<3840x30xf32>
    %lt3A_144 = arith.cmpf olt, %abs3A, %lt3A_143 : vector<3840x30xf32>
    %jit3A = arith.constant 0.000000e+00 : f32
    %broadcast_in_dim3A_145 = vector.shape_cast %add3A_140 : vector<1x30xf32> to vector<1x30xf32>
    %broadcast_in_dim3A_146 = vector.broadcast %broadcast_in_dim3A_145 : vector<1x30xf32> to vector<3840x30xf32>
    %broadcast_in_dim3A_147 = vector.broadcast %jit3A : f32 to vector<3840x30xf32>
    %select_n3A = arith.select %lt3A_144, %broadcast_in_dim3A_146, %broadcast_in_dim3A_147 : vector<3840x30xi1>, vector<3840x30xf32>
    %reduce_sum3A_148 = arith.constant dense<0.000000e+00> : vector<3840xf32>
    %reduce_sum3A_149 = vector.multi_reduction <add>, %select_n3A, %reduce_sum3A_148 [1] : vector<3840x30xf32> to vector<3840xf32>
    %broadcast_in_dim3A_150 = vector.shape_cast %reduce_sum3A_149 : vector<3840xf32> to vector<3840x1xf32>
    %mul3A_151 = arith.constant 7680 : i32
    %mul3A_152 = arith.muli %arg0, %mul3A_151 : i32
    %convert_element_type3A_153 = arith.sitofp %mul3A_152 : i32 to f32
    %mul3A_154 = arith.constant 3840 : i32
    %mul3A_155 = arith.muli %arg1, %mul3A_154 : i32
    %convert_element_type3A_156 = arith.sitofp %mul3A_155 : i32 to f32
    %add3A_157 = arith.addf %convert_element_type3A_153, %convert_element_type3A_156 : f32
    %iota3A_158 = tpu.iota {dimensions = array<i32: 0>} : vector<3840x1xi32>
    %convert_element_type3A_159 = arith.sitofp %iota3A_158 : vector<3840x1xi32> to vector<3840x1xf32>
    %add3A_160 = vector.broadcast %add3A_157 : f32 to vector<3840x1xf32>
    %add3A_161 = arith.addf %add3A_160, %convert_element_type3A_159 : vector<3840x1xf32>
    %mul3A_162 = arith.constant 3.000000e+01 : f32
    %mul3A_163 = vector.broadcast %mul3A_162 : f32 to vector<3840x1xf32>
    %mul3A_164 = arith.mulf %get3A_18, %mul3A_163 : vector<3840x1xf32>
    %add3A_165 = vector.broadcast %convert_element_type3A_153 : f32 to vector<3840x1xf32>
    %add3A_166 = arith.addf %add3A_165, %mul3A_164 : vector<3840x1xf32>
    %add3A_167 = arith.addf %add3A_166, %broadcast_in_dim3A_150 : vector<3840x1xf32>
    %sub3A_168 = arith.constant 1.000000e+00 : f32
    %sub3A_169 = vector.broadcast %sub3A_168 : f32 to vector<3840x1xf32>
    %sub3A_170 = arith.subf %add3A_167, %sub3A_169 : vector<3840x1xf32>
    %gt3A = arith.constant 5.000000e-01 : f32
    %gt3A_171 = vector.broadcast %gt3A : f32 to vector<3840x1xf32>
    %gt3A_172 = arith.cmpf ogt, %broadcast_in_dim3A_150, %gt3A_171 : vector<3840x1xf32>
    %select_n3A_173 = arith.select %gt3A_172, %sub3A_170, %add3A_161 : vector<3840x1xi1>, vector<3840x1xf32>
    %convert_element_type3A_174 = arith.fptosi %select_n3A_173 : vector<3840x1xf32> to vector<3840x1xi32>
    %swap3A = arith.constant 0 : index
    %swap3A_175 = arith.constant 0 : index
    %swap3A_176 = vector.load %arg65[%swap3A, %swap3A_175] : memref<3840x1xi32, #tpu.memory_space<vmem>>, vector<3840x1xi32>
    tpu.vector_store %arg65[%swap3A, %swap3A_175], %convert_element_type3A_174 {strides = array<i32>} : memref<3840x1xi32, #tpu.memory_space<vmem>>, vector<3840x1xi32>,
    %get3A_177 = arith.constant 0 : index
    %get3A_178 = arith.constant 0 : index
    %get3A_179 = vector.load %arg16[%get3A_177, %get3A_178] : memref<128x128xf32, #tpu.memory_space<vmem>>, vector<128x128xf32>
    %get3A_180 = arith.constant 0 : index
    %get3A_181 = arith.constant 0 : index
    %get3A_182 = vector.load %arg17[%get3A_180, %get3A_181] : memref<128x128xf32, #tpu.memory_space<vmem>>, vector<128x128xf32>
    %get3A_183 = arith.constant 0 : index
    %get3A_184 = arith.constant 0 : index
    %get3A_185 = vector.load %arg18[%get3A_183, %get3A_184] : memref<128x128xf32, #tpu.memory_space<vmem>>, vector<128x128xf32>
    %get3A_186 = arith.constant 0 : index
    %get3A_187 = arith.constant 0 : index
    %get3A_188 = vector.load %arg19[%get3A_186, %get3A_187] : memref<1x128xf32, #tpu.memory_space<vmem>>, vector<1x128xf32>
    %get3A_189 = arith.constant 0 : index
    %get3A_190 = arith.constant 0 : index
    %get3A_191 = vector.load %arg20[%get3A_189, %get3A_190] : memref<128x128xf32, #tpu.memory_space<vmem>>, vector<128x128xf32>
    %get3A_192 = arith.constant 0 : index
    %get3A_193 = arith.constant 0 : index
    %get3A_194 = vector.load %arg21[%get3A_192, %get3A_193] : memref<1x128xf32, #tpu.memory_space<vmem>>, vector<1x128xf32>
    %get3A_195 = arith.constant 0 : index
    %get3A_196 = arith.constant 0 : index
    %get3A_197 = vector.load %arg22[%get3A_195, %get3A_196] : memref<128x128xf32, #tpu.memory_space<vmem>>, vector<128x128xf32>
    %get3A_198 = arith.constant 0 : index
    %get3A_199 = arith.constant 0 : index
    %get3A_200 = vector.load %arg23[%get3A_198, %get3A_199] : memref<1x128xf32, #tpu.memory_space<vmem>>, vector<1x128xf32>
    %get3A_201 = arith.constant 0 : index
    %get3A_202 = arith.constant 0 : index
    %get3A_203 = vector.load %arg24[%get3A_201, %get3A_202] : memref<1x128xf32, #tpu.memory_space<vmem>>, vector<1x128xf32>
    %get3A_204 = arith.constant 0 : index
    %get3A_205 = arith.constant 0 : index
    %get3A_206 = vector.load %arg25[%get3A_204, %get3A_205] : memref<1x128xf32, #tpu.memory_space<vmem>>, vector<1x128xf32>
    %get3A_207 = arith.constant 0 : index
    %get3A_208 = arith.constant 0 : index
    %get3A_209 = vector.load %arg26[%get3A_207, %get3A_208] : memref<128x512xf32, #tpu.memory_space<vmem>>, vector<128x512xf32>
    %get3A_210 = arith.constant 0 : index
    %get3A_211 = arith.constant 0 : index
    %get3A_212 = vector.load %arg27[%get3A_210, %get3A_211] : memref<1x512xf32, #tpu.memory_space<vmem>>, vector<1x512xf32>
    %get3A_213 = arith.constant 0 : index
    %get3A_214 = arith.constant 0 : index
    %get3A_215 = vector.load %arg28[%get3A_213, %get3A_214] : memref<512x128xf32, #tpu.memory_space<vmem>>, vector<512x128xf32>
    %get3A_216 = arith.constant 0 : index
    %get3A_217 = arith.constant 0 : index
    %get3A_218 = vector.load %arg29[%get3A_216, %get3A_217] : memref<1x128xf32, #tpu.memory_space<vmem>>, vector<1x128xf32>
    %get3A_219 = arith.constant 0 : index
    %get3A_220 = arith.constant 0 : index
    %get3A_221 = vector.load %arg30[%get3A_219, %get3A_220] : memref<1x128xf32, #tpu.memory_space<vmem>>, vector<1x128xf32>
    %get3A_222 = arith.constant 0 : index
    %get3A_223 = arith.constant 0 : index
    %get3A_224 = vector.load %arg31[%get3A_222, %get3A_223] : memref<1x128xf32, #tpu.memory_space<vmem>>, vector<1x128xf32>
    %dot_general3A_225 = arith.constant dense<0.000000e+00> : vector<3840x128xf32>
    %dot_general3A_226 = tpu.matmul %dot_general3A_43, %get3A_179, %dot_general3A_225 {dimension_numbers = #tpu.dot_dimension_numbers<[1], [0], [0], [1], [0, 0, 1, 1], [], []>, transpose_lhs_hint = false} : vector<3840x128xf32>, vector<128x128xf32>, vector<3840x128xf32> -> vector<3840x128xf32>
    %dot_general3A_227 = arith.constant dense<0.000000e+00> : vector<3840x128xf32>
    %dot_general3A_228 = tpu.matmul %dot_general3A_41, %get3A_182, %dot_general3A_227 {dimension_numbers = #tpu.dot_dimension_numbers<[1], [0], [0], [1], [0, 0, 1, 1], [], []>, transpose_lhs_hint = false} : vector<3840x128xf32>, vector<128x128xf32>, vector<3840x128xf32> -> vector<3840x128xf32>
    %add3A_229 = arith.addf %dot_general3A_226, %dot_general3A_228 : vector<3840x128xf32>
    %dot_general3A_230 = arith.constant dense<0.000000e+00> : vector<3840x128xf32>
    %dot_general3A_231 = tpu.matmul %add3A_133, %get3A_185, %dot_general3A_230 {dimension_numbers = #tpu.dot_dimension_numbers<[1], [0], [0], [1], [0, 0, 1, 1], [], []>, transpose_lhs_hint = false} : vector<3840x128xf32>, vector<128x128xf32>, vector<3840x128xf32> -> vector<3840x128xf32>
    %add3A_232 = arith.addf %add3A_229, %dot_general3A_231 : vector<3840x128xf32>
    %add3A_233 = vector.broadcast %get3A_188 : vector<1x128xf32> to vector<3840x128xf32>
    %add3A_234 = arith.addf %add3A_232, %add3A_233 : vector<3840x128xf32>
    %max3A = arith.constant 0.000000e+00 : f32
    %max3A_235 = vector.broadcast %max3A : f32 to vector<3840x128xf32>
    %max3A_236 = arith.maximumf %add3A_234, %max3A_235 : vector<3840x128xf32>
    %dot_general3A_237 = arith.constant dense<0.000000e+00> : vector<3840x128xf32>
    %dot_general3A_238 = tpu.matmul %max3A_236, %get3A_191, %dot_general3A_237 {dimension_numbers = #tpu.dot_dimension_numbers<[1], [0], [0], [1], [0, 0, 1, 1], [], []>, transpose_lhs_hint = false} : vector<3840x128xf32>, vector<128x128xf32>, vector<3840x128xf32> -> vector<3840x128xf32>
    %add3A_239 = vector.broadcast %get3A_194 : vector<1x128xf32> to vector<3840x128xf32>
    %add3A_240 = arith.addf %dot_general3A_238, %add3A_239 : vector<3840x128xf32>
    %max3A_241 = arith.constant 0.000000e+00 : f32
    %max3A_242 = vector.broadcast %max3A_241 : f32 to vector<3840x128xf32>
    %max3A_243 = arith.maximumf %add3A_240, %max3A_242 : vector<3840x128xf32>
    %dot_general3A_244 = arith.constant dense<0.000000e+00> : vector<3840x128xf32>
    %dot_general3A_245 = tpu.matmul %max3A_243, %get3A_197, %dot_general3A_244 {dimension_numbers = #tpu.dot_dimension_numbers<[1], [0], [0], [1], [0, 0, 1, 1], [], []>, transpose_lhs_hint = false} : vector<3840x128xf32>, vector<128x128xf32>, vector<3840x128xf32> -> vector<3840x128xf32>
    %add3A_246 = vector.broadcast %get3A_200 : vector<1x128xf32> to vector<3840x128xf32>
    %add3A_247 = arith.addf %dot_general3A_245, %add3A_246 : vector<3840x128xf32>
    %add3A_248 = arith.addf %add3A_133, %add3A_247 : vector<3840x128xf32>
    %reduce_sum3A_249 = arith.constant dense<0.000000e+00> : vector<3840xf32>
    %reduce_sum3A_250 = vector.multi_reduction <add>, %add3A_248, %reduce_sum3A_249 [1] : vector<3840x128xf32> to vector<3840xf32>
    %broadcast_in_dim3A_251 = vector.shape_cast %reduce_sum3A_250 : vector<3840xf32> to vector<3840x1xf32>
    %div3A_252 = arith.constant 1.280000e+02 : f32
    %div3A_253 = vector.broadcast %div3A_252 : f32 to vector<3840x1xf32>
    %div3A_254 = arith.divf %broadcast_in_dim3A_251, %div3A_253 : vector<3840x1xf32>
    %sub3A_255 = vector.broadcast %div3A_254 : vector<3840x1xf32> to vector<3840x128xf32>
    %sub3A_256 = arith.subf %add3A_248, %sub3A_255 : vector<3840x128xf32>
    %integer_pow3A_257 = arith.mulf %sub3A_256, %sub3A_256 : vector<3840x128xf32>
    %reduce_sum3A_258 = arith.constant dense<0.000000e+00> : vector<3840xf32>
    %reduce_sum3A_259 = vector.multi_reduction <add>, %integer_pow3A_257, %reduce_sum3A_258 [1] : vector<3840x128xf32> to vector<3840xf32>
    %broadcast_in_dim3A_260 = vector.shape_cast %reduce_sum3A_259 : vector<3840xf32> to vector<3840x1xf32>
    %div3A_261 = arith.constant 1.280000e+02 : f32
    %div3A_262 = vector.broadcast %div3A_261 : f32 to vector<3840x1xf32>
    %div3A_263 = arith.divf %broadcast_in_dim3A_260, %div3A_262 : vector<3840x1xf32>
    %sub3A_264 = vector.broadcast %div3A_254 : vector<3840x1xf32> to vector<3840x128xf32>
    %sub3A_265 = arith.subf %add3A_248, %sub3A_264 : vector<3840x128xf32>
    %mul3A_266 = vector.broadcast %get3A_203 : vector<1x128xf32> to vector<3840x128xf32>
    %mul3A_267 = arith.mulf %mul3A_266, %sub3A_265 : vector<3840x128xf32>
    %add3A_268 = arith.constant 9.99999997E-7 : f32
    %add3A_269 = vector.broadcast %add3A_268 : f32 to vector<3840x1xf32>
    %add3A_270 = arith.addf %div3A_263, %add3A_269 : vector<3840x1xf32>
    %sqrt3A_271 = math.sqrt %add3A_270 : vector<3840x1xf32>
    %div3A_272 = vector.broadcast %sqrt3A_271 : vector<3840x1xf32> to vector<3840x128xf32>
    %div3A_273 = arith.divf %mul3A_267, %div3A_272 : vector<3840x128xf32>
    %add3A_274 = vector.broadcast %get3A_206 : vector<1x128xf32> to vector<3840x128xf32>
    %add3A_275 = arith.addf %div3A_273, %add3A_274 : vector<3840x128xf32>
    %dot_general3A_276 = arith.constant dense<0.000000e+00> : vector<3840x512xf32>
    %dot_general3A_277 = tpu.matmul %add3A_275, %get3A_209, %dot_general3A_276 {dimension_numbers = #tpu.dot_dimension_numbers<[1], [0], [0], [1], [0, 0, 1, 1], [], []>, transpose_lhs_hint = false} : vector<3840x128xf32>, vector<128x512xf32>, vector<3840x512xf32> -> vector<3840x512xf32>
    %add3A_278 = vector.broadcast %get3A_212 : vector<1x512xf32> to vector<3840x512xf32>
    %add3A_279 = arith.addf %dot_general3A_277, %add3A_278 : vector<3840x512xf32>
    %max3A_280 = arith.constant 0.000000e+00 : f32
    %max3A_281 = vector.broadcast %max3A_280 : f32 to vector<3840x512xf32>
    %max3A_282 = arith.maximumf %add3A_279, %max3A_281 : vector<3840x512xf32>
    %dot_general3A_283 = arith.constant dense<0.000000e+00> : vector<3840x128xf32>
    %dot_general3A_284 = tpu.matmul %max3A_282, %get3A_215, %dot_general3A_283 {dimension_numbers = #tpu.dot_dimension_numbers<[1], [0], [0], [1], [0, 0, 1, 1], [], []>, transpose_lhs_hint = false} : vector<3840x512xf32>, vector<512x128xf32>, vector<3840x128xf32> -> vector<3840x128xf32>
    %add3A_285 = vector.broadcast %get3A_218 : vector<1x128xf32> to vector<3840x128xf32>
    %add3A_286 = arith.addf %dot_general3A_284, %add3A_285 : vector<3840x128xf32>
    %add3A_287 = arith.addf %add3A_275, %add3A_286 : vector<3840x128xf32>
    %reduce_sum3A_288 = arith.constant dense<0.000000e+00> : vector<3840xf32>
    %reduce_sum3A_289 = vector.multi_reduction <add>, %add3A_287, %reduce_sum3A_288 [1] : vector<3840x128xf32> to vector<3840xf32>
    %broadcast_in_dim3A_290 = vector.shape_cast %reduce_sum3A_289 : vector<3840xf32> to vector<3840x1xf32>
    %div3A_291 = arith.constant 1.280000e+02 : f32
    %div3A_292 = vector.broadcast %div3A_291 : f32 to vector<3840x1xf32>
    %div3A_293 = arith.divf %broadcast_in_dim3A_290, %div3A_292 : vector<3840x1xf32>
    %sub3A_294 = vector.broadcast %div3A_293 : vector<3840x1xf32> to vector<3840x128xf32>
    %sub3A_295 = arith.subf %add3A_287, %sub3A_294 : vector<3840x128xf32>
    %integer_pow3A_296 = arith.mulf %sub3A_295, %sub3A_295 : vector<3840x128xf32>
    %reduce_sum3A_297 = arith.constant dense<0.000000e+00> : vector<3840xf32>
    %reduce_sum3A_298 = vector.multi_reduction <add>, %integer_pow3A_296, %reduce_sum3A_297 [1] : vector<3840x128xf32> to vector<3840xf32>
    %broadcast_in_dim3A_299 = vector.shape_cast %reduce_sum3A_298 : vector<3840xf32> to vector<3840x1xf32>
    %div3A_300 = arith.constant 1.280000e+02 : f32
    %div3A_301 = vector.broadcast %div3A_300 : f32 to vector<3840x1xf32>
    %div3A_302 = arith.divf %broadcast_in_dim3A_299, %div3A_301 : vector<3840x1xf32>
    %sub3A_303 = vector.broadcast %div3A_293 : vector<3840x1xf32> to vector<3840x128xf32>
    %sub3A_304 = arith.subf %add3A_287, %sub3A_303 : vector<3840x128xf32>
    %mul3A_305 = vector.broadcast %get3A_221 : vector<1x128xf32> to vector<3840x128xf32>
    %mul3A_306 = arith.mulf %mul3A_305, %sub3A_304 : vector<3840x128xf32>
    %add3A_307 = arith.constant 9.99999997E-7 : f32
    %add3A_308 = vector.broadcast %add3A_307 : f32 to vector<3840x1xf32>
    %add3A_309 = arith.addf %div3A_302, %add3A_308 : vector<3840x1xf32>
    %sqrt3A_310 = math.sqrt %add3A_309 : vector<3840x1xf32>
    %div3A_311 = vector.broadcast %sqrt3A_310 : vector<3840x1xf32> to vector<3840x128xf32>
    %div3A_312 = arith.divf %mul3A_306, %div3A_311 : vector<3840x128xf32>
    %add3A_313 = vector.broadcast %get3A_224 : vector<1x128xf32> to vector<3840x128xf32>
    %add3A_314 = arith.addf %div3A_312, %add3A_313 : vector<3840x128xf32>
    %get3A_315 = arith.constant 0 : index
    %get3A_316 = arith.constant 0 : index
    %get3A_317 = vector.load %arg32[%get3A_315, %get3A_316] : memref<128x128xf32, #tpu.memory_space<vmem>>, vector<128x128xf32>
    %get3A_318 = arith.constant 0 : index
    %get3A_319 = arith.constant 0 : index
    %get3A_320 = vector.load %arg33[%get3A_318, %get3A_319] : memref<128x128xf32, #tpu.memory_space<vmem>>, vector<128x128xf32>
    %get3A_321 = arith.constant 0 : index
    %get3A_322 = arith.constant 0 : index
    %get3A_323 = vector.load %arg34[%get3A_321, %get3A_322] : memref<128x128xf32, #tpu.memory_space<vmem>>, vector<128x128xf32>
    %get3A_324 = arith.constant 0 : index
    %get3A_325 = arith.constant 0 : index
    %get3A_326 = vector.load %arg35[%get3A_324, %get3A_325] : memref<1x128xf32, #tpu.memory_space<vmem>>, vector<1x128xf32>
    %get3A_327 = arith.constant 0 : index
    %get3A_328 = arith.constant 0 : index
    %get3A_329 = vector.load %arg36[%get3A_327, %get3A_328] : memref<128x128xf32, #tpu.memory_space<vmem>>, vector<128x128xf32>
    %get3A_330 = arith.constant 0 : index
    %get3A_331 = arith.constant 0 : index
    %get3A_332 = vector.load %arg37[%get3A_330, %get3A_331] : memref<1x128xf32, #tpu.memory_space<vmem>>, vector<1x128xf32>
    %get3A_333 = arith.constant 0 : index
    %get3A_334 = arith.constant 0 : index
    %get3A_335 = vector.load %arg38[%get3A_333, %get3A_334] : memref<128x128xf32, #tpu.memory_space<vmem>>, vector<128x128xf32>
    %get3A_336 = arith.constant 0 : index
    %get3A_337 = arith.constant 0 : index
    %get3A_338 = vector.load %arg39[%get3A_336, %get3A_337] : memref<1x128xf32, #tpu.memory_space<vmem>>, vector<1x128xf32>
    %get3A_339 = arith.constant 0 : index
    %get3A_340 = arith.constant 0 : index
    %get3A_341 = vector.load %arg40[%get3A_339, %get3A_340] : memref<1x128xf32, #tpu.memory_space<vmem>>, vector<1x128xf32>
    %get3A_342 = arith.constant 0 : index
    %get3A_343 = arith.constant 0 : index
    %get3A_344 = vector.load %arg41[%get3A_342, %get3A_343] : memref<1x128xf32, #tpu.memory_space<vmem>>, vector<1x128xf32>
    %get3A_345 = arith.constant 0 : index
    %get3A_346 = arith.constant 0 : index
    %get3A_347 = vector.load %arg42[%get3A_345, %get3A_346] : memref<128x512xf32, #tpu.memory_space<vmem>>, vector<128x512xf32>
    %get3A_348 = arith.constant 0 : index
    %get3A_349 = arith.constant 0 : index
    %get3A_350 = vector.load %arg43[%get3A_348, %get3A_349] : memref<1x512xf32, #tpu.memory_space<vmem>>, vector<1x512xf32>
    %get3A_351 = arith.constant 0 : index
    %get3A_352 = arith.constant 0 : index
    %get3A_353 = vector.load %arg44[%get3A_351, %get3A_352] : memref<512x128xf32, #tpu.memory_space<vmem>>, vector<512x128xf32>
    %get3A_354 = arith.constant 0 : index
    %get3A_355 = arith.constant 0 : index
    %get3A_356 = vector.load %arg45[%get3A_354, %get3A_355] : memref<1x128xf32, #tpu.memory_space<vmem>>, vector<1x128xf32>
    %get3A_357 = arith.constant 0 : index
    %get3A_358 = arith.constant 0 : index
    %get3A_359 = vector.load %arg46[%get3A_357, %get3A_358] : memref<1x128xf32, #tpu.memory_space<vmem>>, vector<1x128xf32>
    %get3A_360 = arith.constant 0 : index
    %get3A_361 = arith.constant 0 : index
    %get3A_362 = vector.load %arg47[%get3A_360, %get3A_361] : memref<1x128xf32, #tpu.memory_space<vmem>>, vector<1x128xf32>
    %dot_general3A_363 = arith.constant dense<0.000000e+00> : vector<3840x128xf32>
    %dot_general3A_364 = tpu.matmul %dot_general3A_43, %get3A_317, %dot_general3A_363 {dimension_numbers = #tpu.dot_dimension_numbers<[1], [0], [0], [1], [0, 0, 1, 1], [], []>, transpose_lhs_hint = false} : vector<3840x128xf32>, vector<128x128xf32>, vector<3840x128xf32> -> vector<3840x128xf32>
    %dot_general3A_365 = arith.constant dense<0.000000e+00> : vector<3840x128xf32>
    %dot_general3A_366 = tpu.matmul %dot_general3A_41, %get3A_320, %dot_general3A_365 {dimension_numbers = #tpu.dot_dimension_numbers<[1], [0], [0], [1], [0, 0, 1, 1], [], []>, transpose_lhs_hint = false} : vector<3840x128xf32>, vector<128x128xf32>, vector<3840x128xf32> -> vector<3840x128xf32>
    %add3A_367 = arith.addf %dot_general3A_364, %dot_general3A_366 : vector<3840x128xf32>
    %dot_general3A_368 = arith.constant dense<0.000000e+00> : vector<3840x128xf32>
    %dot_general3A_369 = tpu.matmul %add3A_314, %get3A_323, %dot_general3A_368 {dimension_numbers = #tpu.dot_dimension_numbers<[1], [0], [0], [1], [0, 0, 1, 1], [], []>, transpose_lhs_hint = false} : vector<3840x128xf32>, vector<128x128xf32>, vector<3840x128xf32> -> vector<3840x128xf32>
    %add3A_370 = arith.addf %add3A_367, %dot_general3A_369 : vector<3840x128xf32>
    %add3A_371 = vector.broadcast %get3A_326 : vector<1x128xf32> to vector<3840x128xf32>
    %add3A_372 = arith.addf %add3A_370, %add3A_371 : vector<3840x128xf32>
    %max3A_373 = arith.constant 0.000000e+00 : f32
    %max3A_374 = vector.broadcast %max3A_373 : f32 to vector<3840x128xf32>
    %max3A_375 = arith.maximumf %add3A_372, %max3A_374 : vector<3840x128xf32>
    %dot_general3A_376 = arith.constant dense<0.000000e+00> : vector<3840x128xf32>
    %dot_general3A_377 = tpu.matmul %max3A_375, %get3A_329, %dot_general3A_376 {dimension_numbers = #tpu.dot_dimension_numbers<[1], [0], [0], [1], [0, 0, 1, 1], [], []>, transpose_lhs_hint = false} : vector<3840x128xf32>, vector<128x128xf32>, vector<3840x128xf32> -> vector<3840x128xf32>
    %add3A_378 = vector.broadcast %get3A_332 : vector<1x128xf32> to vector<3840x128xf32>
    %add3A_379 = arith.addf %dot_general3A_377, %add3A_378 : vector<3840x128xf32>
    %max3A_380 = arith.constant 0.000000e+00 : f32
    %max3A_381 = vector.broadcast %max3A_380 : f32 to vector<3840x128xf32>
    %max3A_382 = arith.maximumf %add3A_379, %max3A_381 : vector<3840x128xf32>
    %dot_general3A_383 = arith.constant dense<0.000000e+00> : vector<3840x128xf32>
    %dot_general3A_384 = tpu.matmul %max3A_382, %get3A_335, %dot_general3A_383 {dimension_numbers = #tpu.dot_dimension_numbers<[1], [0], [0], [1], [0, 0, 1, 1], [], []>, transpose_lhs_hint = false} : vector<3840x128xf32>, vector<128x128xf32>, vector<3840x128xf32> -> vector<3840x128xf32>
    %add3A_385 = vector.broadcast %get3A_338 : vector<1x128xf32> to vector<3840x128xf32>
    %add3A_386 = arith.addf %dot_general3A_384, %add3A_385 : vector<3840x128xf32>
    %add3A_387 = arith.addf %add3A_314, %add3A_386 : vector<3840x128xf32>
    %reduce_sum3A_388 = arith.constant dense<0.000000e+00> : vector<3840xf32>
    %reduce_sum3A_389 = vector.multi_reduction <add>, %add3A_387, %reduce_sum3A_388 [1] : vector<3840x128xf32> to vector<3840xf32>
    %broadcast_in_dim3A_390 = vector.shape_cast %reduce_sum3A_389 : vector<3840xf32> to vector<3840x1xf32>
    %div3A_391 = arith.constant 1.280000e+02 : f32
    %div3A_392 = vector.broadcast %div3A_391 : f32 to vector<3840x1xf32>
    %div3A_393 = arith.divf %broadcast_in_dim3A_390, %div3A_392 : vector<3840x1xf32>
    %sub3A_394 = vector.broadcast %div3A_393 : vector<3840x1xf32> to vector<3840x128xf32>
    %sub3A_395 = arith.subf %add3A_387, %sub3A_394 : vector<3840x128xf32>
    %integer_pow3A_396 = arith.mulf %sub3A_395, %sub3A_395 : vector<3840x128xf32>
    %reduce_sum3A_397 = arith.constant dense<0.000000e+00> : vector<3840xf32>
    %reduce_sum3A_398 = vector.multi_reduction <add>, %integer_pow3A_396, %reduce_sum3A_397 [1] : vector<3840x128xf32> to vector<3840xf32>
    %broadcast_in_dim3A_399 = vector.shape_cast %reduce_sum3A_398 : vector<3840xf32> to vector<3840x1xf32>
    %div3A_400 = arith.constant 1.280000e+02 : f32
    %div3A_401 = vector.broadcast %div3A_400 : f32 to vector<3840x1xf32>
    %div3A_402 = arith.divf %broadcast_in_dim3A_399, %div3A_401 : vector<3840x1xf32>
    %sub3A_403 = vector.broadcast %div3A_393 : vector<3840x1xf32> to vector<3840x128xf32>
    %sub3A_404 = arith.subf %add3A_387, %sub3A_403 : vector<3840x128xf32>
    %mul3A_405 = vector.broadcast %get3A_341 : vector<1x128xf32> to vector<3840x128xf32>
    %mul3A_406 = arith.mulf %mul3A_405, %sub3A_404 : vector<3840x128xf32>
    %add3A_407 = arith.constant 9.99999997E-7 : f32
    %add3A_408 = vector.broadcast %add3A_407 : f32 to vector<3840x1xf32>
    %add3A_409 = arith.addf %div3A_402, %add3A_408 : vector<3840x1xf32>
    %sqrt3A_410 = math.sqrt %add3A_409 : vector<3840x1xf32>
    %div3A_411 = vector.broadcast %sqrt3A_410 : vector<3840x1xf32> to vector<3840x128xf32>
    %div3A_412 = arith.divf %mul3A_406, %div3A_411 : vector<3840x128xf32>
    %add3A_413 = vector.broadcast %get3A_344 : vector<1x128xf32> to vector<3840x128xf32>
    %add3A_414 = arith.addf %div3A_412, %add3A_413 : vector<3840x128xf32>
    %dot_general3A_415 = arith.constant dense<0.000000e+00> : vector<3840x512xf32>
    %dot_general3A_416 = tpu.matmul %add3A_414, %get3A_347, %dot_general3A_415 {dimension_numbers = #tpu.dot_dimension_numbers<[1], [0], [0], [1], [0, 0, 1, 1], [], []>, transpose_lhs_hint = false} : vector<3840x128xf32>, vector<128x512xf32>, vector<3840x512xf32> -> vector<3840x512xf32>
    %add3A_417 = vector.broadcast %get3A_350 : vector<1x512xf32> to vector<3840x512xf32>
    %add3A_418 = arith.addf %dot_general3A_416, %add3A_417 : vector<3840x512xf32>
    %max3A_419 = arith.constant 0.000000e+00 : f32
    %max3A_420 = vector.broadcast %max3A_419 : f32 to vector<3840x512xf32>
    %max3A_421 = arith.maximumf %add3A_418, %max3A_420 : vector<3840x512xf32>
    %dot_general3A_422 = arith.constant dense<0.000000e+00> : vector<3840x128xf32>
    %dot_general3A_423 = tpu.matmul %max3A_421, %get3A_353, %dot_general3A_422 {dimension_numbers = #tpu.dot_dimension_numbers<[1], [0], [0], [1], [0, 0, 1, 1], [], []>, transpose_lhs_hint = false} : vector<3840x512xf32>, vector<512x128xf32>, vector<3840x128xf32> -> vector<3840x128xf32>
    %add3A_424 = vector.broadcast %get3A_356 : vector<1x128xf32> to vector<3840x128xf32>
    %add3A_425 = arith.addf %dot_general3A_423, %add3A_424 : vector<3840x128xf32>
    %add3A_426 = arith.addf %add3A_414, %add3A_425 : vector<3840x128xf32>
    %reduce_sum3A_427 = arith.constant dense<0.000000e+00> : vector<3840xf32>
    %reduce_sum3A_428 = vector.multi_reduction <add>, %add3A_426, %reduce_sum3A_427 [1] : vector<3840x128xf32> to vector<3840xf32>
    %broadcast_in_dim3A_429 = vector.shape_cast %reduce_sum3A_428 : vector<3840xf32> to vector<3840x1xf32>
    %div3A_430 = arith.constant 1.280000e+02 : f32
    %div3A_431 = vector.broadcast %div3A_430 : f32 to vector<3840x1xf32>
    %div3A_432 = arith.divf %broadcast_in_dim3A_429, %div3A_431 : vector<3840x1xf32>
    %sub3A_433 = vector.broadcast %div3A_432 : vector<3840x1xf32> to vector<3840x128xf32>
    %sub3A_434 = arith.subf %add3A_426, %sub3A_433 : vector<3840x128xf32>
    %integer_pow3A_435 = arith.mulf %sub3A_434, %sub3A_434 : vector<3840x128xf32>
    %reduce_sum3A_436 = arith.constant dense<0.000000e+00> : vector<3840xf32>
    %reduce_sum3A_437 = vector.multi_reduction <add>, %integer_pow3A_435, %reduce_sum3A_436 [1] : vector<3840x128xf32> to vector<3840xf32>
    %broadcast_in_dim3A_438 = vector.shape_cast %reduce_sum3A_437 : vector<3840xf32> to vector<3840x1xf32>
    %div3A_439 = arith.constant 1.280000e+02 : f32
    %div3A_440 = vector.broadcast %div3A_439 : f32 to vector<3840x1xf32>
    %div3A_441 = arith.divf %broadcast_in_dim3A_438, %div3A_440 : vector<3840x1xf32>
    %sub3A_442 = vector.broadcast %div3A_432 : vector<3840x1xf32> to vector<3840x128xf32>
    %sub3A_443 = arith.subf %add3A_426, %sub3A_442 : vector<3840x128xf32>
    %mul3A_444 = vector.broadcast %get3A_359 : vector<1x128xf32> to vector<3840x128xf32>
    %mul3A_445 = arith.mulf %mul3A_444, %sub3A_443 : vector<3840x128xf32>
    %add3A_446 = arith.constant 9.99999997E-7 : f32
    %add3A_447 = vector.broadcast %add3A_446 : f32 to vector<3840x1xf32>
    %add3A_448 = arith.addf %div3A_441, %add3A_447 : vector<3840x1xf32>
    %sqrt3A_449 = math.sqrt %add3A_448 : vector<3840x1xf32>
    %div3A_450 = vector.broadcast %sqrt3A_449 : vector<3840x1xf32> to vector<3840x128xf32>
    %div3A_451 = arith.divf %mul3A_445, %div3A_450 : vector<3840x128xf32>
    %add3A_452 = vector.broadcast %get3A_362 : vector<1x128xf32> to vector<3840x128xf32>
    %add3A_453 = arith.addf %div3A_451, %add3A_452 : vector<3840x128xf32>
    %get3A_454 = arith.constant 0 : index
    %get3A_455 = arith.constant 0 : index
    %get3A_456 = vector.load %arg48[%get3A_454, %get3A_455] : memref<128x128xf32, #tpu.memory_space<vmem>>, vector<128x128xf32>
    %get3A_457 = arith.constant 0 : index
    %get3A_458 = arith.constant 0 : index
    %get3A_459 = vector.load %arg49[%get3A_457, %get3A_458] : memref<128x128xf32, #tpu.memory_space<vmem>>, vector<128x128xf32>
    %get3A_460 = arith.constant 0 : index
    %get3A_461 = arith.constant 0 : index
    %get3A_462 = vector.load %arg50[%get3A_460, %get3A_461] : memref<128x128xf32, #tpu.memory_space<vmem>>, vector<128x128xf32>
    %get3A_463 = arith.constant 0 : index
    %get3A_464 = arith.constant 0 : index
    %get3A_465 = vector.load %arg51[%get3A_463, %get3A_464] : memref<1x128xf32, #tpu.memory_space<vmem>>, vector<1x128xf32>
    %get3A_466 = arith.constant 0 : index
    %get3A_467 = arith.constant 0 : index
    %get3A_468 = vector.load %arg52[%get3A_466, %get3A_467] : memref<128x128xf32, #tpu.memory_space<vmem>>, vector<128x128xf32>
    %get3A_469 = arith.constant 0 : index
    %get3A_470 = arith.constant 0 : index
    %get3A_471 = vector.load %arg53[%get3A_469, %get3A_470] : memref<1x128xf32, #tpu.memory_space<vmem>>, vector<1x128xf32>
    %get3A_472 = arith.constant 0 : index
    %get3A_473 = arith.constant 0 : index
    %get3A_474 = vector.load %arg54[%get3A_472, %get3A_473] : memref<128x128xf32, #tpu.memory_space<vmem>>, vector<128x128xf32>
    %get3A_475 = arith.constant 0 : index
    %get3A_476 = arith.constant 0 : index
    %get3A_477 = vector.load %arg55[%get3A_475, %get3A_476] : memref<1x128xf32, #tpu.memory_space<vmem>>, vector<1x128xf32>
    %get3A_478 = arith.constant 0 : index
    %get3A_479 = arith.constant 0 : index
    %get3A_480 = vector.load %arg56[%get3A_478, %get3A_479] : memref<1x128xf32, #tpu.memory_space<vmem>>, vector<1x128xf32>
    %get3A_481 = arith.constant 0 : index
    %get3A_482 = arith.constant 0 : index
    %get3A_483 = vector.load %arg57[%get3A_481, %get3A_482] : memref<1x128xf32, #tpu.memory_space<vmem>>, vector<1x128xf32>
    %get3A_484 = arith.constant 0 : index
    %get3A_485 = arith.constant 0 : index
    %get3A_486 = vector.load %arg58[%get3A_484, %get3A_485] : memref<128x512xf32, #tpu.memory_space<vmem>>, vector<128x512xf32>
    %get3A_487 = arith.constant 0 : index
    %get3A_488 = arith.constant 0 : index
    %get3A_489 = vector.load %arg59[%get3A_487, %get3A_488] : memref<1x512xf32, #tpu.memory_space<vmem>>, vector<1x512xf32>
    %get3A_490 = arith.constant 0 : index
    %get3A_491 = arith.constant 0 : index
    %get3A_492 = vector.load %arg60[%get3A_490, %get3A_491] : memref<512x128xf32, #tpu.memory_space<vmem>>, vector<512x128xf32>
    %get3A_493 = arith.constant 0 : index
    %get3A_494 = arith.constant 0 : index
    %get3A_495 = vector.load %arg61[%get3A_493, %get3A_494] : memref<1x128xf32, #tpu.memory_space<vmem>>, vector<1x128xf32>
    %get3A_496 = arith.constant 0 : index
    %get3A_497 = arith.constant 0 : index
    %get3A_498 = vector.load %arg62[%get3A_496, %get3A_497] : memref<1x128xf32, #tpu.memory_space<vmem>>, vector<1x128xf32>
    %get3A_499 = arith.constant 0 : index
    %get3A_500 = arith.constant 0 : index
    %get3A_501 = vector.load %arg63[%get3A_499, %get3A_500] : memref<1x128xf32, #tpu.memory_space<vmem>>, vector<1x128xf32>
    %dot_general3A_502 = arith.constant dense<0.000000e+00> : vector<3840x128xf32>
    %dot_general3A_503 = tpu.matmul %dot_general3A_43, %get3A_456, %dot_general3A_502 {dimension_numbers = #tpu.dot_dimension_numbers<[1], [0], [0], [1], [0, 0, 1, 1], [], []>, transpose_lhs_hint = false} : vector<3840x128xf32>, vector<128x128xf32>, vector<3840x128xf32> -> vector<3840x128xf32>
    %dot_general3A_504 = arith.constant dense<0.000000e+00> : vector<3840x128xf32>
    %dot_general3A_505 = tpu.matmul %dot_general3A_41, %get3A_459, %dot_general3A_504 {dimension_numbers = #tpu.dot_dimension_numbers<[1], [0], [0], [1], [0, 0, 1, 1], [], []>, transpose_lhs_hint = false} : vector<3840x128xf32>, vector<128x128xf32>, vector<3840x128xf32> -> vector<3840x128xf32>
    %add3A_506 = arith.addf %dot_general3A_503, %dot_general3A_505 : vector<3840x128xf32>
    %dot_general3A_507 = arith.constant dense<0.000000e+00> : vector<3840x128xf32>
    %dot_general3A_508 = tpu.matmul %add3A_453, %get3A_462, %dot_general3A_507 {dimension_numbers = #tpu.dot_dimension_numbers<[1], [0], [0], [1], [0, 0, 1, 1], [], []>, transpose_lhs_hint = false} : vector<3840x128xf32>, vector<128x128xf32>, vector<3840x128xf32> -> vector<3840x128xf32>
    %add3A_509 = arith.addf %add3A_506, %dot_general3A_508 : vector<3840x128xf32>
    %add3A_510 = vector.broadcast %get3A_465 : vector<1x128xf32> to vector<3840x128xf32>
    %add3A_511 = arith.addf %add3A_509, %add3A_510 : vector<3840x128xf32>
    %max3A_512 = arith.constant 0.000000e+00 : f32
    %max3A_513 = vector.broadcast %max3A_512 : f32 to vector<3840x128xf32>
    %max3A_514 = arith.maximumf %add3A_511, %max3A_513 : vector<3840x128xf32>
    %dot_general3A_515 = arith.constant dense<0.000000e+00> : vector<3840x128xf32>
    %dot_general3A_516 = tpu.matmul %max3A_514, %get3A_468, %dot_general3A_515 {dimension_numbers = #tpu.dot_dimension_numbers<[1], [0], [0], [1], [0, 0, 1, 1], [], []>, transpose_lhs_hint = false} : vector<3840x128xf32>, vector<128x128xf32>, vector<3840x128xf32> -> vector<3840x128xf32>
    %add3A_517 = vector.broadcast %get3A_471 : vector<1x128xf32> to vector<3840x128xf32>
    %add3A_518 = arith.addf %dot_general3A_516, %add3A_517 : vector<3840x128xf32>
    %max3A_519 = arith.constant 0.000000e+00 : f32
    %max3A_520 = vector.broadcast %max3A_519 : f32 to vector<3840x128xf32>
    %max3A_521 = arith.maximumf %add3A_518, %max3A_520 : vector<3840x128xf32>
    %dot_general3A_522 = arith.constant dense<0.000000e+00> : vector<3840x128xf32>
    %dot_general3A_523 = tpu.matmul %max3A_521, %get3A_474, %dot_general3A_522 {dimension_numbers = #tpu.dot_dimension_numbers<[1], [0], [0], [1], [0, 0, 1, 1], [], []>, transpose_lhs_hint = false} : vector<3840x128xf32>, vector<128x128xf32>, vector<3840x128xf32> -> vector<3840x128xf32>
    %add3A_524 = vector.broadcast %get3A_477 : vector<1x128xf32> to vector<3840x128xf32>
    %add3A_525 = arith.addf %dot_general3A_523, %add3A_524 : vector<3840x128xf32>
    %add3A_526 = arith.addf %add3A_453, %add3A_525 : vector<3840x128xf32>
    %reduce_sum3A_527 = arith.constant dense<0.000000e+00> : vector<3840xf32>
    %reduce_sum3A_528 = vector.multi_reduction <add>, %add3A_526, %reduce_sum3A_527 [1] : vector<3840x128xf32> to vector<3840xf32>
    %broadcast_in_dim3A_529 = vector.shape_cast %reduce_sum3A_528 : vector<3840xf32> to vector<3840x1xf32>
    %div3A_530 = arith.constant 1.280000e+02 : f32
    %div3A_531 = vector.broadcast %div3A_530 : f32 to vector<3840x1xf32>
    %div3A_532 = arith.divf %broadcast_in_dim3A_529, %div3A_531 : vector<3840x1xf32>
    %sub3A_533 = vector.broadcast %div3A_532 : vector<3840x1xf32> to vector<3840x128xf32>
    %sub3A_534 = arith.subf %add3A_526, %sub3A_533 : vector<3840x128xf32>
    %integer_pow3A_535 = arith.mulf %sub3A_534, %sub3A_534 : vector<3840x128xf32>
    %reduce_sum3A_536 = arith.constant dense<0.000000e+00> : vector<3840xf32>
    %reduce_sum3A_537 = vector.multi_reduction <add>, %integer_pow3A_535, %reduce_sum3A_536 [1] : vector<3840x128xf32> to vector<3840xf32>
    %broadcast_in_dim3A_538 = vector.shape_cast %reduce_sum3A_537 : vector<3840xf32> to vector<3840x1xf32>
    %div3A_539 = arith.constant 1.280000e+02 : f32
    %div3A_540 = vector.broadcast %div3A_539 : f32 to vector<3840x1xf32>
    %div3A_541 = arith.divf %broadcast_in_dim3A_538, %div3A_540 : vector<3840x1xf32>
    %sub3A_542 = vector.broadcast %div3A_532 : vector<3840x1xf32> to vector<3840x128xf32>
    %sub3A_543 = arith.subf %add3A_526, %sub3A_542 : vector<3840x128xf32>
    %mul3A_544 = vector.broadcast %get3A_480 : vector<1x128xf32> to vector<3840x128xf32>
    %mul3A_545 = arith.mulf %mul3A_544, %sub3A_543 : vector<3840x128xf32>
    %add3A_546 = arith.constant 9.99999997E-7 : f32
    %add3A_547 = vector.broadcast %add3A_546 : f32 to vector<3840x1xf32>
    %add3A_548 = arith.addf %div3A_541, %add3A_547 : vector<3840x1xf32>
    %sqrt3A_549 = math.sqrt %add3A_548 : vector<3840x1xf32>
    %div3A_550 = vector.broadcast %sqrt3A_549 : vector<3840x1xf32> to vector<3840x128xf32>
    %div3A_551 = arith.divf %mul3A_545, %div3A_550 : vector<3840x128xf32>
    %add3A_552 = vector.broadcast %get3A_483 : vector<1x128xf32> to vector<3840x128xf32>
    %add3A_553 = arith.addf %div3A_551, %add3A_552 : vector<3840x128xf32>
    %dot_general3A_554 = arith.constant dense<0.000000e+00> : vector<3840x512xf32>
    %dot_general3A_555 = tpu.matmul %add3A_553, %get3A_486, %dot_general3A_554 {dimension_numbers = #tpu.dot_dimension_numbers<[1], [0], [0], [1], [0, 0, 1, 1], [], []>, transpose_lhs_hint = false} : vector<3840x128xf32>, vector<128x512xf32>, vector<3840x512xf32> -> vector<3840x512xf32>
    %add3A_556 = vector.broadcast %get3A_489 : vector<1x512xf32> to vector<3840x512xf32>
    %add3A_557 = arith.addf %dot_general3A_555, %add3A_556 : vector<3840x512xf32>
    %max3A_558 = arith.constant 0.000000e+00 : f32
    %max3A_559 = vector.broadcast %max3A_558 : f32 to vector<3840x512xf32>
    %max3A_560 = arith.maximumf %add3A_557, %max3A_559 : vector<3840x512xf32>
    %dot_general3A_561 = arith.constant dense<0.000000e+00> : vector<3840x128xf32>
    %dot_general3A_562 = tpu.matmul %max3A_560, %get3A_492, %dot_general3A_561 {dimension_numbers = #tpu.dot_dimension_numbers<[1], [0], [0], [1], [0, 0, 1, 1], [], []>, transpose_lhs_hint = false} : vector<3840x512xf32>, vector<512x128xf32>, vector<3840x128xf32> -> vector<3840x128xf32>
    %add3A_563 = vector.broadcast %get3A_495 : vector<1x128xf32> to vector<3840x128xf32>
    %add3A_564 = arith.addf %dot_general3A_562, %add3A_563 : vector<3840x128xf32>
    %add3A_565 = arith.addf %add3A_553, %add3A_564 : vector<3840x128xf32>
    %reduce_sum3A_566 = arith.constant dense<0.000000e+00> : vector<3840xf32>
    %reduce_sum3A_567 = vector.multi_reduction <add>, %add3A_565, %reduce_sum3A_566 [1] : vector<3840x128xf32> to vector<3840xf32>
    %broadcast_in_dim3A_568 = vector.shape_cast %reduce_sum3A_567 : vector<3840xf32> to vector<3840x1xf32>
    %div3A_569 = arith.constant 1.280000e+02 : f32
    %div3A_570 = vector.broadcast %div3A_569 : f32 to vector<3840x1xf32>
    %div3A_571 = arith.divf %broadcast_in_dim3A_568, %div3A_570 : vector<3840x1xf32>
    %sub3A_572 = vector.broadcast %div3A_571 : vector<3840x1xf32> to vector<3840x128xf32>
    %sub3A_573 = arith.subf %add3A_565, %sub3A_572 : vector<3840x128xf32>
    %integer_pow3A_574 = arith.mulf %sub3A_573, %sub3A_573 : vector<3840x128xf32>
    %reduce_sum3A_575 = arith.constant dense<0.000000e+00> : vector<3840xf32>
    %reduce_sum3A_576 = vector.multi_reduction <add>, %integer_pow3A_574, %reduce_sum3A_575 [1] : vector<3840x128xf32> to vector<3840xf32>
    %broadcast_in_dim3A_577 = vector.shape_cast %reduce_sum3A_576 : vector<3840xf32> to vector<3840x1xf32>
    %div3A_578 = arith.constant 1.280000e+02 : f32
    %div3A_579 = vector.broadcast %div3A_578 : f32 to vector<3840x1xf32>
    %div3A_580 = arith.divf %broadcast_in_dim3A_577, %div3A_579 : vector<3840x1xf32>
    %sub3A_581 = vector.broadcast %div3A_571 : vector<3840x1xf32> to vector<3840x128xf32>
    %sub3A_582 = arith.subf %add3A_565, %sub3A_581 : vector<3840x128xf32>
    %mul3A_583 = vector.broadcast %get3A_498 : vector<1x128xf32> to vector<3840x128xf32>
    %mul3A_584 = arith.mulf %mul3A_583, %sub3A_582 : vector<3840x128xf32>
    %add3A_585 = arith.constant 9.99999997E-7 : f32
    %add3A_586 = vector.broadcast %add3A_585 : f32 to vector<3840x1xf32>
    %add3A_587 = arith.addf %div3A_580, %add3A_586 : vector<3840x1xf32>
    %sqrt3A_588 = math.sqrt %add3A_587 : vector<3840x1xf32>
    %div3A_589 = vector.broadcast %sqrt3A_588 : vector<3840x1xf32> to vector<3840x128xf32>
    %div3A_590 = arith.divf %mul3A_584, %div3A_589 : vector<3840x128xf32>
    %add3A_591 = vector.broadcast %get3A_501 : vector<1x128xf32> to vector<3840x128xf32>
    %add3A_592 = arith.addf %div3A_590, %add3A_591 : vector<3840x128xf32>
    %swap3A_593 = arith.constant 0 : index
    %swap3A_594 = arith.constant 0 : index
    %swap3A_595 = vector.load %arg64[%swap3A_593, %swap3A_594] : memref<3840x128xf32, #tpu.memory_space<vmem>>, vector<3840x128xf32>
    tpu.vector_store %arg64[%swap3A_593, %swap3A_594], %add3A_592 {strides = array<i32>} : memref<3840x128xf32, #tpu.memory_space<vmem>>, vector<3840x128xf32>,
    return
  }
  func.func @transform_0(%arg0: i32, %arg1: i32) -> (i32, i32, i32) {
    %c0_i32 = arith.constant 0 : i32
    %c0_i32_0 = arith.constant 0 : i32
    %c0_i32_1 = arith.constant 0 : i32
    return %arg0, %c0_i32, %c0_i32_0 : i32, i32, i32
  }
  func.func @transform_1(%arg0: i32, %arg1: i32) -> (i32, i32, i32) {
    %c0_i32 = arith.constant 0 : i32
    %c0_i32_0 = arith.constant 0 : i32
    return %arg0, %arg1, %c0_i32 : i32, i32, i32
  }
  func.func @transform_2(%arg0: i32, %arg1: i32) -> (i32, i32, i32) {
    %c0_i32 = arith.constant 0 : i32
    %c0_i32_0 = arith.constant 0 : i32
    %c0_i32_1 = arith.constant 0 : i32
    return %arg0, %c0_i32, %c0_i32_0 : i32, i32, i32
  }
  func.func @transform_3(%arg0: i32, %arg1: i32) -> (i32, i32, i32) {
    %c0_i32 = arith.constant 0 : i32
    %c0_i32_0 = arith.constant 0 : i32
    return %arg0, %arg1, %c0_i32 : i32, i32, i32
  }
  func.func @transform_4(%arg0: i32, %arg1: i32) -> (i32, i32, i32) {
    %c0_i32 = arith.constant 0 : i32
    %c0_i32_0 = arith.constant 0 : i32
    return %arg0, %arg1, %c0_i32 : i32, i32, i32
  }
  func.func @transform_5(%arg0: i32, %arg1: i32) -> (i32, i32, i32) {
    %c0_i32 = arith.constant 0 : i32
    %c0_i32_0 = arith.constant 0 : i32
    return %arg0, %arg1, %c0_i32 : i32, i32, i32
  }
  func.func @transform_6(%arg0: i32, %arg1: i32) -> (i32, i32) {
    %c0_i32 = arith.constant 0 : i32
    %c0_i32_0 = arith.constant 0 : i32
    %c0_i32_1 = arith.constant 0 : i32
    return %c0_i32, %c0_i32_0 : i32, i32
  }
  func.func @transform_7(%arg0: i32, %arg1: i32) -> (i32, i32) {
    %c0_i32 = arith.constant 0 : i32
    %c0_i32_0 = arith.constant 0 : i32
    %c0_i32_1 = arith.constant 0 : i32
    return %c0_i32, %c0_i32_0 : i32, i32
  }
  func.func @transform_8(%arg0: i32, %arg1: i32) -> (i32, i32) {
    %c0_i32 = arith.constant 0 : i32
    %c0_i32_0 = arith.constant 0 : i32
    %c0_i32_1 = arith.constant 0 : i32
    return %c0_i32, %c0_i32_0 : i32, i32
  }
  func.func @transform_9(%arg0: i32, %arg1: i32) -> (i32, i32) {
    %c0_i32 = arith.constant 0 : i32
    %c0_i32_0 = arith.constant 0 : i32
    %c0_i32_1 = arith.constant 0 : i32
    return %c0_i32, %c0_i32_0 : i32, i32
  }
  func.func @transform_10(%arg0: i32, %arg1: i32) -> (i32, i32) {
    %c0_i32 = arith.constant 0 : i32
    %c0_i32_0 = arith.constant 0 : i32
    %c0_i32_1 = arith.constant 0 : i32
    return %c0_i32, %c0_i32_0 : i32, i32
  }
  func.func @transform_11(%arg0: i32, %arg1: i32) -> (i32, i32) {
    %c0_i32 = arith.constant 0 : i32
    %c0_i32_0 = arith.constant 0 : i32
    %c0_i32_1 = arith.constant 0 : i32
    return %c0_i32, %c0_i32_0 : i32, i32
  }
  func.func @transform_12(%arg0: i32, %arg1: i32) -> (i32, i32) {
    %c0_i32 = arith.constant 0 : i32
    %c0_i32_0 = arith.constant 0 : i32
    %c0_i32_1 = arith.constant 0 : i32
    return %c0_i32, %c0_i32_0 : i32, i32
  }
  func.func @transform_13(%arg0: i32, %arg1: i32) -> (i32, i32) {
    %c0_i32 = arith.constant 0 : i32
    %c0_i32_0 = arith.constant 0 : i32
    %c0_i32_1 = arith.constant 0 : i32
    return %c0_i32, %c0_i32_0 : i32, i32
  }
  func.func @transform_14(%arg0: i32, %arg1: i32) -> (i32, i32) {
    %c0_i32 = arith.constant 0 : i32
    %c0_i32_0 = arith.constant 0 : i32
    %c0_i32_1 = arith.constant 0 : i32
    return %c0_i32, %c0_i32_0 : i32, i32
  }
  func.func @transform_15(%arg0: i32, %arg1: i32) -> (i32, i32) {
    %c0_i32 = arith.constant 0 : i32
    %c0_i32_0 = arith.constant 0 : i32
    %c0_i32_1 = arith.constant 0 : i32
    return %c0_i32, %c0_i32_0 : i32, i32
  }
  func.func @transform_16(%arg0: i32, %arg1: i32) -> (i32, i32) {
    %c0_i32 = arith.constant 0 : i32
    %c0_i32_0 = arith.constant 0 : i32
    %c0_i32_1 = arith.constant 0 : i32
    return %c0_i32, %c0_i32_0 : i32, i32
  }
  func.func @transform_17(%arg0: i32, %arg1: i32) -> (i32, i32) {
    %c0_i32 = arith.constant 0 : i32
    %c0_i32_0 = arith.constant 0 : i32
    %c0_i32_1 = arith.constant 0 : i32
    return %c0_i32, %c0_i32_0 : i32, i32
  }
  func.func @transform_18(%arg0: i32, %arg1: i32) -> (i32, i32) {
    %c0_i32 = arith.constant 0 : i32
    %c0_i32_0 = arith.constant 0 : i32
    %c0_i32_1 = arith.constant 0 : i32
    return %c0_i32, %c0_i32_0 : i32, i32
  }
  func.func @transform_19(%arg0: i32, %arg1: i32) -> (i32, i32) {
    %c0_i32 = arith.constant 0 : i32
    %c0_i32_0 = arith.constant 0 : i32
    %c0_i32_1 = arith.constant 0 : i32
    return %c0_i32, %c0_i32_0 : i32, i32
  }
  func.func @transform_20(%arg0: i32, %arg1: i32) -> (i32, i32) {
    %c0_i32 = arith.constant 0 : i32
    %c0_i32_0 = arith.constant 0 : i32
    %c0_i32_1 = arith.constant 0 : i32
    return %c0_i32, %c0_i32_0 : i32, i32
  }
  func.func @transform_21(%arg0: i32, %arg1: i32) -> (i32, i32) {
    %c0_i32 = arith.constant 0 : i32
    %c0_i32_0 = arith.constant 0 : i32
    %c0_i32_1 = arith.constant 0 : i32
    return %c0_i32, %c0_i32_0 : i32, i32
  }
  func.func @transform_22(%arg0: i32, %arg1: i32) -> (i32, i32) {
    %c0_i32 = arith.constant 0 : i32
    %c0_i32_0 = arith.constant 0 : i32
    %c0_i32_1 = arith.constant 0 : i32
    return %c0_i32, %c0_i32_0 : i32, i32
  }
  func.func @transform_23(%arg0: i32, %arg1: i32) -> (i32, i32) {
    %c0_i32 = arith.constant 0 : i32
    %c0_i32_0 = arith.constant 0 : i32
    %c0_i32_1 = arith.constant 0 : i32
    return %c0_i32, %c0_i32_0 : i32, i32
  }
  func.func @transform_24(%arg0: i32, %arg1: i32) -> (i32, i32) {
    %c0_i32 = arith.constant 0 : i32
    %c0_i32_0 = arith.constant 0 : i32
    %c0_i32_1 = arith.constant 0 : i32
    return %c0_i32, %c0_i32_0 : i32, i32
  }
  func.func @transform_25(%arg0: i32, %arg1: i32) -> (i32, i32) {
    %c0_i32 = arith.constant 0 : i32
    %c0_i32_0 = arith.constant 0 : i32
    %c0_i32_1 = arith.constant 0 : i32
    return %c0_i32, %c0_i32_0 : i32, i32
  }
  func.func @transform_26(%arg0: i32, %arg1: i32) -> (i32, i32) {
    %c0_i32 = arith.constant 0 : i32
    %c0_i32_0 = arith.constant 0 : i32
    %c0_i32_1 = arith.constant 0 : i32
    return %c0_i32, %c0_i32_0 : i32, i32
  }
  func.func @transform_27(%arg0: i32, %arg1: i32) -> (i32, i32) {
    %c0_i32 = arith.constant 0 : i32
    %c0_i32_0 = arith.constant 0 : i32
    %c0_i32_1 = arith.constant 0 : i32
    return %c0_i32, %c0_i32_0 : i32, i32
  }
  func.func @transform_28(%arg0: i32, %arg1: i32) -> (i32, i32) {
    %c0_i32 = arith.constant 0 : i32
    %c0_i32_0 = arith.constant 0 : i32
    %c0_i32_1 = arith.constant 0 : i32
    return %c0_i32, %c0_i32_0 : i32, i32
  }
  func.func @transform_29(%arg0: i32, %arg1: i32) -> (i32, i32) {
    %c0_i32 = arith.constant 0 : i32
    %c0_i32_0 = arith.constant 0 : i32
    %c0_i32_1 = arith.constant 0 : i32
    return %c0_i32, %c0_i32_0 : i32, i32
  }
  func.func @transform_30(%arg0: i32, %arg1: i32) -> (i32, i32) {
    %c0_i32 = arith.constant 0 : i32
    %c0_i32_0 = arith.constant 0 : i32
    %c0_i32_1 = arith.constant 0 : i32
    return %c0_i32, %c0_i32_0 : i32, i32
  }
  func.func @transform_31(%arg0: i32, %arg1: i32) -> (i32, i32) {
    %c0_i32 = arith.constant 0 : i32
    %c0_i32_0 = arith.constant 0 : i32
    %c0_i32_1 = arith.constant 0 : i32
    return %c0_i32, %c0_i32_0 : i32, i32
  }
  func.func @transform_32(%arg0: i32, %arg1: i32) -> (i32, i32) {
    %c0_i32 = arith.constant 0 : i32
    %c0_i32_0 = arith.constant 0 : i32
    %c0_i32_1 = arith.constant 0 : i32
    return %c0_i32, %c0_i32_0 : i32, i32
  }
  func.func @transform_33(%arg0: i32, %arg1: i32) -> (i32, i32) {
    %c0_i32 = arith.constant 0 : i32
    %c0_i32_0 = arith.constant 0 : i32
    %c0_i32_1 = arith.constant 0 : i32
    return %c0_i32, %c0_i32_0 : i32, i32
  }
  func.func @transform_34(%arg0: i32, %arg1: i32) -> (i32, i32) {
    %c0_i32 = arith.constant 0 : i32
    %c0_i32_0 = arith.constant 0 : i32
    %c0_i32_1 = arith.constant 0 : i32
    return %c0_i32, %c0_i32_0 : i32, i32
  }
  func.func @transform_35(%arg0: i32, %arg1: i32) -> (i32, i32) {
    %c0_i32 = arith.constant 0 : i32
    %c0_i32_0 = arith.constant 0 : i32
    %c0_i32_1 = arith.constant 0 : i32
    return %c0_i32, %c0_i32_0 : i32, i32
  }
  func.func @transform_36(%arg0: i32, %arg1: i32) -> (i32, i32) {
    %c0_i32 = arith.constant 0 : i32
    %c0_i32_0 = arith.constant 0 : i32
    %c0_i32_1 = arith.constant 0 : i32
    return %c0_i32, %c0_i32_0 : i32, i32
  }
  func.func @transform_37(%arg0: i32, %arg1: i32) -> (i32, i32) {
    %c0_i32 = arith.constant 0 : i32
    %c0_i32_0 = arith.constant 0 : i32
    %c0_i32_1 = arith.constant 0 : i32
    return %c0_i32, %c0_i32_0 : i32, i32
  }
  func.func @transform_38(%arg0: i32, %arg1: i32) -> (i32, i32) {
    %c0_i32 = arith.constant 0 : i32
    %c0_i32_0 = arith.constant 0 : i32
    %c0_i32_1 = arith.constant 0 : i32
    return %c0_i32, %c0_i32_0 : i32, i32
  }
  func.func @transform_39(%arg0: i32, %arg1: i32) -> (i32, i32) {
    %c0_i32 = arith.constant 0 : i32
    %c0_i32_0 = arith.constant 0 : i32
    %c0_i32_1 = arith.constant 0 : i32
    return %c0_i32, %c0_i32_0 : i32, i32
  }
  func.func @transform_40(%arg0: i32, %arg1: i32) -> (i32, i32) {
    %c0_i32 = arith.constant 0 : i32
    %c0_i32_0 = arith.constant 0 : i32
    %c0_i32_1 = arith.constant 0 : i32
    return %c0_i32, %c0_i32_0 : i32, i32
  }
  func.func @transform_41(%arg0: i32, %arg1: i32) -> (i32, i32) {
    %c0_i32 = arith.constant 0 : i32
    %c0_i32_0 = arith.constant 0 : i32
    %c0_i32_1 = arith.constant 0 : i32
    return %c0_i32, %c0_i32_0 : i32, i32
  }
  func.func @transform_42(%arg0: i32, %arg1: i32) -> (i32, i32) {
    %c0_i32 = arith.constant 0 : i32
    %c0_i32_0 = arith.constant 0 : i32
    %c0_i32_1 = arith.constant 0 : i32
    return %c0_i32, %c0_i32_0 : i32, i32
  }
  func.func @transform_43(%arg0: i32, %arg1: i32) -> (i32, i32) {
    %c0_i32 = arith.constant 0 : i32
    %c0_i32_0 = arith.constant 0 : i32
    %c0_i32_1 = arith.constant 0 : i32
    return %c0_i32, %c0_i32_0 : i32, i32
  }
  func.func @transform_44(%arg0: i32, %arg1: i32) -> (i32, i32) {
    %c0_i32 = arith.constant 0 : i32
    %c0_i32_0 = arith.constant 0 : i32
    %c0_i32_1 = arith.constant 0 : i32
    return %c0_i32, %c0_i32_0 : i32, i32
  }
  func.func @transform_45(%arg0: i32, %arg1: i32) -> (i32, i32) {
    %c0_i32 = arith.constant 0 : i32
    %c0_i32_0 = arith.constant 0 : i32
    %c0_i32_1 = arith.constant 0 : i32
    return %c0_i32, %c0_i32_0 : i32, i32
  }
  func.func @transform_46(%arg0: i32, %arg1: i32) -> (i32, i32) {
    %c0_i32 = arith.constant 0 : i32
    %c0_i32_0 = arith.constant 0 : i32
    %c0_i32_1 = arith.constant 0 : i32
    return %c0_i32, %c0_i32_0 : i32, i32
  }
  func.func @transform_47(%arg0: i32, %arg1: i32) -> (i32, i32) {
    %c0_i32 = arith.constant 0 : i32
    %c0_i32_0 = arith.constant 0 : i32
    %c0_i32_1 = arith.constant 0 : i32
    return %c0_i32, %c0_i32_0 : i32, i32
  }
  func.func @transform_48(%arg0: i32, %arg1: i32) -> (i32, i32) {
    %c0_i32 = arith.constant 0 : i32
    %c0_i32_0 = arith.constant 0 : i32
    %c0_i32_1 = arith.constant 0 : i32
    return %c0_i32, %c0_i32_0 : i32, i32
  }
  func.func @transform_49(%arg0: i32, %arg1: i32) -> (i32, i32) {
    %c0_i32 = arith.constant 0 : i32
    %c0_i32_0 = arith.constant 0 : i32
    %c0_i32_1 = arith.constant 0 : i32
    return %c0_i32, %c0_i32_0 : i32, i32
  }
  func.func @transform_50(%arg0: i32, %arg1: i32) -> (i32, i32) {
    %c0_i32 = arith.constant 0 : i32
    %c0_i32_0 = arith.constant 0 : i32
    %c0_i32_1 = arith.constant 0 : i32
    return %c0_i32, %c0_i32_0 : i32, i32
  }
  func.func @transform_51(%arg0: i32, %arg1: i32) -> (i32, i32) {
    %c0_i32 = arith.constant 0 : i32
    %c0_i32_0 = arith.constant 0 : i32
    %c0_i32_1 = arith.constant 0 : i32
    return %c0_i32, %c0_i32_0 : i32, i32
  }
  func.func @transform_52(%arg0: i32, %arg1: i32) -> (i32, i32) {
    %c0_i32 = arith.constant 0 : i32
    %c0_i32_0 = arith.constant 0 : i32
    %c0_i32_1 = arith.constant 0 : i32
    return %c0_i32, %c0_i32_0 : i32, i32
  }
  func.func @transform_53(%arg0: i32, %arg1: i32) -> (i32, i32) {
    %c0_i32 = arith.constant 0 : i32
    %c0_i32_0 = arith.constant 0 : i32
    %c0_i32_1 = arith.constant 0 : i32
    return %c0_i32, %c0_i32_0 : i32, i32
  }
  func.func @transform_54(%arg0: i32, %arg1: i32) -> (i32, i32) {
    %c0_i32 = arith.constant 0 : i32
    %c0_i32_0 = arith.constant 0 : i32
    %c0_i32_1 = arith.constant 0 : i32
    return %c0_i32, %c0_i32_0 : i32, i32
  }
  func.func @transform_55(%arg0: i32, %arg1: i32) -> (i32, i32) {
    %c0_i32 = arith.constant 0 : i32
    %c0_i32_0 = arith.constant 0 : i32
    %c0_i32_1 = arith.constant 0 : i32
    return %c0_i32, %c0_i32_0 : i32, i32
  }
  func.func @transform_56(%arg0: i32, %arg1: i32) -> (i32, i32) {
    %c0_i32 = arith.constant 0 : i32
    %c0_i32_0 = arith.constant 0 : i32
    %c0_i32_1 = arith.constant 0 : i32
    return %c0_i32, %c0_i32_0 : i32, i32
  }
  func.func @transform_57(%arg0: i32, %arg1: i32) -> (i32, i32) {
    %c0_i32 = arith.constant 0 : i32
    %c0_i32_0 = arith.constant 0 : i32
    %c0_i32_1 = arith.constant 0 : i32
    return %c0_i32, %c0_i32_0 : i32, i32
  }
  func.func @transform_58(%arg0: i32, %arg1: i32) -> (i32, i32) {
    %c0_i32 = arith.constant 0 : i32
    %c0_i32_0 = arith.constant 0 : i32
    %c0_i32_1 = arith.constant 0 : i32
    return %c0_i32, %c0_i32_0 : i32, i32
  }
  func.func @transform_59(%arg0: i32, %arg1: i32) -> (i32, i32) {
    %c0_i32 = arith.constant 0 : i32
    %c0_i32_0 = arith.constant 0 : i32
    %c0_i32_1 = arith.constant 0 : i32
    return %c0_i32, %c0_i32_0 : i32, i32
  }
  func.func @transform_60(%arg0: i32, %arg1: i32) -> (i32, i32) {
    %c0_i32 = arith.constant 0 : i32
    %c0_i32_0 = arith.constant 0 : i32
    %c0_i32_1 = arith.constant 0 : i32
    return %c0_i32, %c0_i32_0 : i32, i32
  }
  func.func @transform_61(%arg0: i32, %arg1: i32) -> (i32, i32) {
    %c0_i32 = arith.constant 0 : i32
    %c0_i32_0 = arith.constant 0 : i32
    %c0_i32_1 = arith.constant 0 : i32
    return %c0_i32, %c0_i32_0 : i32, i32
  }
  func.func @transform_62(%arg0: i32, %arg1: i32) -> (i32, i32) {
    %mul3A = arith.constant 2 : i32
    %mul3A_0 = arith.muli %arg0, %mul3A : i32
    %add3A = arith.addi %mul3A_0, %arg1 : i32
    %c0_i32 = arith.constant 0 : i32
    %c0_i32_1 = arith.constant 0 : i32
    return %add3A, %c0_i32 : i32, i32
  }
  func.func @transform_63(%arg0: i32, %arg1: i32) -> (i32, i32) {
    %mul3A = arith.constant 2 : i32
    %mul3A_0 = arith.muli %arg0, %mul3A : i32
    %add3A = arith.addi %mul3A_0, %arg1 : i32
    %c0_i32 = arith.constant 0 : i32
    %c0_i32_1 = arith.constant 0 : i32
    return %add3A, %c0_i32 : i32, i32
  }
}

module attributes {stable_mosaic.version = 14 : i64} {
  func.func @_wout_body(%arg0: i32, %arg1: memref<3840x128xf32, #tpu.memory_space<vmem>>, %arg2: memref<3840x128xf32, #tpu.memory_space<vmem>>, %arg3: memref<128x400xf32, #tpu.memory_space<vmem>>, %arg4: memref<1x400xf32, #tpu.memory_space<vmem>>, %arg5: memref<3840x400xf32, #tpu.memory_space<vmem>>) attributes {dimension_semantics = [#tpu.dimension_semantics<arbitrary>], iteration_bounds = array<i64: 4>, scalar_prefetch = 0 : i64, scratch_operands = 0 : i64, tpu.core_type = #tpu.core_type<tc>, window_params = [{transform_indices = @transform_0, window_bounds = array<i64: 3840, 128>}, {transform_indices = @transform_1, window_bounds = array<i64: 3840, 128>}, {pipeline_mode = #tpu.pipeline_mode<synchronous>, transform_indices = @transform_2, window_bounds = array<i64: 128, 400>}, {pipeline_mode = #tpu.pipeline_mode<synchronous>, transform_indices = @transform_3, window_bounds = array<i64: 1, 400>}, {transform_indices = @transform_4, window_bounds = array<i64: 3840, 400>}]} {
    %get3A = arith.constant 0 : index
    %get3A_0 = arith.constant 0 : index
    %get3A_1 = vector.load %arg1[%get3A, %get3A_0] : memref<3840x128xf32, #tpu.memory_space<vmem>>, vector<3840x128xf32>
    %get3A_2 = arith.constant 0 : index
    %get3A_3 = arith.constant 0 : index
    %get3A_4 = vector.load %arg2[%get3A_2, %get3A_3] : memref<3840x128xf32, #tpu.memory_space<vmem>>, vector<3840x128xf32>
    %add3A = arith.addf %get3A_1, %get3A_4 : vector<3840x128xf32>
    %mul3A = arith.constant 5.000000e-01 : f32
    %mul3A_5 = vector.broadcast %mul3A : f32 to vector<3840x128xf32>
    %mul3A_6 = arith.mulf %add3A, %mul3A_5 : vector<3840x128xf32>
    %get3A_7 = arith.constant 0 : index
    %get3A_8 = arith.constant 0 : index
    %get3A_9 = vector.load %arg3[%get3A_7, %get3A_8] : memref<128x400xf32, #tpu.memory_space<vmem>>, vector<128x400xf32>
    %dot_general3A = arith.constant dense<0.000000e+00> : vector<3840x400xf32>
    %dot_general3A_10 = tpu.matmul %mul3A_6, %get3A_9, %dot_general3A {dimension_numbers = #tpu.dot_dimension_numbers<[1], [0], [0], [1], [0, 0, 1, 1], [], []>, transpose_lhs_hint = false} : vector<3840x128xf32>, vector<128x400xf32>, vector<3840x400xf32> -> vector<3840x400xf32>
    %get3A_11 = arith.constant 0 : index
    %get3A_12 = arith.constant 0 : index
    %get3A_13 = vector.load %arg4[%get3A_11, %get3A_12] : memref<1x400xf32, #tpu.memory_space<vmem>>, vector<1x400xf32>
    %add3A_14 = vector.broadcast %get3A_13 : vector<1x400xf32> to vector<3840x400xf32>
    %add3A_15 = arith.addf %dot_general3A_10, %add3A_14 : vector<3840x400xf32>
    %swap3A = arith.constant 0 : index
    %swap3A_16 = arith.constant 0 : index
    %swap3A_17 = vector.load %arg5[%swap3A, %swap3A_16] : memref<3840x400xf32, #tpu.memory_space<vmem>>, vector<3840x400xf32>
    tpu.vector_store %arg5[%swap3A, %swap3A_16], %add3A_15 {strides = array<i32>} : memref<3840x400xf32, #tpu.memory_space<vmem>>, vector<3840x400xf32>,
    return
  }
  func.func @transform_0(%arg0: i32) -> (i32, i32) {
    %c0_i32 = arith.constant 0 : i32
    %c0_i32_0 = arith.constant 0 : i32
    return %arg0, %c0_i32 : i32, i32
  }
  func.func @transform_1(%arg0: i32) -> (i32, i32) {
    %c0_i32 = arith.constant 0 : i32
    %c0_i32_0 = arith.constant 0 : i32
    return %arg0, %c0_i32 : i32, i32
  }
  func.func @transform_2(%arg0: i32) -> (i32, i32) {
    %c0_i32 = arith.constant 0 : i32
    %c0_i32_0 = arith.constant 0 : i32
    %c0_i32_1 = arith.constant 0 : i32
    return %c0_i32, %c0_i32_0 : i32, i32
  }
  func.func @transform_3(%arg0: i32) -> (i32, i32) {
    %c0_i32 = arith.constant 0 : i32
    %c0_i32_0 = arith.constant 0 : i32
    %c0_i32_1 = arith.constant 0 : i32
    return %c0_i32, %c0_i32_0 : i32, i32
  }
  func.func @transform_4(%arg0: i32) -> (i32, i32) {
    %c0_i32 = arith.constant 0 : i32
    %c0_i32_0 = arith.constant 0 : i32
    return %arg0, %c0_i32 : i32, i32
  }
}

</mosaic_0001>

<sc_bundles>
// kernel: kernel.6.cloned.1.call-start
scs
__scs_entry_jumppad:
0x0: {  	(pc) =	sbr.rel $0x88, $3  }
0x1: {  	(tag) =	ssettag $0x0;
	lr =	simm.s32 $0x1  }
0x2: {  	[smem:$0x3F68] =	sst lr;
	_ =	strace $0xD0000000  }
0x3: {  	_ = 	snop  }
0x4: {  	_ = 	snop  }
0x5: {  	_ = 	snop  }
0x6: {  	_ = 	snop  }
0x7: {  	_ = 	snop  }
__scs_overlays_trampoline_lowered:
0x8: {  	[smem:$0x3F77] =	sst s0  }
0x9: {  	[smem:$0x3F78] =	sst s1  }
0xa: {  	[smem:$0x3F79] =	sst s2  }
0xb: {  	[smem:$0x3F7A] =	sst s3  }
0xc: {  	[smem:$0x3F7B] =	sst s4  }
0xd: {  	[smem:$0x3F7C] =	sst s5  }
0xe: {  	[smem:$0x3F7D] =	sst s6  }
0xf: {  	[smem:$0x3F7E] =	sst s7  }
0x10: {  	[smem:$0x3F7F] =	sst s8  }
0x11: {  	[smem:$0x3F80] =	sst s9;
	s0 =	simm.s32 @!p0 $0x0  }
0x12: {  	s1 =	sld [smem:$0x3F66];
	s0 =	simm.s32 @p0 $0x1  }
0x13: {  	[smem:$0x3F81] =	sst s0;
	s0 =	simm.s32 @!p1 $0x0  }
0x14: {  	s2 =	sld [smem:$0x3F65];
	s0 =	simm.s32 @p1 $0x1  }
0x15: {  	[smem:$0x3F82] =	sst s0;
	s0 =	simm.s32 @!p2 $0x0  }
0x16: {  	s3 =	sld [smem:$0x3FDB];
	s0 =	simm.s32 @p2 $0x1  }
0x17: {  	s4 =	simm.s32 $0x1BF5;
	[smem:$0x3F84] =	sst s0  }
0x18: {  	s0 =	sld [smem:$0x3F67];
	_ =	swait.ge [sflag:s4], $0x0  }
0x19: {  	s7 =	sld [smem:$0x3F68]  }
0x1a: {  	s8 =	sadd.s32 $0xFFFFE003, lr  }
0x1b: {  	s9 =	sadd.s32 $0xFFFFFEF7, lr;
	s5 =	simm.s32 $0xFFFFFFFF;
	p2 =	slt.u32 s8, $0xFFFFF086  }
0x1c: {  	p1 =	slt.u32 s9, $0xF7A;
	s5 =	simm.s32 @!p2 $0x0  }
0x1d: {  	s5 =	simm.s32 @p1 $0x1;
	p0 =	seq.s32 s7, s2  }
0x1e: {  	s7 =	smul.u32 @!p0 $0xF7A, s2;
	p2 =	seq.s32 @!p0 s5, $0x0  }
0x1f: {  	s9 =	smul.u32 $0xF7A, s1;
	s8 =	simm.s32 @!p0 $0x1BF5;
	p2 =	por !p2, p0  }
0x20: {  	[sflag:s8] =	ssyncset.s32 @!p0 $0xFFFFF086;
	s6 =	sadd.s32 @!p0 s3, s7;
	s7 =	simm.s32 @!p0 $0x108  }
0x21: {  	s3 =	sadd.s32 s3, s9;
	s6 =	sadd.s32 @!p0 $0x88, s6;
	s7 =	simm.s32 @p2 $0x1082  }
0x22: {  	[simem:s7], [sflag:s8] =	dma.local @!p0 [hbm:s6], $0xF7A  }
0x23: {  	s9 =	sor.u32 $0xD0000000, s2;
	s6 =	simm.s32 $0x108;
	_ =	swait.ge @!p0 [sflag:s8], $0x0  }
0x24: {  	s3 =	sadd.s32 $0x88, s3;
	s6 =	simm.s32 @!p1 $0x1082;
	[sflag:s4] =	ssyncset.s32 $0xFFFFF086  }
0x25: {  	[simem:s6], [sflag:s4] =	dma.local [hbm:s3], $0xF7A  }
0x26: {  	[smem:$0x3F68] =	sst s1;
	(tag) =	ssettag s2;
	_ =	strace s9  }
0x27: {  	s1 =	sld [smem:$0x3F78]  }
0x28: {  	s2 =	sld [smem:$0x3F79]  }
0x29: {  	s4 =	sld [smem:$0x3F7B]  }
0x2a: {  	p0 =	seq.s32 s5, $0x0;
	s5 =	sld [smem:$0x3F7C]  }
0x2b: {  	s6 =	sld [smem:$0x3F7D]  }
0x2c: {  	s7 =	sld [smem:$0x3F7E]  }
0x2d: {  	s3 =	simm.s32 $0x108;
	s8 =	sld [smem:$0x3F7F]  }
0x2e: {  	s3 =	simm.s32 @!p0 $0x1082;
	s9 =	sld [smem:$0x3F80]  }
0x2f: {  	lr =	sadd.s32 s0, s3;
	s0 =	sld [smem:$0x3F77]  }
0x30: {  	s3 =	sld [smem:$0x3F7A]  }
0x31: {  	[smem:$0x3F83] =	sst s10  }
0x32: {  	s10 =	sld [smem:$0x3F81];
	_ =	sdelay $0x3  }
0x33: {  	p0 =	seq.s32 s10, $0x1;
	s10 =	sld [smem:$0x3F83];
	_ =	sdelay $0x3  }
0x34: {  	[smem:$0x3F83] =	sst s10  }
0x35: {  	s10 =	sld [smem:$0x3F82];
	_ =	sdelay $0x3  }
0x36: {  	p1 =	seq.s32 s10, $0x1;
	s10 =	sld [smem:$0x3F83];
	_ =	sdelay $0x3  }
0x37: {  	[smem:$0x3F83] =	sst s10  }
0x38: {  	s10 =	sld [smem:$0x3F84]  }
0x39: {  	_ = 	snop;
	(pc) =	sbr.ind lr, $3  }
0x3a: {  	_ = 	snop  }
0x3b: {  	_ = 	snop  }
0x3c: {  	p2 =	seq.s32 s10, $0x1;
	s10 =	sld [smem:$0x3F83]  }
0x3d: {  	_ =	shalt  }
0x3e: {  	_ =	shalt  }
0x3f: {  	_ =	shalt  }
0x40: {  	_ =	shalt  }
0x41: {  	_ =	shalt  }
0x42: {  	_ =	shalt  }
0x43: {  	_ =	shalt  }
0x44: {  	_ =	shalt  }
0x45: {  	_ =	shalt  }
0x46: {  	_ =	shalt  }
0x47: {  	_ =	shalt  }
0x48: {  	_ =	shalt  }
0x49: {  	_ =	shalt  }
0x4a: {  	_ =	shalt  }
0x4b: {  	_ =	shalt  }
0x4c: {  	_ =	shalt  }
0x4d: {  	_ =	shalt  }
0x4e: {  	_ =	shalt  }
0x4f: {  	_ =	shalt  }
0x50: {  	_ =	shalt  }
0x51: {  	_ =	shalt  }
0x52: {  	_ =	shalt  }
0x53: {  	_ =	shalt  }
0x54: {  	_ =	shalt  }
0x55: {  	_ =	shalt  }
0x56: {  	_ =	shalt  }
0x57: {  	_ =	shalt  }
0x58: {  	_ =	shalt  }
0x59: {  	_ =	shalt  }
0x5a: {  	_ =	shalt  }
0x5b: {  	_ =	shalt  }
0x5c: {  	_ =	shalt  }
0x5d: {  	_ =	shalt  }
0x5e: {  	_ =	shalt  }
0x5f: {  	_ =	shalt  }
0x60: {  	_ =	shalt  }
0x61: {  	_ =	shalt  }
0x62: {  	_ =	shalt  }
0x63: {  	_ =	shalt  }
0x64: {  	_ =	shalt  }
0x65: {  	_ =	shalt  }
0x66: {  	_ =	shalt  }
0x67: {  	_ =	shalt  }
0x68: {  	_ =	shalt  }
0x69: {  	_ =	shalt  }
0x6a: {  	_ =	shalt  }
0x6b: {  	_ =	shalt  }
0x6c: {  	_ =	shalt  }
0x6d: {  	_ =	shalt  }
0x6e: {  	_ =	shalt  }
0x6f: {  	_ =	shalt  }
0x70: {  	_ =	shalt  }
0x71: {  	_ =	shalt  }
0x72: {  	_ =	shalt  }
0x73: {  	_ =	shalt  }
0x74: {  	_ =	shalt  }
0x75: {  	_ =	shalt  }
0x76: {  	_ =	shalt  }
0x77: {  	_ =	shalt  }
0x78: {  	_ =	shalt  }
0x79: {  	_ =	shalt  }
0x7a: {  	_ =	shalt  }
0x7b: {  	_ =	shalt  }
0x7c: {  	_ =	shalt  }
0x7d: {  	_ =	shalt  }
0x7e: {  	_ =	shalt  }
0x7f: {  	_ =	shalt  }
0x80: {  	_ =	shalt  }
0x81: {  	_ =	shalt  }
0x82: {  	_ =	shalt  }
0x83: {  	_ =	shalt  }
0x84: {  	_ =	shalt  }
0x85: {  	_ =	shalt  }
0x86: {  	_ =	shalt  }
0x87: {  	_ =	shalt  }
.Lfunc_end0:
.L_simem_size_0:
called_computation_lowered:
.L_overlay_start_0:
0x88: {  	s2 =	sld [smem:$0x3FD9]  }
0x89: {  	s3 =	sld [smem:$0x3FFE];
	_ =	sdelay $0x1  }
0x8a: {  	s1 =	srdreg.scid  }
0x8b: {  	s0 =	sand.u32 $0x1, s1  }
0x8c: {  	s14 =	sshll.u32 s0, $0xA;
	s2 =	sadd.s32 s3, s2  }
0x8d: {  	s2 =	sadd.s32 s2, s14  }
0x8e: {  	[smem:$0x3F8F] =	sst s2  }
0x8f: {  	_ = 	snop  }
0x90: {  	s2 =	sld [smem:$0x3FD0];
	_ =	sdelay $0x2  }
0x91: {  	s15 =	simm.s32 $0xA;
	s4 =	simm.s32 $0x10  }
0x92: {  	[smem:s4], [sflag:s15] =	dma.local [hbm:s2], $0x1  }
0x93: {  	_ =	swait.eq [sflag:s15], $0x1  }
0x94: {  	[sflag:s15] =	ssyncset.done $0x0  }
0x95: {  	[sflag:s15] =	ssyncadd.s32 $0xFFFFFFFF  }
0x96: {  	s16 =	sld [smem:$0x10];
	(tm) =	ssettm $0x1  }
0x97: {  	s17 =	sld [smem:$0x3FFB];
	_ =	sdelay $0x3  }
0x98: {  	_ =	strace s17  }
0x99: {  	s3 =	sld [smem:$0x3FFC];
	_ =	sdelay $0x3  }
0x9a: {  	_ =	strace s3  }
0x9b: {  	s3 =	sld [smem:$0x3FFD];
	_ =	sdelay $0x3  }
0x9c: {  	_ =	strace s3  }
0x9d: {  	_ =	strace $0x8FFFFFFF  }
0x9e: {  	s18 =	sld [smem:$0x3FDB];
	_ =	sdelay $0x1  }
0x9f: {  	s19 =	simm.s32 $_scs_section_size  }
0xa0: {  	s5 =	simm.s32 $_size__tile_overlayer_lowered;
	s6 =	simm.s32 $_tile_overlayer_lowered  }
0xa1: {  	s22 =	simm.s32 $0x1BFF;
	s21 =	sshll.u32 s6, $0x1;
	s3 =	sadd.s32 s19, s18  }
0xa2: {  	s7 =	simm.s32 $0x0;
	s20 =	sshll.u32 s5, $0x1;
	s5 =	sadd.s32 s21, s3  }
0xa3: {  	[timem:s7], [sflag:s22] =	dma.local [hbm:s5], s20  }
0xa4: {  	_ =	swait.ge [sflag:s22], s20  }
0xa5: {  	s4 =	ssub.s32 $0x0, s20;
	[sflag:s22] =	ssyncset.done $0x0  }
0xa6: {  	[sflag:s22] =	ssyncadd.s32 s4;
	_ =	sdelay $0x1  }
0xa7: {  	s23 =	simm.s32 $0x1B8B  }
0xa8: {  	_ =	swait.ge [sflag:s23], $0x1  }
0xa9: {  	[sflag:s23] =	ssyncset.done $0x0  }
0xaa: {  	s25 =	simm.s32 $0x1B8E;
	s24 =	sld [smem:$0x3FFE];
	[sflag:s23] =	ssyncadd.s32 $0xFFFFFFFF  }
0xab: {  	s26 =	simm.s32 $execute0_lowered;
	[smem:$0x3FD2] =	sst s25  }
0xac: {  	s5 =	sshll.u32 s26, $0x1;
	_ =	strace $0x80000046;
	[dreg:$0x1] =	wrdreg $0xFFFFFFFF  }
0xad: {  	s28 =	simm.s32 $_size_execute0_lowered;
	s3 =	sadd.s32 s3, s5;
	[dreg:$0x0] =	wrdreg $0x0  }
0xae: {  	s5 =	sshll.u32 s28, $0x1;
	[dreg:$0x2] =	wrdreg s3  }
0xaf: {  	[dreg:$0x3] =	wrdreg s5  }
0xb0: {  	[dreg:$0x4] =	wrdreg $0xC0  }
0xb1: {  	_ =	task [dreg:s7], $0x5FFFF  }
0xb2: {  	[dreg:$0x1] =	wrdreg $0xFFFFFFFF  }
0xb3: {  	[dreg:$0x0] =	wrdreg $0x60  }
0xb4: {  	[dreg:$0x2] =	wrdreg s16  }
0xb5: {  	[dreg:$0x3] =	wrdreg s24  }
0xb6: {  	[dreg:$0x4] =	wrdreg $0x9  }
0xb7: {  	_ =	task.clear_ibuf [dreg:s7], $0x5FFFF;
	_ =	strace $0x90000046  }
0xb8: {  	s29 =	simm.s32 $0x9;
	_ =	strace $0x80000048  }
0xb9: {  	_ =	swait.ge [sflag:s29], $0x1  }
0xba: {  	[sflag:s29] =	ssyncadd.s32 $0xFFFFFFFF  }
0xbb: {  	_ =	strace $0x90000048  }
0xbc: {  	_ =	sfence  }
0xbd: {  	s30 =	sld [smem:$0x0];
	_ =	sdelay $0x2  }
0xbe: {  	s31 =	sshll.u32 s1, $0xD;
	s1 =	sshrl.u32 s1, $0x2  }
0xbf: {  	s3 =	sand.u32 $0x4000, s31;
	s1 =	sadd.s32 s1, s30  }
0xc0: {  	s0 =	sor.u32 s3, s0;
	s1 =	sshll.u32 s1, $0x11  }
0xc1: {  	s0 =	sor.u32 s1, s0  }
0xc2: {  	s0 =	sadd.s32 $0x8F2B, s0  }
0xc3: {  	[sflag:s0] =	ssyncadd.remote.s32 $0x1  }
0xc4: {  	_ =	sfence.sel $0xFFFF  }
0xc5: {  	[dreg:$0x0] =	wrdreg $0xFFFFFFFF;
	(pc) =	sbr.abs _section_cstart, $3  }
0xc6: {  	[dreg:$0x1] =	wrdreg $0xFFFFFFFF  }
0xc7: {  	_ =	task.clear_ibuf [dreg:s7], $0x2FFFF;
	_ =	strace $0x9FFFFFFF  }
0xc8: {  	(tm) =	ssettm $0x7FFFFFFF  }
0xc9: {  	_ =	shalt  }
tec
execute0_lowered:
.L_overlay_start_1:
0x0: {  	(tag) =	ssettag $0x1  }
0x1: {  	s1 =	srdreg.scid;
	s0 =	stileid.u32  }
0x2: {  	s2 =	rddreg [dreg:$0x0];
	s14 =	sand.u32 $0x1, s1;
	s30 =	sshll.u32 s0, $0x1  }
0x3: {  	s9 =	rddreg [dreg:$0x1];
	s10 =	sor.u32 s14, s30  }
0x4: {  	s3 =	simm.s32 $0x0;
	s1 =	rddreg [dreg:$0x2];
	s4 =	sshll.u32 s10, $0x6  }
0x5: {  	[smem:$0x7FF] =	sst s3;
	s4 =	sadd.s32 s4, s9  }
0x6: {  	_ =	strace $0x80000047;
	s5 =	sadd.s32 $0x5C00, s4;
	s4 =	simm.s32 $0x2  }
0x7: {  	[tilespmem:s3], [sflag:$0x2] =	stream.linear.gather [hbm4b:s5+s3], $0x200, $0x38;
	[tilespmem:$0x3E00] =	vst v63  }
0x8: {  	_ =	swait.ge [sflag:s4], $0x200  }
0x9: {  	s6 =	simm.s32 $0x78;
	[sflag:s4] =	ssyncset.done $0x0  }
0xa: {  	s7 =	simm.s32 $0x200;
	s8 =	simm.s32 $0x1;
	[sflag:s4] =	ssyncadd.s32 $0xFFFFFE00  }
0xb: {  	[tilespmem:s7], [sflag:$0x1] =	stream.indirect.gather [hbm4b:s2+s6], $0x80, s3, s6, $0xb8;
	[tilespmem:$0x3E00] =	vst v63  }
0xc: {  	s11 =	smul.u32 $0x1E00, s10;
	_ =	swait.ge [sflag:s8], $0x3C00  }
0xd: {  	s12 =	sadd.s32 $0x6400, s9;
	[sflag:s8] =	ssyncset.done $0x0  }
0xe: {  	s9 =	sadd.s32 s12, s11;
	[sflag:s8] =	ssyncadd.s32 $0xFFFFC400  }
0xf: {  	[hbm4b:s9+s3] =	stream.linear.scatter [tilespmem:s7], [sflag:$0x2], $0x3C00, $0x38;
	[tilespmem:$0x3E00] =	vst v63  }
0x10: {  	_ =	swait.ge [sflag:s4], $0x3C00  }
0x11: {  	[sflag:s4] =	ssyncset.done $0x0  }
0x12: {  	s31 =	smul.u32 $0xF000, s10;
	s10 =	simm.s32 $0x80;
	[sflag:s4] =	ssyncadd.s32 $0xFFFFC400  }
0x13: {  	[tilespmem:s7], [sflag:$0x1] =	stream.indirect.gather [hbm4b:s2+s6], $0x80, s10, s6, $0xb8;
	[tilespmem:$0x3E00] =	vst v63  }
0x14: {  	s11 =	sshrl.u32 s31, $0x3;
	_ =	swait.ge [sflag:s8], $0x3C00  }
0x15: {  	s15 =	sadd.s32 s12, s11;
	[sflag:s8] =	ssyncset.done $0x0  }
0x16: {  	s11 =	sadd.s32 $0x780, s15;
	[sflag:s8] =	ssyncadd.s32 $0xFFFFC400  }
0x17: {  	[hbm4b:s11+s3] =	stream.linear.scatter [tilespmem:s7], [sflag:$0x2], $0x3C00, $0x38;
	[tilespmem:$0x3E00] =	vst v63  }
0x18: {  	_ =	swait.ge [sflag:s4], $0x3C00  }
0x19: {  	[sflag:s4] =	ssyncset.done $0x0  }
0x1a: {  	s12 =	simm.s32 $0x100;
	[sflag:s4] =	ssyncadd.s32 $0xFFFFC400  }
0x1b: {  	[tilespmem:s7], [sflag:$0x1] =	stream.indirect.gather [hbm4b:s2+s6], $0x80, s12, s6, $0xb8;
	[tilespmem:$0x3E00] =	vst v63  }
0x1c: {  	_ =	swait.ge [sflag:s8], $0x3C00  }
0x1d: {  	[sflag:s8] =	ssyncset.done $0x0  }
0x1e: {  	s16 =	ssub.s32 $0x2, s14;
	s13 =	sadd.s32 $0xF00, s15;
	[sflag:s8] =	ssyncadd.s32 $0xFFFFC400  }
0x1f: {  	[hbm4b:s13+s3] =	stream.linear.scatter [tilespmem:s7], [sflag:$0x2], $0x3C00, $0x38;
	[tilespmem:$0x3E00] =	vst v63  }
0x20: {  	s17 =	sshrl.u32 s16, $0x1;
	_ =	swait.ge [sflag:s4], $0x3C00  }
0x21: {  	s16 =	ssub.s32 s16, s17;
	[sflag:s4] =	ssyncset.done $0x0  }
0x22: {  	s14 =	simm.s32 $0x180;
	s16 =	smax.u32 s16, $0x1;
	[sflag:s4] =	ssyncadd.s32 $0xFFFFC400  }
0x23: {  	[tilespmem:s7], [sflag:$0x1] =	stream.indirect.gather [hbm4b:s2+s6], $0x80, s14, s6, $0xb8;
	[tilespmem:$0x3E00] =	vst v63  }
0x24: {  	p0 =	sne.s32 s16, $0x1;
	_ =	swait.ge [sflag:s8], $0x3C00  }
.Ltmp0:
0x25: {  	[sflag:s8] =	ssyncset.done $0x0;
	(pc) =	sbr.rel @!p0 .LBB2_2-.Ltmp0, $4  }
0x26: {  	s15 =	sadd.s32 $0x1680, s15;
	[sflag:s8] =	ssyncadd.s32 $0xFFFFC400  }
0x27: {  	[hbm4b:s15+s3] =	stream.linear.scatter [tilespmem:s7], [sflag:$0x2], $0x3C00, $0x38;
	[tilespmem:$0x3E00] =	vst v63  }
0x28: {  	_ =	swait.ge [sflag:s4], $0x3C00  }
0x29: {  	s16 =	sadd.s32 $0xFFFFFFFF, s16;
	[sflag:s4] =	ssyncset.done $0x0  }
.LBB2_1:
0x2a: {  	p0 =	sne.s32 s16, $0x1;
	s16 =	sadd.s32 $0xFFFFFFFF, s16;
	[sflag:s4] =	ssyncadd.s32 $0xFFFFC400  }
0x2b: {  	[tilespmem:s3], [sflag:$0x2] =	stream.linear.gather [hbm4b:s5+s3], $0x200, $0x38;
	[tilespmem:$0x3E00] =	vst v63  }
0x2c: {  	_ =	swait.ge [sflag:s4], $0x200  }
0x2d: {  	[sflag:s4] =	ssyncset.done $0x0  }
0x2e: {  	[sflag:s4] =	ssyncadd.s32 $0xFFFFFE00  }
0x2f: {  	[tilespmem:s7], [sflag:$0x1] =	stream.indirect.gather [hbm4b:s2+s6], $0x80, s3, s6, $0xb8;
	[tilespmem:$0x3E00] =	vst v63  }
0x30: {  	_ =	swait.ge [sflag:s8], $0x3C00  }
0x31: {  	[sflag:s8] =	ssyncset.done $0x0  }
0x32: {  	[sflag:s8] =	ssyncadd.s32 $0xFFFFC400  }
0x33: {  	[hbm4b:s9+s3] =	stream.linear.scatter [tilespmem:s7], [sflag:$0x2], $0x3C00, $0x38;
	[tilespmem:$0x3E00] =	vst v63  }
0x34: {  	_ =	swait.ge [sflag:s4], $0x3C00  }
0x35: {  	[sflag:s4] =	ssyncset.done $0x0  }
0x36: {  	[sflag:s4] =	ssyncadd.s32 $0xFFFFC400  }
0x37: {  	[tilespmem:s7], [sflag:$0x1] =	stream.indirect.gather [hbm4b:s2+s6], $0x80, s10, s6, $0xb8;
	[tilespmem:$0x3E00] =	vst v63  }
0x38: {  	_ =	swait.ge [sflag:s8], $0x3C00  }
0x39: {  	[sflag:s8] =	ssyncset.done $0x0  }
0x3a: {  	[sflag:s8] =	ssyncadd.s32 $0xFFFFC400  }
0x3b: {  	[hbm4b:s11+s3] =	stream.linear.scatter [tilespmem:s7], [sflag:$0x2], $0x3C00, $0x38;
	[tilespmem:$0x3E00] =	vst v63  }
0x3c: {  	_ =	swait.ge [sflag:s4], $0x3C00  }
0x3d: {  	[sflag:s4] =	ssyncset.done $0x0  }
0x3e: {  	[sflag:s4] =	ssyncadd.s32 $0xFFFFC400  }
0x3f: {  	[tilespmem:s7], [sflag:$0x1] =	stream.indirect.gather [hbm4b:s2+s6], $0x80, s12, s6, $0xb8;
	[tilespmem:$0x3E00] =	vst v63  }
0x40: {  	_ =	swait.ge [sflag:s8], $0x3C00  }
0x41: {  	[sflag:s8] =	ssyncset.done $0x0  }
0x42: {  	[sflag:s8] =	ssyncadd.s32 $0xFFFFC400  }
0x43: {  	[hbm4b:s13+s3] =	stream.linear.scatter [tilespmem:s7], [sflag:$0x2], $0x3C00, $0x38;
	[tilespmem:$0x3E00] =	vst v63  }
0x44: {  	_ =	swait.ge [sflag:s4], $0x3C00  }
0x45: {  	[sflag:s4] =	ssyncset.done $0x0  }
0x46: {  	[sflag:s4] =	ssyncadd.s32 $0xFFFFC400  }
0x47: {  	[tilespmem:s7], [sflag:$0x1] =	stream.indirect.gather [hbm4b:s2+s6], $0x80, s14, s6, $0xb8;
	[tilespmem:$0x3E00] =	vst v63  }
0x48: {  	_ =	swait.ge [sflag:s8], $0x3C00  }
.Ltmp1:
0x49: {  	[sflag:s8] =	ssyncset.done $0x0;
	(pc) =	sbr.rel @p0 .LBB2_1-.Ltmp1, $4  }
0x4a: {  	[sflag:s8] =	ssyncadd.s32 $0xFFFFC400  }
0x4b: {  	[hbm4b:s15+s3] =	stream.linear.scatter [tilespmem:s7], [sflag:$0x2], $0x3C00, $0x38;
	[tilespmem:$0x3E00] =	vst v63  }
0x4c: {  	_ =	swait.ge [sflag:s4], $0x3C00  }
0x4d: {  	[sflag:s4] =	ssyncset.done $0x0  }
.LBB2_2:
0x4e: {  	[sflag:s4] =	ssyncadd.s32 $0xFFFFC400  }
0x4f: {  	_ =	sfence.sel $0x180000  }
0x50: {  	[bflag:$0x0] =	sbarrier.arrive $0xFFFF  }
0x51: {  	p0 =	sne.s32 s0, $0x0;
	_ =	strace $0x90000047  }
0x52: {  	s0 =	sadd.s32 @!p0 $0x100000, s1;
	[bflag:$0x2] =	sbarrier.arrive $0xFFFF  }
0x53: {  	[sflag:s0] =	ssyncadd.tile.s32 @!p0 $0x1;
	_ =	shalt  }
.Lfunc_end2:
_tile_overlayer_lowered:
.L_overlay_start_2:
0x54: {  	(tag) =	ssettag $0x2  }
0x55: {  	s0 =	rddreg [dreg:$0x0];
	s2 =	stileid.u32  }
0x56: {  	s1 =	rddreg [dreg:$0x1];
	p0 =	sne.s32 s2, $0x0  }
0x57: {  	s3 =	rddreg [dreg:$0x2];
	[bflag:$0x3] =	sbarrier.arrive $0xFFFF;
	s2 =	simm.s32 @!p0 $0x1C02  }
0x58: {  	[timem:s3], [sflag:s2] =	dma.local @!p0 [hbm:s0], s1  }
0x59: {  	s0 =	simm.s32 @!p0 $0x2  }
0x5a: {  	_ =	swait.ge @!p0 [sflag:s0], s1  }
0x5b: {  	s1 =	ssub.s32 @!p0 $0x0, s1;
	[sflag:s0] =	ssyncset.done @!p0 $0x0  }
0x5c: {  	[sflag:s0] =	ssyncadd.s32 @!p0 s1  }
0x5d: {  	[bflag:$0x3] =	sbarrier.arrive $0xFFFF  }
0x5e: {  	_ =	shalt  }

</sc_bundles>
